<compile_context>
chip_gen: v7x
topology: tpu7x:2x2x1
jax: 0.10.2.dev20260603
libtpu: 0.0.44.dev20260713+nightly
codegen_flags: <defaults>
</compile_context>

<pallas_src>
import functools

import jax
import jax.numpy as jnp
from jax import lax
from jax.experimental import pallas as pl
from jax.experimental.pallas import tpu as pltpu
from jax.experimental.pallas import tpu_sc as plsc

_BATCH = 1024
_SEQ = 200
_EMBED = 64

_NC = 2
_NS = 16
_NW = _NC * _NS

_NBLK = _SEQ * (_BATCH // 128)
_BLK_PER_W = _NBLK // _NW
_NB = 3
_LOOK = 2
_N_MAIN = 48


def _gather_kernel(tbl_hbm, idx_hbm, out_hbm, idx_v, w_v, rows_v, outb_v,
                   isem, gsem, osem):
    wid = lax.axis_index("s") * _NC + lax.axis_index("c")
    c0 = wid * _BLK_PER_W
    iota16 = lax.iota(jnp.int32, 16)

    def blk_pos(j):
        c = c0 + j
        return c // 8, lax.rem(c, 8)

    for j in range(_BLK_PER_W):
        s, tb = blk_pos(j)
        pltpu.make_async_copy(
            idx_hbm.at[s, pl.ds(tb * 128, 128)], idx_v.at[j], isem
        ).start()
    for j in range(_BLK_PER_W):
        s, tb = blk_pos(j)
        pltpu.make_async_copy(
            idx_hbm.at[s, pl.ds(tb * 128, 128)], idx_v.at[j], isem
        ).wait()

    def prep_gather(j, slot):
        for g in range(8):
            v = idx_v[j, pl.ds(g * 16, 16)]
            w_v[slot, pl.ds(g * 16, 16)] = lax.shift_right_logical(v, 1)
        pltpu.make_async_copy(
            tbl_hbm.at[w_v.at[slot]], rows_v.at[slot], gsem.at[slot]
        ).start()

    def wait_gather(slot):
        pltpu.make_async_copy(
            tbl_hbm.at[w_v.at[slot]], rows_v.at[slot], gsem.at[slot]
        ).wait()

    def fire_out(j, slot):
        s, tb = blk_pos(j)
        pltpu.make_async_copy(
            outb_v.at[slot], out_hbm.at[s, :, pl.ds(tb * 128, 128)],
            osem.at[slot],
        ).start()

    def wait_out(j, slot):
        s, tb = blk_pos(j)
        pltpu.make_async_copy(
            outb_v.at[slot], out_hbm.at[s, :, pl.ds(tb * 128, 128)],
            osem.at[slot],
        ).wait()

    lane_vecs = [iota16 + g * 16 for g in range(8)]

    def transpose_block(j, slot):
        bases = []
        for g in range(8):
            v = idx_v[j, pl.ds(g * 16, 16)]
            bases.append(lax.shift_left(lax.bitwise_and(v, 1), 6))

        def gath(e0):
            e_vec = lax.bitwise_and(e0 + iota16, 63)
            vals = tuple(
                plsc.load_gather(
                    rows_v.at[slot], [lane_vecs[g], bases[g] + e_vec]
                )
                for g in range(8)
            )
            return vals, e_vec

        def ebody(e0, carry):
            prev_vals, prev_e = carry
            for g in range(8):
                plsc.store_scatter(
                    outb_v.at[slot], [prev_e, lane_vecs[g]], prev_vals[g]
                )
            return gath(lax.bitwise_and(e0, _EMBED - 1))

        lax.fori_loop(1, _EMBED + 1, ebody, gath(0), unroll=4)
        pl.delay(100)

    for k in range(_LOOK):
        prep_gather(k, k)

    def body(gidx, carry):
        for b in range(_NB):
            j = gidx * _NB + b
            wait_gather(b)

            @pl.when(j >= _NB)
            def _():
                wait_out(j - _NB, b)

            transpose_block(j, b)
            fire_out(j, b)

            @pl.when(j + _LOOK < _BLK_PER_W)
            def _():
                prep_gather(j + _LOOK, (b + _LOOK) % _NB)

        return carry

    lax.fori_loop(0, _N_MAIN // _NB, body, 0)

    for j in (48, 49):
        slot = j % _NB
        wait_gather(slot)
        wait_out(j - _NB, slot)
        transpose_block(j, slot)
        fire_out(j, slot)

    for j in (47, 48, 49):
        wait_out(j, j % _NB)


_NTC = 7813
_TC_PER_W = 245


def _transpose_kernel(tbl_hbm, tail_hbm, out_hbm, stg_v, tout_v, isem, osem):
    wid = lax.axis_index("s") * _NC + lax.axis_index("c")
    iota16 = lax.iota(jnp.int32, 16)

    def col_of(k):
        return wid + k * _NW

    def fire_in(k, slot):
        c = col_of(k)

        @pl.when(c < _NTC - 1)
        def _():
            pltpu.make_async_copy(
                tbl_hbm.at[:, pl.ds(c * 128, 128)], stg_v.at[slot],
                isem.at[slot],
            ).start()

        @pl.when(c == _NTC - 1)
        def _():
            pltpu.make_async_copy(
                tail_hbm, stg_v.at[slot], isem.at[slot]
            ).start()

    def wait_in(k, slot):
        c = col_of(k)

        @pl.when(c < _NTC - 1)
        def _():
            pltpu.make_async_copy(
                tbl_hbm.at[:, pl.ds(c * 128, 128)], stg_v.at[slot],
                isem.at[slot],
            ).wait()

        @pl.when(c == _NTC - 1)
        def _():
            pltpu.make_async_copy(
                tail_hbm, stg_v.at[slot], isem.at[slot]
            ).wait()

    lane_vecs = [iota16 + 16 * g for g in range(8)]

    def transpose_col(k, slot):
        def gath(w0):
            wr_vec = lax.bitwise_and(w0 + iota16, 63)
            col2 = wr_vec + wr_vec
            cols = [col2, col2 + 1]
            vals = tuple(
                plsc.load_gather(
                    stg_v.at[slot], [lane_vecs[g % 4], cols[g // 4]]
                )
                for g in range(8)
            )
            return vals, wr_vec

        def wbody(w0, carry):
            prev_vals, prev_wr = carry
            for g in range(8):
                plsc.store_scatter(
                    tout_v.at[slot], [prev_wr, lane_vecs[g]], prev_vals[g]
                )
            return gath(lax.bitwise_and(w0, _EMBED - 1))

        lax.fori_loop(1, _EMBED + 1, wbody, gath(0), unroll=4)
        pl.delay(100)

    def fire_out(k, slot):
        c = col_of(k)

        @pl.when(c < _NTC - 1)
        def _():
            pltpu.make_async_copy(
                tout_v.at[slot], out_hbm.at[pl.ds(c * 64, 64)], osem.at[slot]
            ).start()

        @pl.when(c == _NTC - 1)
        def _():
            pltpu.make_async_copy(
                tout_v.at[slot, pl.ds(0, 32)],
                out_hbm.at[pl.ds(c * 64, 32)], osem.at[slot],
            ).start()

    def wait_out(k, slot):
        c = col_of(k)

        @pl.when(c < _NTC - 1)
        def _():
            pltpu.make_async_copy(
                tout_v.at[slot], out_hbm.at[pl.ds(c * 64, 64)], osem.at[slot]
            ).wait()

        @pl.when(c == _NTC - 1)
        def _():
            pltpu.make_async_copy(
                tout_v.at[slot, pl.ds(0, 32)],
                out_hbm.at[pl.ds(c * 64, 32)], osem.at[slot],
            ).wait()

    def valid(k):
        return col_of(k) < _NTC

    def step(k, slot):
        @pl.when(valid(k))
        def _():
            wait_in(k, slot)

        @pl.when(valid(k + 1))
        def _():
            fire_in(k + 1, slot ^ 1)

        @pl.when(valid(k))
        def _():
            @pl.when(k >= 2)
            def _():
                wait_out(k - 2, slot)

            transpose_col(k, slot)
            fire_out(k, slot)

    @pl.when(valid(0))
    def _():
        fire_in(0, 0)

    def body(m, carry):
        step(2 * m, 0)
        step(2 * m + 1, 1)
        return carry

    lax.fori_loop(0, (_TC_PER_W - 1) // 2, body, 0)
    step(jnp.int32(_TC_PER_W - 1), (_TC_PER_W - 1) % 2)

    for k in (_TC_PER_W - 2, _TC_PER_W - 1):
        @pl.when(valid(k))
        def _():
            wait_out(k, k % 2)


@jax.jit
def _transpose(tbl_t, tail_t):
    mesh = plsc.VectorSubcoreMesh(core_axis_name="c", subcore_axis_name="s")
    run = functools.partial(
        pl.kernel,
        mesh=mesh,
        out_type=jax.ShapeDtypeStruct((500000, 128), jnp.float32),
        scratch_types=[
            pltpu.VMEM((2, _EMBED, 128), jnp.float32),
            pltpu.VMEM((2, _EMBED, 128), jnp.float32),
            pltpu.SemaphoreType.DMA((2,)),
            pltpu.SemaphoreType.DMA((2,)),
        ],
        compiler_params=pltpu.CompilerParams(
            use_tc_tiling_on_sc=True, needs_layout_passes=False
        ),
    )(_transpose_kernel)
    return run(tbl_t, tail_t)


@jax.jit
def _gather(tbl2, idx_t):
    mesh = plsc.VectorSubcoreMesh(core_axis_name="c", subcore_axis_name="s")
    run = functools.partial(
        pl.kernel,
        mesh=mesh,
        out_type=jax.ShapeDtypeStruct((_SEQ, _EMBED, _BATCH), jnp.float32),
        scratch_types=[
            pltpu.VMEM((_BLK_PER_W, 128), jnp.int32),
            pltpu.VMEM((_NB, 128), jnp.int32),
            pltpu.VMEM((_NB, 128, 128), jnp.float32),
            pltpu.VMEM((_NB, _EMBED, 128), jnp.float32),
            pltpu.SemaphoreType.DMA,
            pltpu.SemaphoreType.DMA((_NB,)),
            pltpu.SemaphoreType.DMA((_NB,)),
        ],
        compiler_params=pltpu.CompilerParams(
            use_tc_tiling_on_sc=True, needs_layout_passes=False
        ),
    )(_gather_kernel)
    return run(tbl2, idx_t)


def kernel(input_seq, embedding_table):
    tbl_t = embedding_table.T
    tail_t = jnp.pad(tbl_t[:, (_NTC - 1) * 128:], ((0, 0), (0, 64)))
    tbl2 = _transpose(tbl_t, tail_t)
    idx_t = input_seq.astype(jnp.int32).T
    out_t = _gather(tbl2, idx_t)
    return jnp.transpose(out_t, (2, 0, 1))

# --- scband reference (transcript-rebuilt; emitter-appended) ---
"""Pipeline reference for scband-simple-rnn-71030169141855 (READ-ONLY COPY).

The authoritative reference and input builder live on the scoring server;
editing this copy changes nothing except your own understanding.
"""

import jax, jax.numpy as jnp
import numpy as np

VOCAB_SIZE = 1000000
EMBED_SIZE = 64
BATCH = 1024
SEQ = 200

def setup_inputs(seed: int = 0) -> dict:
    key = jax.random.key(seed)
    k1, k2 = jax.random.split(key)
    input_seq = jax.random.randint(k1, (BATCH, SEQ), 0, VOCAB_SIZE, dtype=jnp.int64 if jax.config.jax_enable_x64 else jnp.int32)
    embedding_table = jax.random.normal(k2, (VOCAB_SIZE, EMBED_SIZE), dtype=jnp.float32) * 0.02
    return {"input_seq": input_seq, "embedding_table": embedding_table}

def reference(input_seq, embedding_table):
    # Faithful translation of SimpleRnn.forward: the torch forward only executes
    # `embedding = self.embedding(input_seq)` (the RNN and fc layers are never
    # invoked in forward), so the computation is a single embedding gather.
    embedding = jnp.take(embedding_table, input_seq, axis=0)
    return embedding

if __name__ == "__main__":
    import jax
    _d = setup_inputs()
    print(jax.jit(kernel)(*tuple(_d.values())))

</pallas_src>

<mosaic_0001>
#map = affine_map<(d0, d1) -> (0, 0)>
module attributes {stable_mosaic.version = 14 : i64} {
  func.func @_transpose_kernel(%arg0: i32, %arg1: i32, %arg2: memref<64x1000000xf32, #tpu.memory_space<hbm>>, %arg3: memref<64x128xf32, #tpu.memory_space<hbm>>, %arg4: memref<500000x128xf32, #tpu.memory_space<hbm>>, %arg5: memref<2x64x128xf32, #tpu.memory_space<vmem>>, %arg6: memref<2x64x128xf32, #tpu.memory_space<vmem>>, %arg7: memref<2x!tpu.dma_semaphore, #tpu.memory_space<semaphore_mem>>, %arg8: memref<2x!tpu.dma_semaphore, #tpu.memory_space<semaphore_mem>>) attributes {dimension_semantics = [#tpu.dimension_semantics<core_parallel>, #tpu.dimension_semantics<subcore_parallel>], iteration_bounds = array<i64: 2, 16>, scalar_prefetch = 0 : i64, scratch_operands = 4 : i64, tpu.core_type = #tpu.core_type<sc_vector_subcore>, window_params = [{transform_indices = #map}, {transform_indices = #map}, {transform_indices = #map}]} {
    %mul3A = arith.constant 2 : i32
    %mul3A_0 = arith.muli %arg1, %mul3A : i32
    %add3A = arith.addi %mul3A_0, %arg0 : i32
    %iota3A = tpu.iota {dimensions = array<i32: 0>} : vector<16xi32>
    %add3A_1 = arith.constant 0 : i32
    %add3A_2 = vector.broadcast %add3A_1 : i32 to vector<16xi32>
    %add3A_3 = arith.addi %iota3A, %add3A_2 : vector<16xi32>
    %add3A_4 = arith.constant 16 : i32
    %add3A_5 = vector.broadcast %add3A_4 : i32 to vector<16xi32>
    %add3A_6 = arith.addi %iota3A, %add3A_5 : vector<16xi32>
    %add3A_7 = arith.constant 32 : i32
    %add3A_8 = vector.broadcast %add3A_7 : i32 to vector<16xi32>
    %add3A_9 = arith.addi %iota3A, %add3A_8 : vector<16xi32>
    %add3A_10 = arith.constant 48 : i32
    %add3A_11 = vector.broadcast %add3A_10 : i32 to vector<16xi32>
    %add3A_12 = arith.addi %iota3A, %add3A_11 : vector<16xi32>
    %add3A_13 = arith.constant 64 : i32
    %add3A_14 = vector.broadcast %add3A_13 : i32 to vector<16xi32>
    %add3A_15 = arith.addi %iota3A, %add3A_14 : vector<16xi32>
    %add3A_16 = arith.constant 80 : i32
    %add3A_17 = vector.broadcast %add3A_16 : i32 to vector<16xi32>
    %add3A_18 = arith.addi %iota3A, %add3A_17 : vector<16xi32>
    %add3A_19 = arith.constant 96 : i32
    %add3A_20 = vector.broadcast %add3A_19 : i32 to vector<16xi32>
    %add3A_21 = arith.addi %iota3A, %add3A_20 : vector<16xi32>
    %add3A_22 = arith.constant 112 : i32
    %add3A_23 = vector.broadcast %add3A_22 : i32 to vector<16xi32>
    %add3A_24 = arith.addi %iota3A, %add3A_23 : vector<16xi32>
    %add3A_25 = arith.constant 0 : i32
    %add3A_26 = arith.addi %add3A, %add3A_25 : i32
    %lt3A = arith.constant 7813 : i32
    %lt3A_27 = arith.cmpi slt, %add3A_26, %lt3A : i32
    %convert_element_type3A = arith.extui %lt3A_27 : i1 to i32
    %cond3A = arith.constant 0 : i32
    %cond3A_28 = arith.cmpi ne, %convert_element_type3A, %cond3A : i32
    scf.if %cond3A_28 {
      %add3A_80 = arith.constant 0 : i32
      %add3A_81 = arith.addi %add3A, %add3A_80 : i32
      %lt3A_82 = arith.constant 7812 : i32
      %lt3A_83 = arith.cmpi slt, %add3A_81, %lt3A_82 : i32
      %convert_element_type3A_84 = arith.extui %lt3A_83 : i1 to i32
      %cond3A_85 = arith.constant 0 : i32
      %cond3A_86 = arith.cmpi ne, %convert_element_type3A_84, %cond3A_85 : i32
      scf.if %cond3A_86 {
        %mul3A_91 = arith.constant 128 : i32
        %mul3A_92 = arith.muli %add3A_81, %mul3A_91 : i32
        %dma_start3A = arith.constant 0 : i32
        %dma_start3A_93 = arith.constant 0 : i32
        %dma_start3A_94 = arith.constant 0 : i32
        %dma_start3A_95 = arith.constant 0 : i32
        %dma_start3A_96 = tpu.memref_slice %arg5[%dma_start3A, %dma_start3A_94, %dma_start3A_95] : memref<2x64x128xf32, #tpu.memory_space<vmem>> -> memref<1x64x128xf32, #tpu.memory_space<vmem>>
        %dma_start3A_97 = tpu.memref_squeeze %dma_start3A_96 : memref<1x64x128xf32, #tpu.memory_space<vmem>> -> memref<64x128xf32, #tpu.memory_space<vmem>>
        %dma_start3A_98 = arith.constant 0 : i32
        %dma_start3A_99 = tpu.memref_slice %arg2[%dma_start3A_98, %mul3A_92] : memref<64x1000000xf32, #tpu.memory_space<hbm>> -> memref<64x128xf32, #tpu.memory_space<hbm>>
        %dma_start3A_100 = tpu.memref_slice %arg7[%dma_start3A_93] : memref<2x!tpu.dma_semaphore, #tpu.memory_space<semaphore_mem>> -> memref<1x!tpu.dma_semaphore, #tpu.memory_space<semaphore_mem>>
        %dma_start3A_101 = tpu.memref_squeeze %dma_start3A_100 : memref<1x!tpu.dma_semaphore, #tpu.memory_space<semaphore_mem>> -> memref<!tpu.dma_semaphore, #tpu.memory_space<semaphore_mem>>
        %dma_start3A_102 = arith.constant 0 : i32
        %dma_start3A_103 = arith.constant 0 : i32
        %dma_start3A_104 = tpu.memref_slice %arg5[%dma_start3A, %dma_start3A_102, %dma_start3A_103] : memref<2x64x128xf32, #tpu.memory_space<vmem>> -> memref<1x64x128xf32, #tpu.memory_space<vmem>>
        %dma_start3A_105 = tpu.memref_squeeze %dma_start3A_104 : memref<1x64x128xf32, #tpu.memory_space<vmem>> -> memref<64x128xf32, #tpu.memory_space<vmem>>
        %dma_start3A_106 = arith.constant 0 : i32
        %dma_start3A_107 = tpu.memref_slice %arg2[%dma_start3A_106, %mul3A_92] : memref<64x1000000xf32, #tpu.memory_space<hbm>> -> memref<64x128xf32, #tpu.memory_space<hbm>>
        tpu.enqueue_dma source(%dma_start3A_107 : memref<64x128xf32, #tpu.memory_space<hbm>>) target(%dma_start3A_105 : memref<64x128xf32, #tpu.memory_space<vmem>>) target_semaphore(%dma_start3A_101 : memref<!tpu.dma_semaphore, #tpu.memory_space<semaphore_mem>>)
      } else {
      }
      %eq3A = arith.constant 7812 : i32
      %eq3A_87 = arith.cmpi eq, %add3A_81, %eq3A : i32
      %convert_element_type3A_88 = arith.extui %eq3A_87 : i1 to i32
      %cond3A_89 = arith.constant 0 : i32
      %cond3A_90 = arith.cmpi ne, %convert_element_type3A_88, %cond3A_89 : i32
      scf.if %cond3A_90 {
        %dma_start3A = arith.constant 0 : i32
        %dma_start3A_91 = arith.constant 0 : i32
        %dma_start3A_92 = arith.constant 0 : i32
        %dma_start3A_93 = arith.constant 0 : i32
        %dma_start3A_94 = tpu.memref_slice %arg5[%dma_start3A, %dma_start3A_92, %dma_start3A_93] : memref<2x64x128xf32, #tpu.memory_space<vmem>> -> memref<1x64x128xf32, #tpu.memory_space<vmem>>
        %dma_start3A_95 = tpu.memref_squeeze %dma_start3A_94 : memref<1x64x128xf32, #tpu.memory_space<vmem>> -> memref<64x128xf32, #tpu.memory_space<vmem>>
        %dma_start3A_96 = tpu.memref_slice %arg7[%dma_start3A_91] : memref<2x!tpu.dma_semaphore, #tpu.memory_space<semaphore_mem>> -> memref<1x!tpu.dma_semaphore, #tpu.memory_space<semaphore_mem>>
        %dma_start3A_97 = tpu.memref_squeeze %dma_start3A_96 : memref<1x!tpu.dma_semaphore, #tpu.memory_space<semaphore_mem>> -> memref<!tpu.dma_semaphore, #tpu.memory_space<semaphore_mem>>
        %dma_start3A_98 = arith.constant 0 : i32
        %dma_start3A_99 = arith.constant 0 : i32
        %dma_start3A_100 = tpu.memref_slice %arg5[%dma_start3A, %dma_start3A_98, %dma_start3A_99] : memref<2x64x128xf32, #tpu.memory_space<vmem>> -> memref<1x64x128xf32, #tpu.memory_space<vmem>>
        %dma_start3A_101 = tpu.memref_squeeze %dma_start3A_100 : memref<1x64x128xf32, #tpu.memory_space<vmem>> -> memref<64x128xf32, #tpu.memory_space<vmem>>
        tpu.enqueue_dma source(%arg3 : memref<64x128xf32, #tpu.memory_space<hbm>>) target(%dma_start3A_101 : memref<64x128xf32, #tpu.memory_space<vmem>>) target_semaphore(%dma_start3A_97 : memref<!tpu.dma_semaphore, #tpu.memory_space<semaphore_mem>>)
      } else {
      }
    } else {
    }
    %scan3A = arith.constant 0 : i32
    %scan3A_29 = arith.constant 0 : i32
    %scan3A_30 = arith.constant 122 : i32
    %scan3A_31 = arith.addi %scan3A_29, %scan3A_30 : i32
    %scan3A_32 = arith.constant 1 : i32
    scf.for %scan3A_80 = %scan3A_29 to %scan3A_31 step %scan3A_32  : i32 {
      %mul3A_81 = arith.constant 2 : i32
      %mul3A_82 = arith.muli %mul3A_81, %scan3A_80 : i32
      %mul3A_83 = arith.constant 32 : i32
      %mul3A_84 = arith.muli %mul3A_82, %mul3A_83 : i32
      %add3A_85 = arith.addi %add3A, %mul3A_84 : i32
      %lt3A_86 = arith.constant 7813 : i32
      %lt3A_87 = arith.cmpi slt, %add3A_85, %lt3A_86 : i32
      %convert_element_type3A_88 = arith.extui %lt3A_87 : i1 to i32
      %cond3A_89 = arith.constant 0 : i32
      %cond3A_90 = arith.cmpi ne, %convert_element_type3A_88, %cond3A_89 : i32
      scf.if %cond3A_90 {
        %mul3A_139 = arith.constant 32 : i32
        %mul3A_140 = arith.muli %mul3A_82, %mul3A_139 : i32
        %add3A_141 = arith.addi %add3A, %mul3A_140 : i32
        %lt3A_142 = arith.constant 7812 : i32
        %lt3A_143 = arith.cmpi slt, %add3A_141, %lt3A_142 : i32
        %convert_element_type3A_144 = arith.extui %lt3A_143 : i1 to i32
        %cond3A_145 = arith.constant 0 : i32
        %cond3A_146 = arith.cmpi ne, %convert_element_type3A_144, %cond3A_145 : i32
        scf.if %cond3A_146 {
          %mul3A_151 = arith.constant 128 : i32
          %mul3A_152 = arith.muli %add3A_141, %mul3A_151 : i32
          %dma_wait3A = arith.constant 0 : i32
          %dma_wait3A_153 = arith.constant 0 : i32
          %dma_wait3A_154 = arith.constant 0 : i32
          %dma_wait3A_155 = arith.constant 0 : i32
          %dma_wait3A_156 = tpu.memref_slice %arg5[%dma_wait3A, %dma_wait3A_154, %dma_wait3A_155] : memref<2x64x128xf32, #tpu.memory_space<vmem>> -> memref<1x64x128xf32, #tpu.memory_space<vmem>>
          %dma_wait3A_157 = tpu.memref_squeeze %dma_wait3A_156 : memref<1x64x128xf32, #tpu.memory_space<vmem>> -> memref<64x128xf32, #tpu.memory_space<vmem>>
          %dma_wait3A_158 = arith.constant 0 : i32
          %dma_wait3A_159 = tpu.memref_slice %arg2[%dma_wait3A_158, %mul3A_152] : memref<64x1000000xf32, #tpu.memory_space<hbm>> -> memref<64x128xf32, #tpu.memory_space<hbm>>
          %dma_wait3A_160 = tpu.memref_slice %arg7[%dma_wait3A_153] : memref<2x!tpu.dma_semaphore, #tpu.memory_space<semaphore_mem>> -> memref<1x!tpu.dma_semaphore, #tpu.memory_space<semaphore_mem>>
          %dma_wait3A_161 = tpu.memref_squeeze %dma_wait3A_160 : memref<1x!tpu.dma_semaphore, #tpu.memory_space<semaphore_mem>> -> memref<!tpu.dma_semaphore, #tpu.memory_space<semaphore_mem>>
          %dma_wait3A_162 = arith.constant 0 : i32
          %dma_wait3A_163 = arith.constant 0 : i32
          %dma_wait3A_164 = tpu.memref_slice %arg5[%dma_wait3A, %dma_wait3A_162, %dma_wait3A_163] : memref<2x64x128xf32, #tpu.memory_space<vmem>> -> memref<1x64x128xf32, #tpu.memory_space<vmem>>
          %dma_wait3A_165 = tpu.memref_squeeze %dma_wait3A_164 : memref<1x64x128xf32, #tpu.memory_space<vmem>> -> memref<64x128xf32, #tpu.memory_space<vmem>>
          %dma_wait3A_166 = arith.constant 0 : i32
          %dma_wait3A_167 = tpu.memref_slice %arg2[%dma_wait3A_166, %mul3A_152] : memref<64x1000000xf32, #tpu.memory_space<hbm>> -> memref<64x128xf32, #tpu.memory_space<hbm>>
          tpu.wait_dma2 semaphore(%dma_wait3A_161 : memref<!tpu.dma_semaphore, #tpu.memory_space<semaphore_mem>>) src(%dma_wait3A_167 : memref<64x128xf32, #tpu.memory_space<hbm>>) dst(%dma_wait3A_165 : memref<64x128xf32, #tpu.memory_space<vmem>>)
        } else {
        }
        %eq3A = arith.constant 7812 : i32
        %eq3A_147 = arith.cmpi eq, %add3A_141, %eq3A : i32
        %convert_element_type3A_148 = arith.extui %eq3A_147 : i1 to i32
        %cond3A_149 = arith.constant 0 : i32
        %cond3A_150 = arith.cmpi ne, %convert_element_type3A_148, %cond3A_149 : i32
        scf.if %cond3A_150 {
          %dma_wait3A = arith.constant 0 : i32
          %dma_wait3A_151 = arith.constant 0 : i32
          %dma_wait3A_152 = arith.constant 0 : i32
          %dma_wait3A_153 = arith.constant 0 : i32
          %dma_wait3A_154 = tpu.memref_slice %arg5[%dma_wait3A, %dma_wait3A_152, %dma_wait3A_153] : memref<2x64x128xf32, #tpu.memory_space<vmem>> -> memref<1x64x128xf32, #tpu.memory_space<vmem>>
          %dma_wait3A_155 = tpu.memref_squeeze %dma_wait3A_154 : memref<1x64x128xf32, #tpu.memory_space<vmem>> -> memref<64x128xf32, #tpu.memory_space<vmem>>
          %dma_wait3A_156 = tpu.memref_slice %arg7[%dma_wait3A_151] : memref<2x!tpu.dma_semaphore, #tpu.memory_space<semaphore_mem>> -> memref<1x!tpu.dma_semaphore, #tpu.memory_space<semaphore_mem>>
          %dma_wait3A_157 = tpu.memref_squeeze %dma_wait3A_156 : memref<1x!tpu.dma_semaphore, #tpu.memory_space<semaphore_mem>> -> memref<!tpu.dma_semaphore, #tpu.memory_space<semaphore_mem>>
          %dma_wait3A_158 = arith.constant 0 : i32
          %dma_wait3A_159 = arith.constant 0 : i32
          %dma_wait3A_160 = tpu.memref_slice %arg5[%dma_wait3A, %dma_wait3A_158, %dma_wait3A_159] : memref<2x64x128xf32, #tpu.memory_space<vmem>> -> memref<1x64x128xf32, #tpu.memory_space<vmem>>
          %dma_wait3A_161 = tpu.memref_squeeze %dma_wait3A_160 : memref<1x64x128xf32, #tpu.memory_space<vmem>> -> memref<64x128xf32, #tpu.memory_space<vmem>>
          tpu.wait_dma2 semaphore(%dma_wait3A_157 : memref<!tpu.dma_semaphore, #tpu.memory_space<semaphore_mem>>) src(%arg3 : memref<64x128xf32, #tpu.memory_space<hbm>>) dst(%dma_wait3A_161 : memref<64x128xf32, #tpu.memory_space<vmem>>)
        } else {
        }
      } else {
      }
      %add3A_91 = arith.constant 1 : i32
      %add3A_92 = arith.addi %mul3A_82, %add3A_91 : i32
      %mul3A_93 = arith.constant 32 : i32
      %mul3A_94 = arith.muli %add3A_92, %mul3A_93 : i32
      %add3A_95 = arith.addi %add3A, %mul3A_94 : i32
      %lt3A_96 = arith.constant 7813 : i32
      %lt3A_97 = arith.cmpi slt, %add3A_95, %lt3A_96 : i32
      %convert_element_type3A_98 = arith.extui %lt3A_97 : i1 to i32
      %cond3A_99 = arith.constant 0 : i32
      %cond3A_100 = arith.cmpi ne, %convert_element_type3A_98, %cond3A_99 : i32
      scf.if %cond3A_100 {
        %add3A_139 = arith.constant 1 : i32
        %add3A_140 = arith.addi %mul3A_82, %add3A_139 : i32
        %mul3A_141 = arith.constant 32 : i32
        %mul3A_142 = arith.muli %add3A_140, %mul3A_141 : i32
        %add3A_143 = arith.addi %add3A, %mul3A_142 : i32
        %lt3A_144 = arith.constant 7812 : i32
        %lt3A_145 = arith.cmpi slt, %add3A_143, %lt3A_144 : i32
        %convert_element_type3A_146 = arith.extui %lt3A_145 : i1 to i32
        %cond3A_147 = arith.constant 0 : i32
        %cond3A_148 = arith.cmpi ne, %convert_element_type3A_146, %cond3A_147 : i32
        scf.if %cond3A_148 {
          %mul3A_153 = arith.constant 128 : i32
          %mul3A_154 = arith.muli %add3A_143, %mul3A_153 : i32
          %dma_start3A = arith.constant 1 : i32
          %dma_start3A_155 = arith.constant 1 : i32
          %dma_start3A_156 = arith.constant 0 : i32
          %dma_start3A_157 = arith.constant 0 : i32
          %dma_start3A_158 = tpu.memref_slice %arg5[%dma_start3A, %dma_start3A_156, %dma_start3A_157] : memref<2x64x128xf32, #tpu.memory_space<vmem>> -> memref<1x64x128xf32, #tpu.memory_space<vmem>>
          %dma_start3A_159 = tpu.memref_squeeze %dma_start3A_158 : memref<1x64x128xf32, #tpu.memory_space<vmem>> -> memref<64x128xf32, #tpu.memory_space<vmem>>
          %dma_start3A_160 = arith.constant 0 : i32
          %dma_start3A_161 = tpu.memref_slice %arg2[%dma_start3A_160, %mul3A_154] : memref<64x1000000xf32, #tpu.memory_space<hbm>> -> memref<64x128xf32, #tpu.memory_space<hbm>>
          %dma_start3A_162 = tpu.memref_slice %arg7[%dma_start3A_155] : memref<2x!tpu.dma_semaphore, #tpu.memory_space<semaphore_mem>> -> memref<1x!tpu.dma_semaphore, #tpu.memory_space<semaphore_mem>>
          %dma_start3A_163 = tpu.memref_squeeze %dma_start3A_162 : memref<1x!tpu.dma_semaphore, #tpu.memory_space<semaphore_mem>> -> memref<!tpu.dma_semaphore, #tpu.memory_space<semaphore_mem>>
          %dma_start3A_164 = arith.constant 0 : i32
          %dma_start3A_165 = arith.constant 0 : i32
          %dma_start3A_166 = tpu.memref_slice %arg5[%dma_start3A, %dma_start3A_164, %dma_start3A_165] : memref<2x64x128xf32, #tpu.memory_space<vmem>> -> memref<1x64x128xf32, #tpu.memory_space<vmem>>
          %dma_start3A_167 = tpu.memref_squeeze %dma_start3A_166 : memref<1x64x128xf32, #tpu.memory_space<vmem>> -> memref<64x128xf32, #tpu.memory_space<vmem>>
          %dma_start3A_168 = arith.constant 0 : i32
          %dma_start3A_169 = tpu.memref_slice %arg2[%dma_start3A_168, %mul3A_154] : memref<64x1000000xf32, #tpu.memory_space<hbm>> -> memref<64x128xf32, #tpu.memory_space<hbm>>
          tpu.enqueue_dma source(%dma_start3A_169 : memref<64x128xf32, #tpu.memory_space<hbm>>) target(%dma_start3A_167 : memref<64x128xf32, #tpu.memory_space<vmem>>) target_semaphore(%dma_start3A_163 : memref<!tpu.dma_semaphore, #tpu.memory_space<semaphore_mem>>)
        } else {
        }
        %eq3A = arith.constant 7812 : i32
        %eq3A_149 = arith.cmpi eq, %add3A_143, %eq3A : i32
        %convert_element_type3A_150 = arith.extui %eq3A_149 : i1 to i32
        %cond3A_151 = arith.constant 0 : i32
        %cond3A_152 = arith.cmpi ne, %convert_element_type3A_150, %cond3A_151 : i32
        scf.if %cond3A_152 {
          %dma_start3A = arith.constant 1 : i32
          %dma_start3A_153 = arith.constant 1 : i32
          %dma_start3A_154 = arith.constant 0 : i32
          %dma_start3A_155 = arith.constant 0 : i32
          %dma_start3A_156 = tpu.memref_slice %arg5[%dma_start3A, %dma_start3A_154, %dma_start3A_155] : memref<2x64x128xf32, #tpu.memory_space<vmem>> -> memref<1x64x128xf32, #tpu.memory_space<vmem>>
          %dma_start3A_157 = tpu.memref_squeeze %dma_start3A_156 : memref<1x64x128xf32, #tpu.memory_space<vmem>> -> memref<64x128xf32, #tpu.memory_space<vmem>>
          %dma_start3A_158 = tpu.memref_slice %arg7[%dma_start3A_153] : memref<2x!tpu.dma_semaphore, #tpu.memory_space<semaphore_mem>> -> memref<1x!tpu.dma_semaphore, #tpu.memory_space<semaphore_mem>>
          %dma_start3A_159 = tpu.memref_squeeze %dma_start3A_158 : memref<1x!tpu.dma_semaphore, #tpu.memory_space<semaphore_mem>> -> memref<!tpu.dma_semaphore, #tpu.memory_space<semaphore_mem>>
          %dma_start3A_160 = arith.constant 0 : i32
          %dma_start3A_161 = arith.constant 0 : i32
          %dma_start3A_162 = tpu.memref_slice %arg5[%dma_start3A, %dma_start3A_160, %dma_start3A_161] : memref<2x64x128xf32, #tpu.memory_space<vmem>> -> memref<1x64x128xf32, #tpu.memory_space<vmem>>
          %dma_start3A_163 = tpu.memref_squeeze %dma_start3A_162 : memref<1x64x128xf32, #tpu.memory_space<vmem>> -> memref<64x128xf32, #tpu.memory_space<vmem>>
          tpu.enqueue_dma source(%arg3 : memref<64x128xf32, #tpu.memory_space<hbm>>) target(%dma_start3A_163 : memref<64x128xf32, #tpu.memory_space<vmem>>) target_semaphore(%dma_start3A_159 : memref<!tpu.dma_semaphore, #tpu.memory_space<semaphore_mem>>)
        } else {
        }
      } else {
      }
      %mul3A_101 = arith.constant 32 : i32
      %mul3A_102 = arith.muli %mul3A_82, %mul3A_101 : i32
      %add3A_103 = arith.addi %add3A, %mul3A_102 : i32
      %lt3A_104 = arith.constant 7813 : i32
      %lt3A_105 = arith.cmpi slt, %add3A_103, %lt3A_104 : i32
      %convert_element_type3A_106 = arith.extui %lt3A_105 : i1 to i32
      %cond3A_107 = arith.constant 0 : i32
      %cond3A_108 = arith.cmpi ne, %convert_element_type3A_106, %cond3A_107 : i32
      scf.if %cond3A_108 {
        %ge3A = arith.constant 2 : i32
        %ge3A_139 = arith.cmpi sge, %mul3A_82, %ge3A : i32
        %convert_element_type3A_140 = arith.extui %ge3A_139 : i1 to i32
        %cond3A_141 = arith.constant 0 : i32
        %cond3A_142 = arith.cmpi ne, %convert_element_type3A_140, %cond3A_141 : i32
        scf.if %cond3A_142 {
          %sub3A = arith.constant 2 : i32
          %sub3A_217 = arith.subi %mul3A_82, %sub3A : i32
          %mul3A_218 = arith.constant 32 : i32
          %mul3A_219 = arith.muli %sub3A_217, %mul3A_218 : i32
          %add3A_220 = arith.addi %add3A, %mul3A_219 : i32
          %lt3A_221 = arith.constant 7812 : i32
          %lt3A_222 = arith.cmpi slt, %add3A_220, %lt3A_221 : i32
          %convert_element_type3A_223 = arith.extui %lt3A_222 : i1 to i32
          %cond3A_224 = arith.constant 0 : i32
          %cond3A_225 = arith.cmpi ne, %convert_element_type3A_223, %cond3A_224 : i32
          scf.if %cond3A_225 {
            %mul3A_231 = arith.constant 64 : i32
            %mul3A_232 = arith.muli %add3A_220, %mul3A_231 : i32
            %dma_wait3A = arith.constant 0 : i32
            %dma_wait3A_233 = arith.constant 0 : i32
            %dma_wait3A_234 = arith.constant 0 : i32
            %dma_wait3A_235 = arith.constant 0 : i32
            %dma_wait3A_236 = tpu.memref_slice %arg6[%dma_wait3A, %dma_wait3A_234, %dma_wait3A_235] : memref<2x64x128xf32, #tpu.memory_space<vmem>> -> memref<1x64x128xf32, #tpu.memory_space<vmem>>
            %dma_wait3A_237 = tpu.memref_squeeze %dma_wait3A_236 : memref<1x64x128xf32, #tpu.memory_space<vmem>> -> memref<64x128xf32, #tpu.memory_space<vmem>>
            %dma_wait3A_238 = arith.constant 0 : i32
            %dma_wait3A_239 = tpu.memref_slice %arg4[%mul3A_232, %dma_wait3A_238] : memref<500000x128xf32, #tpu.memory_space<hbm>> -> memref<64x128xf32, #tpu.memory_space<hbm>>
            %dma_wait3A_240 = tpu.memref_slice %arg8[%dma_wait3A_233] : memref<2x!tpu.dma_semaphore, #tpu.memory_space<semaphore_mem>> -> memref<1x!tpu.dma_semaphore, #tpu.memory_space<semaphore_mem>>
            %dma_wait3A_241 = tpu.memref_squeeze %dma_wait3A_240 : memref<1x!tpu.dma_semaphore, #tpu.memory_space<semaphore_mem>> -> memref<!tpu.dma_semaphore, #tpu.memory_space<semaphore_mem>>
            %dma_wait3A_242 = arith.constant 0 : i32
            %dma_wait3A_243 = tpu.memref_slice %arg4[%mul3A_232, %dma_wait3A_242] : memref<500000x128xf32, #tpu.memory_space<hbm>> -> memref<64x128xf32, #tpu.memory_space<hbm>>
            %dma_wait3A_244 = arith.constant 0 : i32
            %dma_wait3A_245 = arith.constant 0 : i32
            %dma_wait3A_246 = tpu.memref_slice %arg6[%dma_wait3A, %dma_wait3A_244, %dma_wait3A_245] : memref<2x64x128xf32, #tpu.memory_space<vmem>> -> memref<1x64x128xf32, #tpu.memory_space<vmem>>
            %dma_wait3A_247 = tpu.memref_squeeze %dma_wait3A_246 : memref<1x64x128xf32, #tpu.memory_space<vmem>> -> memref<64x128xf32, #tpu.memory_space<vmem>>
            tpu.wait_dma2 semaphore(%dma_wait3A_241 : memref<!tpu.dma_semaphore, #tpu.memory_space<semaphore_mem>>) src(%dma_wait3A_247 : memref<64x128xf32, #tpu.memory_space<vmem>>) dst(%dma_wait3A_243 : memref<64x128xf32, #tpu.memory_space<hbm>>)
          } else {
          }
          %eq3A_226 = arith.constant 7812 : i32
          %eq3A_227 = arith.cmpi eq, %add3A_220, %eq3A_226 : i32
          %convert_element_type3A_228 = arith.extui %eq3A_227 : i1 to i32
          %cond3A_229 = arith.constant 0 : i32
          %cond3A_230 = arith.cmpi ne, %convert_element_type3A_228, %cond3A_229 : i32
          scf.if %cond3A_230 {
            %mul3A_231 = arith.constant 64 : i32
            %mul3A_232 = arith.muli %add3A_220, %mul3A_231 : i32
            %dma_wait3A = arith.constant 0 : i32
            %dma_wait3A_233 = arith.constant 0 : i32
            %dma_wait3A_234 = arith.constant 0 : i32
            %dma_wait3A_235 = arith.constant 0 : i32
            %dma_wait3A_236 = tpu.memref_slice %arg6[%dma_wait3A, %dma_wait3A_234, %dma_wait3A_235] : memref<2x64x128xf32, #tpu.memory_space<vmem>> -> memref<1x32x128xf32, #tpu.memory_space<vmem>>
            %dma_wait3A_237 = tpu.memref_squeeze %dma_wait3A_236 : memref<1x32x128xf32, #tpu.memory_space<vmem>> -> memref<32x128xf32, #tpu.memory_space<vmem>>
            %dma_wait3A_238 = arith.constant 0 : i32
            %dma_wait3A_239 = tpu.memref_slice %arg4[%mul3A_232, %dma_wait3A_238] : memref<500000x128xf32, #tpu.memory_space<hbm>> -> memref<32x128xf32, #tpu.memory_space<hbm>>
            %dma_wait3A_240 = tpu.memref_slice %arg8[%dma_wait3A_233] : memref<2x!tpu.dma_semaphore, #tpu.memory_space<semaphore_mem>> -> memref<1x!tpu.dma_semaphore, #tpu.memory_space<semaphore_mem>>
            %dma_wait3A_241 = tpu.memref_squeeze %dma_wait3A_240 : memref<1x!tpu.dma_semaphore, #tpu.memory_space<semaphore_mem>> -> memref<!tpu.dma_semaphore, #tpu.memory_space<semaphore_mem>>
            %dma_wait3A_242 = arith.constant 0 : i32
            %dma_wait3A_243 = tpu.memref_slice %arg4[%mul3A_232, %dma_wait3A_242] : memref<500000x128xf32, #tpu.memory_space<hbm>> -> memref<32x128xf32, #tpu.memory_space<hbm>>
            %dma_wait3A_244 = arith.constant 0 : i32
            %dma_wait3A_245 = arith.constant 0 : i32
            %dma_wait3A_246 = tpu.memref_slice %arg6[%dma_wait3A, %dma_wait3A_244, %dma_wait3A_245] : memref<2x64x128xf32, #tpu.memory_space<vmem>> -> memref<1x32x128xf32, #tpu.memory_space<vmem>>
            %dma_wait3A_247 = tpu.memref_squeeze %dma_wait3A_246 : memref<1x32x128xf32, #tpu.memory_space<vmem>> -> memref<32x128xf32, #tpu.memory_space<vmem>>
            tpu.wait_dma2 semaphore(%dma_wait3A_241 : memref<!tpu.dma_semaphore, #tpu.memory_space<semaphore_mem>>) src(%dma_wait3A_247 : memref<32x128xf32, #tpu.memory_space<vmem>>) dst(%dma_wait3A_243 : memref<32x128xf32, #tpu.memory_space<hbm>>)
          } else {
          }
        } else {
        }
        %add3A_143 = arith.constant 0 : i32
        %add3A_144 = vector.broadcast %add3A_143 : i32 to vector<16xi32>
        %add3A_145 = arith.addi %add3A_144, %iota3A : vector<16xi32>
        %and3A = arith.constant 63 : i32
        %and3A_146 = vector.broadcast %and3A : i32 to vector<16xi32>
        %and3A_147 = arith.andi %add3A_145, %and3A_146 : vector<16xi32>
        %add3A_148 = arith.addi %and3A_147, %and3A_147 : vector<16xi32>
        %add3A_149 = arith.constant 1 : i32
        %add3A_150 = vector.broadcast %add3A_149 : i32 to vector<16xi32>
        %add3A_151 = arith.addi %add3A_148, %add3A_150 : vector<16xi32>
        %gather3A = arith.constant 0 : i32
        %gather3A_152 = arith.constant 0 : i32
        %gather3A_153 = arith.constant 0 : i32
        %gather3A_154 = tpu.memref_slice %arg5[%gather3A, %gather3A_152, %gather3A_153] : memref<2x64x128xf32, #tpu.memory_space<vmem>> -> memref<1x64x128xf32, #tpu.memory_space<vmem>>
        %gather3A_155 = tpu.memref_squeeze %gather3A_154 : memref<1x64x128xf32, #tpu.memory_space<vmem>> -> memref<64x128xf32, #tpu.memory_space<vmem>>
        %gather3A_156 = tpu.vector_load_idx %gather3A_155[%add3A_3, %add3A_148] : memref<64x128xf32, #tpu.memory_space<vmem>>[vector<16xi32>, vector<16xi32>], vector<16xf32>,
        %gather3A_157 = arith.constant 0 : i32
        %gather3A_158 = arith.constant 0 : i32
        %gather3A_159 = arith.constant 0 : i32
        %gather3A_160 = tpu.memref_slice %arg5[%gather3A_157, %gather3A_158, %gather3A_159] : memref<2x64x128xf32, #tpu.memory_space<vmem>> -> memref<1x64x128xf32, #tpu.memory_space<vmem>>
        %gather3A_161 = tpu.memref_squeeze %gather3A_160 : memref<1x64x128xf32, #tpu.memory_space<vmem>> -> memref<64x128xf32, #tpu.memory_space<vmem>>
        %gather3A_162 = tpu.vector_load_idx %gather3A_161[%add3A_6, %add3A_148] : memref<64x128xf32, #tpu.memory_space<vmem>>[vector<16xi32>, vector<16xi32>], vector<16xf32>,
        %gather3A_163 = arith.constant 0 : i32
        %gather3A_164 = arith.constant 0 : i32
        %gather3A_165 = arith.constant 0 : i32
        %gather3A_166 = tpu.memref_slice %arg5[%gather3A_163, %gather3A_164, %gather3A_165] : memref<2x64x128xf32, #tpu.memory_space<vmem>> -> memref<1x64x128xf32, #tpu.memory_space<vmem>>
        %gather3A_167 = tpu.memref_squeeze %gather3A_166 : memref<1x64x128xf32, #tpu.memory_space<vmem>> -> memref<64x128xf32, #tpu.memory_space<vmem>>
        %gather3A_168 = tpu.vector_load_idx %gather3A_167[%add3A_9, %add3A_148] : memref<64x128xf32, #tpu.memory_space<vmem>>[vector<16xi32>, vector<16xi32>], vector<16xf32>,
        %gather3A_169 = arith.constant 0 : i32
        %gather3A_170 = arith.constant 0 : i32
        %gather3A_171 = arith.constant 0 : i32
        %gather3A_172 = tpu.memref_slice %arg5[%gather3A_169, %gather3A_170, %gather3A_171] : memref<2x64x128xf32, #tpu.memory_space<vmem>> -> memref<1x64x128xf32, #tpu.memory_space<vmem>>
        %gather3A_173 = tpu.memref_squeeze %gather3A_172 : memref<1x64x128xf32, #tpu.memory_space<vmem>> -> memref<64x128xf32, #tpu.memory_space<vmem>>
        %gather3A_174 = tpu.vector_load_idx %gather3A_173[%add3A_12, %add3A_148] : memref<64x128xf32, #tpu.memory_space<vmem>>[vector<16xi32>, vector<16xi32>], vector<16xf32>,
        %gather3A_175 = arith.constant 0 : i32
        %gather3A_176 = arith.constant 0 : i32
        %gather3A_177 = arith.constant 0 : i32
        %gather3A_178 = tpu.memref_slice %arg5[%gather3A_175, %gather3A_176, %gather3A_177] : memref<2x64x128xf32, #tpu.memory_space<vmem>> -> memref<1x64x128xf32, #tpu.memory_space<vmem>>
        %gather3A_179 = tpu.memref_squeeze %gather3A_178 : memref<1x64x128xf32, #tpu.memory_space<vmem>> -> memref<64x128xf32, #tpu.memory_space<vmem>>
        %gather3A_180 = tpu.vector_load_idx %gather3A_179[%add3A_3, %add3A_151] : memref<64x128xf32, #tpu.memory_space<vmem>>[vector<16xi32>, vector<16xi32>], vector<16xf32>,
        %gather3A_181 = arith.constant 0 : i32
        %gather3A_182 = arith.constant 0 : i32
        %gather3A_183 = arith.constant 0 : i32
        %gather3A_184 = tpu.memref_slice %arg5[%gather3A_181, %gather3A_182, %gather3A_183] : memref<2x64x128xf32, #tpu.memory_space<vmem>> -> memref<1x64x128xf32, #tpu.memory_space<vmem>>
        %gather3A_185 = tpu.memref_squeeze %gather3A_184 : memref<1x64x128xf32, #tpu.memory_space<vmem>> -> memref<64x128xf32, #tpu.memory_space<vmem>>
        %gather3A_186 = tpu.vector_load_idx %gather3A_185[%add3A_6, %add3A_151] : memref<64x128xf32, #tpu.memory_space<vmem>>[vector<16xi32>, vector<16xi32>], vector<16xf32>,
        %gather3A_187 = arith.constant 0 : i32
        %gather3A_188 = arith.constant 0 : i32
        %gather3A_189 = arith.constant 0 : i32
        %gather3A_190 = tpu.memref_slice %arg5[%gather3A_187, %gather3A_188, %gather3A_189] : memref<2x64x128xf32, #tpu.memory_space<vmem>> -> memref<1x64x128xf32, #tpu.memory_space<vmem>>
        %gather3A_191 = tpu.memref_squeeze %gather3A_190 : memref<1x64x128xf32, #tpu.memory_space<vmem>> -> memref<64x128xf32, #tpu.memory_space<vmem>>
        %gather3A_192 = tpu.vector_load_idx %gather3A_191[%add3A_9, %add3A_151] : memref<64x128xf32, #tpu.memory_space<vmem>>[vector<16xi32>, vector<16xi32>], vector<16xf32>,
        %gather3A_193 = arith.constant 0 : i32
        %gather3A_194 = arith.constant 0 : i32
        %gather3A_195 = arith.constant 0 : i32
        %gather3A_196 = tpu.memref_slice %arg5[%gather3A_193, %gather3A_194, %gather3A_195] : memref<2x64x128xf32, #tpu.memory_space<vmem>> -> memref<1x64x128xf32, #tpu.memory_space<vmem>>
        %gather3A_197 = tpu.memref_squeeze %gather3A_196 : memref<1x64x128xf32, #tpu.memory_space<vmem>> -> memref<64x128xf32, #tpu.memory_space<vmem>>
        %gather3A_198 = tpu.vector_load_idx %gather3A_197[%add3A_12, %add3A_151] : memref<64x128xf32, #tpu.memory_space<vmem>>[vector<16xi32>, vector<16xi32>], vector<16xf32>,
        %scan3A_199 = arith.constant 1 : i32
        %scan3A_200 = arith.constant 64 : i32
        %scan3A_201 = arith.addi %scan3A_199, %scan3A_200 : i32
        %scan3A_202 = arith.constant 4 : i32
        %scan3A_203:9 = scf.for %scan3A_217 = %scan3A_199 to %scan3A_201 step %scan3A_202 iter_args(%scan3A_218 = %gather3A_156, %scan3A_219 = %gather3A_162, %scan3A_220 = %gather3A_168, %scan3A_221 = %gather3A_174, %scan3A_222 = %gather3A_180, %scan3A_223 = %gather3A_186, %scan3A_224 = %gather3A_192, %scan3A_225 = %gather3A_198, %scan3A_226 = %and3A_147) -> (vector<16xf32>, vector<16xf32>, vector<16xf32>, vector<16xf32>, vector<16xf32>, vector<16xf32>, vector<16xf32>, vector<16xf32>, vector<16xi32>)  : i32 {
          %scatter3A = arith.constant 0 : i32
          %scatter3A_227 = arith.constant 0 : i32
          %scatter3A_228 = arith.constant 0 : i32
          %scatter3A_229 = tpu.memref_slice %arg6[%scatter3A, %scatter3A_227, %scatter3A_228] : memref<2x64x128xf32, #tpu.memory_space<vmem>> -> memref<1x64x128xf32, #tpu.memory_space<vmem>>
          %scatter3A_230 = tpu.memref_squeeze %scatter3A_229 : memref<1x64x128xf32, #tpu.memory_space<vmem>> -> memref<64x128xf32, #tpu.memory_space<vmem>>
          tpu.vector_store_idx %scatter3A_230[%scan3A_226, %add3A_3], %scan3A_218 : memref<64x128xf32, #tpu.memory_space<vmem>>[vector<16xi32>, vector<16xi32>], vector<16xf32>,
          %scatter3A_231 = arith.constant 0 : i32
          %scatter3A_232 = arith.constant 0 : i32
          %scatter3A_233 = arith.constant 0 : i32
          %scatter3A_234 = tpu.memref_slice %arg6[%scatter3A_231, %scatter3A_232, %scatter3A_233] : memref<2x64x128xf32, #tpu.memory_space<vmem>> -> memref<1x64x128xf32, #tpu.memory_space<vmem>>
          %scatter3A_235 = tpu.memref_squeeze %scatter3A_234 : memref<1x64x128xf32, #tpu.memory_space<vmem>> -> memref<64x128xf32, #tpu.memory_space<vmem>>
          tpu.vector_store_idx %scatter3A_235[%scan3A_226, %add3A_6], %scan3A_219 : memref<64x128xf32, #tpu.memory_space<vmem>>[vector<16xi32>, vector<16xi32>], vector<16xf32>,
          %scatter3A_236 = arith.constant 0 : i32
          %scatter3A_237 = arith.constant 0 : i32
          %scatter3A_238 = arith.constant 0 : i32
          %scatter3A_239 = tpu.memref_slice %arg6[%scatter3A_236, %scatter3A_237, %scatter3A_238] : memref<2x64x128xf32, #tpu.memory_space<vmem>> -> memref<1x64x128xf32, #tpu.memory_space<vmem>>
          %scatter3A_240 = tpu.memref_squeeze %scatter3A_239 : memref<1x64x128xf32, #tpu.memory_space<vmem>> -> memref<64x128xf32, #tpu.memory_space<vmem>>
          tpu.vector_store_idx %scatter3A_240[%scan3A_226, %add3A_9], %scan3A_220 : memref<64x128xf32, #tpu.memory_space<vmem>>[vector<16xi32>, vector<16xi32>], vector<16xf32>,
          %scatter3A_241 = arith.constant 0 : i32
          %scatter3A_242 = arith.constant 0 : i32
          %scatter3A_243 = arith.constant 0 : i32
          %scatter3A_244 = tpu.memref_slice %arg6[%scatter3A_241, %scatter3A_242, %scatter3A_243] : memref<2x64x128xf32, #tpu.memory_space<vmem>> -> memref<1x64x128xf32, #tpu.memory_space<vmem>>
          %scatter3A_245 = tpu.memref_squeeze %scatter3A_244 : memref<1x64x128xf32, #tpu.memory_space<vmem>> -> memref<64x128xf32, #tpu.memory_space<vmem>>
          tpu.vector_store_idx %scatter3A_245[%scan3A_226, %add3A_12], %scan3A_221 : memref<64x128xf32, #tpu.memory_space<vmem>>[vector<16xi32>, vector<16xi32>], vector<16xf32>,
          %scatter3A_246 = arith.constant 0 : i32
          %scatter3A_247 = arith.constant 0 : i32
          %scatter3A_248 = arith.constant 0 : i32
          %scatter3A_249 = tpu.memref_slice %arg6[%scatter3A_246, %scatter3A_247, %scatter3A_248] : memref<2x64x128xf32, #tpu.memory_space<vmem>> -> memref<1x64x128xf32, #tpu.memory_space<vmem>>
          %scatter3A_250 = tpu.memref_squeeze %scatter3A_249 : memref<1x64x128xf32, #tpu.memory_space<vmem>> -> memref<64x128xf32, #tpu.memory_space<vmem>>
          tpu.vector_store_idx %scatter3A_250[%scan3A_226, %add3A_15], %scan3A_222 : memref<64x128xf32, #tpu.memory_space<vmem>>[vector<16xi32>, vector<16xi32>], vector<16xf32>,
          %scatter3A_251 = arith.constant 0 : i32
          %scatter3A_252 = arith.constant 0 : i32
          %scatter3A_253 = arith.constant 0 : i32
          %scatter3A_254 = tpu.memref_slice %arg6[%scatter3A_251, %scatter3A_252, %scatter3A_253] : memref<2x64x128xf32, #tpu.memory_space<vmem>> -> memref<1x64x128xf32, #tpu.memory_space<vmem>>
          %scatter3A_255 = tpu.memref_squeeze %scatter3A_254 : memref<1x64x128xf32, #tpu.memory_space<vmem>> -> memref<64x128xf32, #tpu.memory_space<vmem>>
          tpu.vector_store_idx %scatter3A_255[%scan3A_226, %add3A_18], %scan3A_223 : memref<64x128xf32, #tpu.memory_space<vmem>>[vector<16xi32>, vector<16xi32>], vector<16xf32>,
          %scatter3A_256 = arith.constant 0 : i32
          %scatter3A_257 = arith.constant 0 : i32
          %scatter3A_258 = arith.constant 0 : i32
          %scatter3A_259 = tpu.memref_slice %arg6[%scatter3A_256, %scatter3A_257, %scatter3A_258] : memref<2x64x128xf32, #tpu.memory_space<vmem>> -> memref<1x64x128xf32, #tpu.memory_space<vmem>>
          %scatter3A_260 = tpu.memref_squeeze %scatter3A_259 : memref<1x64x128xf32, #tpu.memory_space<vmem>> -> memref<64x128xf32, #tpu.memory_space<vmem>>
          tpu.vector_store_idx %scatter3A_260[%scan3A_226, %add3A_21], %scan3A_224 : memref<64x128xf32, #tpu.memory_space<vmem>>[vector<16xi32>, vector<16xi32>], vector<16xf32>,
          %scatter3A_261 = arith.constant 0 : i32
          %scatter3A_262 = arith.constant 0 : i32
          %scatter3A_263 = arith.constant 0 : i32
          %scatter3A_264 = tpu.memref_slice %arg6[%scatter3A_261, %scatter3A_262, %scatter3A_263] : memref<2x64x128xf32, #tpu.memory_space<vmem>> -> memref<1x64x128xf32, #tpu.memory_space<vmem>>
          %scatter3A_265 = tpu.memref_squeeze %scatter3A_264 : memref<1x64x128xf32, #tpu.memory_space<vmem>> -> memref<64x128xf32, #tpu.memory_space<vmem>>
          tpu.vector_store_idx %scatter3A_265[%scan3A_226, %add3A_24], %scan3A_225 : memref<64x128xf32, #tpu.memory_space<vmem>>[vector<16xi32>, vector<16xi32>], vector<16xf32>,
          %and3A_266 = arith.constant 63 : i32
          %and3A_267 = arith.andi %scan3A_217, %and3A_266 : i32
          %add3A_268 = vector.broadcast %and3A_267 : i32 to vector<16xi32>
          %add3A_269 = arith.addi %add3A_268, %iota3A : vector<16xi32>
          %and3A_270 = arith.constant 63 : i32
          %and3A_271 = vector.broadcast %and3A_270 : i32 to vector<16xi32>
          %and3A_272 = arith.andi %add3A_269, %and3A_271 : vector<16xi32>
          %add3A_273 = arith.addi %and3A_272, %and3A_272 : vector<16xi32>
          %add3A_274 = arith.constant 1 : i32
          %add3A_275 = vector.broadcast %add3A_274 : i32 to vector<16xi32>
          %add3A_276 = arith.addi %add3A_273, %add3A_275 : vector<16xi32>
          %gather3A_277 = arith.constant 0 : i32
          %gather3A_278 = arith.constant 0 : i32
          %gather3A_279 = arith.constant 0 : i32
          %gather3A_280 = tpu.memref_slice %arg5[%gather3A_277, %gather3A_278, %gather3A_279] : memref<2x64x128xf32, #tpu.memory_space<vmem>> -> memref<1x64x128xf32, #tpu.memory_space<vmem>>
          %gather3A_281 = tpu.memref_squeeze %gather3A_280 : memref<1x64x128xf32, #tpu.memory_space<vmem>> -> memref<64x128xf32, #tpu.memory_space<vmem>>
          %gather3A_282 = tpu.vector_load_idx %gather3A_281[%add3A_3, %add3A_273] : memref<64x128xf32, #tpu.memory_space<vmem>>[vector<16xi32>, vector<16xi32>], vector<16xf32>,
          %gather3A_283 = arith.constant 0 : i32
          %gather3A_284 = arith.constant 0 : i32
          %gather3A_285 = arith.constant 0 : i32
          %gather3A_286 = tpu.memref_slice %arg5[%gather3A_283, %gather3A_284, %gather3A_285] : memref<2x64x128xf32, #tpu.memory_space<vmem>> -> memref<1x64x128xf32, #tpu.memory_space<vmem>>
          %gather3A_287 = tpu.memref_squeeze %gather3A_286 : memref<1x64x128xf32, #tpu.memory_space<vmem>> -> memref<64x128xf32, #tpu.memory_space<vmem>>
          %gather3A_288 = tpu.vector_load_idx %gather3A_287[%add3A_6, %add3A_273] : memref<64x128xf32, #tpu.memory_space<vmem>>[vector<16xi32>, vector<16xi32>], vector<16xf32>,
          %gather3A_289 = arith.constant 0 : i32
          %gather3A_290 = arith.constant 0 : i32
          %gather3A_291 = arith.constant 0 : i32
          %gather3A_292 = tpu.memref_slice %arg5[%gather3A_289, %gather3A_290, %gather3A_291] : memref<2x64x128xf32, #tpu.memory_space<vmem>> -> memref<1x64x128xf32, #tpu.memory_space<vmem>>
          %gather3A_293 = tpu.memref_squeeze %gather3A_292 : memref<1x64x128xf32, #tpu.memory_space<vmem>> -> memref<64x128xf32, #tpu.memory_space<vmem>>
          %gather3A_294 = tpu.vector_load_idx %gather3A_293[%add3A_9, %add3A_273] : memref<64x128xf32, #tpu.memory_space<vmem>>[vector<16xi32>, vector<16xi32>], vector<16xf32>,
          %gather3A_295 = arith.constant 0 : i32
          %gather3A_296 = arith.constant 0 : i32
          %gather3A_297 = arith.constant 0 : i32
          %gather3A_298 = tpu.memref_slice %arg5[%gather3A_295, %gather3A_296, %gather3A_297] : memref<2x64x128xf32, #tpu.memory_space<vmem>> -> memref<1x64x128xf32, #tpu.memory_space<vmem>>
          %gather3A_299 = tpu.memref_squeeze %gather3A_298 : memref<1x64x128xf32, #tpu.memory_space<vmem>> -> memref<64x128xf32, #tpu.memory_space<vmem>>
          %gather3A_300 = tpu.vector_load_idx %gather3A_299[%add3A_12, %add3A_273] : memref<64x128xf32, #tpu.memory_space<vmem>>[vector<16xi32>, vector<16xi32>], vector<16xf32>,
          %gather3A_301 = arith.constant 0 : i32
          %gather3A_302 = arith.constant 0 : i32
          %gather3A_303 = arith.constant 0 : i32
          %gather3A_304 = tpu.memref_slice %arg5[%gather3A_301, %gather3A_302, %gather3A_303] : memref<2x64x128xf32, #tpu.memory_space<vmem>> -> memref<1x64x128xf32, #tpu.memory_space<vmem>>
          %gather3A_305 = tpu.memref_squeeze %gather3A_304 : memref<1x64x128xf32, #tpu.memory_space<vmem>> -> memref<64x128xf32, #tpu.memory_space<vmem>>
          %gather3A_306 = tpu.vector_load_idx %gather3A_305[%add3A_3, %add3A_276] : memref<64x128xf32, #tpu.memory_space<vmem>>[vector<16xi32>, vector<16xi32>], vector<16xf32>,
          %gather3A_307 = arith.constant 0 : i32
          %gather3A_308 = arith.constant 0 : i32
          %gather3A_309 = arith.constant 0 : i32
          %gather3A_310 = tpu.memref_slice %arg5[%gather3A_307, %gather3A_308, %gather3A_309] : memref<2x64x128xf32, #tpu.memory_space<vmem>> -> memref<1x64x128xf32, #tpu.memory_space<vmem>>
          %gather3A_311 = tpu.memref_squeeze %gather3A_310 : memref<1x64x128xf32, #tpu.memory_space<vmem>> -> memref<64x128xf32, #tpu.memory_space<vmem>>
          %gather3A_312 = tpu.vector_load_idx %gather3A_311[%add3A_6, %add3A_276] : memref<64x128xf32, #tpu.memory_space<vmem>>[vector<16xi32>, vector<16xi32>], vector<16xf32>,
          %gather3A_313 = arith.constant 0 : i32
          %gather3A_314 = arith.constant 0 : i32
          %gather3A_315 = arith.constant 0 : i32
          %gather3A_316 = tpu.memref_slice %arg5[%gather3A_313, %gather3A_314, %gather3A_315] : memref<2x64x128xf32, #tpu.memory_space<vmem>> -> memref<1x64x128xf32, #tpu.memory_space<vmem>>
          %gather3A_317 = tpu.memref_squeeze %gather3A_316 : memref<1x64x128xf32, #tpu.memory_space<vmem>> -> memref<64x128xf32, #tpu.memory_space<vmem>>
          %gather3A_318 = tpu.vector_load_idx %gather3A_317[%add3A_9, %add3A_276] : memref<64x128xf32, #tpu.memory_space<vmem>>[vector<16xi32>, vector<16xi32>], vector<16xf32>,
          %gather3A_319 = arith.constant 0 : i32
          %gather3A_320 = arith.constant 0 : i32
          %gather3A_321 = arith.constant 0 : i32
          %gather3A_322 = tpu.memref_slice %arg5[%gather3A_319, %gather3A_320, %gather3A_321] : memref<2x64x128xf32, #tpu.memory_space<vmem>> -> memref<1x64x128xf32, #tpu.memory_space<vmem>>
          %gather3A_323 = tpu.memref_squeeze %gather3A_322 : memref<1x64x128xf32, #tpu.memory_space<vmem>> -> memref<64x128xf32, #tpu.memory_space<vmem>>
          %gather3A_324 = tpu.vector_load_idx %gather3A_323[%add3A_12, %add3A_276] : memref<64x128xf32, #tpu.memory_space<vmem>>[vector<16xi32>, vector<16xi32>], vector<16xf32>,
          %scan3A_325 = arith.constant 1 : i32
          %scan3A_326 = arith.addi %scan3A_217, %scan3A_325 : i32
          %scatter3A_327 = arith.constant 0 : i32
          %scatter3A_328 = arith.constant 0 : i32
          %scatter3A_329 = arith.constant 0 : i32
          %scatter3A_330 = tpu.memref_slice %arg6[%scatter3A_327, %scatter3A_328, %scatter3A_329] : memref<2x64x128xf32, #tpu.memory_space<vmem>> -> memref<1x64x128xf32, #tpu.memory_space<vmem>>
          %scatter3A_331 = tpu.memref_squeeze %scatter3A_330 : memref<1x64x128xf32, #tpu.memory_space<vmem>> -> memref<64x128xf32, #tpu.memory_space<vmem>>
          tpu.vector_store_idx %scatter3A_331[%and3A_272, %add3A_3], %gather3A_282 : memref<64x128xf32, #tpu.memory_space<vmem>>[vector<16xi32>, vector<16xi32>], vector<16xf32>,
          %scatter3A_332 = arith.constant 0 : i32
          %scatter3A_333 = arith.constant 0 : i32
          %scatter3A_334 = arith.constant 0 : i32
          %scatter3A_335 = tpu.memref_slice %arg6[%scatter3A_332, %scatter3A_333, %scatter3A_334] : memref<2x64x128xf32, #tpu.memory_space<vmem>> -> memref<1x64x128xf32, #tpu.memory_space<vmem>>
          %scatter3A_336 = tpu.memref_squeeze %scatter3A_335 : memref<1x64x128xf32, #tpu.memory_space<vmem>> -> memref<64x128xf32, #tpu.memory_space<vmem>>
          tpu.vector_store_idx %scatter3A_336[%and3A_272, %add3A_6], %gather3A_288 : memref<64x128xf32, #tpu.memory_space<vmem>>[vector<16xi32>, vector<16xi32>], vector<16xf32>,
          %scatter3A_337 = arith.constant 0 : i32
          %scatter3A_338 = arith.constant 0 : i32
          %scatter3A_339 = arith.constant 0 : i32
          %scatter3A_340 = tpu.memref_slice %arg6[%scatter3A_337, %scatter3A_338, %scatter3A_339] : memref<2x64x128xf32, #tpu.memory_space<vmem>> -> memref<1x64x128xf32, #tpu.memory_space<vmem>>
          %scatter3A_341 = tpu.memref_squeeze %scatter3A_340 : memref<1x64x128xf32, #tpu.memory_space<vmem>> -> memref<64x128xf32, #tpu.memory_space<vmem>>
          tpu.vector_store_idx %scatter3A_341[%and3A_272, %add3A_9], %gather3A_294 : memref<64x128xf32, #tpu.memory_space<vmem>>[vector<16xi32>, vector<16xi32>], vector<16xf32>,
          %scatter3A_342 = arith.constant 0 : i32
          %scatter3A_343 = arith.constant 0 : i32
          %scatter3A_344 = arith.constant 0 : i32
          %scatter3A_345 = tpu.memref_slice %arg6[%scatter3A_342, %scatter3A_343, %scatter3A_344] : memref<2x64x128xf32, #tpu.memory_space<vmem>> -> memref<1x64x128xf32, #tpu.memory_space<vmem>>
          %scatter3A_346 = tpu.memref_squeeze %scatter3A_345 : memref<1x64x128xf32, #tpu.memory_space<vmem>> -> memref<64x128xf32, #tpu.memory_space<vmem>>
          tpu.vector_store_idx %scatter3A_346[%and3A_272, %add3A_12], %gather3A_300 : memref<64x128xf32, #tpu.memory_space<vmem>>[vector<16xi32>, vector<16xi32>], vector<16xf32>,
          %scatter3A_347 = arith.constant 0 : i32
          %scatter3A_348 = arith.constant 0 : i32
          %scatter3A_349 = arith.constant 0 : i32
          %scatter3A_350 = tpu.memref_slice %arg6[%scatter3A_347, %scatter3A_348, %scatter3A_349] : memref<2x64x128xf32, #tpu.memory_space<vmem>> -> memref<1x64x128xf32, #tpu.memory_space<vmem>>
          %scatter3A_351 = tpu.memref_squeeze %scatter3A_350 : memref<1x64x128xf32, #tpu.memory_space<vmem>> -> memref<64x128xf32, #tpu.memory_space<vmem>>
          tpu.vector_store_idx %scatter3A_351[%and3A_272, %add3A_15], %gather3A_306 : memref<64x128xf32, #tpu.memory_space<vmem>>[vector<16xi32>, vector<16xi32>], vector<16xf32>,
          %scatter3A_352 = arith.constant 0 : i32
          %scatter3A_353 = arith.constant 0 : i32
          %scatter3A_354 = arith.constant 0 : i32
          %scatter3A_355 = tpu.memref_slice %arg6[%scatter3A_352, %scatter3A_353, %scatter3A_354] : memref<2x64x128xf32, #tpu.memory_space<vmem>> -> memref<1x64x128xf32, #tpu.memory_space<vmem>>
          %scatter3A_356 = tpu.memref_squeeze %scatter3A_355 : memref<1x64x128xf32, #tpu.memory_space<vmem>> -> memref<64x128xf32, #tpu.memory_space<vmem>>
          tpu.vector_store_idx %scatter3A_356[%and3A_272, %add3A_18], %gather3A_312 : memref<64x128xf32, #tpu.memory_space<vmem>>[vector<16xi32>, vector<16xi32>], vector<16xf32>,
          %scatter3A_357 = arith.constant 0 : i32
          %scatter3A_358 = arith.constant 0 : i32
          %scatter3A_359 = arith.constant 0 : i32
          %scatter3A_360 = tpu.memref_slice %arg6[%scatter3A_357, %scatter3A_358, %scatter3A_359] : memref<2x64x128xf32, #tpu.memory_space<vmem>> -> memref<1x64x128xf32, #tpu.memory_space<vmem>>
          %scatter3A_361 = tpu.memref_squeeze %scatter3A_360 : memref<1x64x128xf32, #tpu.memory_space<vmem>> -> memref<64x128xf32, #tpu.memory_space<vmem>>
          tpu.vector_store_idx %scatter3A_361[%and3A_272, %add3A_21], %gather3A_318 : memref<64x128xf32, #tpu.memory_space<vmem>>[vector<16xi32>, vector<16xi32>], vector<16xf32>,
          %scatter3A_362 = arith.constant 0 : i32
          %scatter3A_363 = arith.constant 0 : i32
          %scatter3A_364 = arith.constant 0 : i32
          %scatter3A_365 = tpu.memref_slice %arg6[%scatter3A_362, %scatter3A_363, %scatter3A_364] : memref<2x64x128xf32, #tpu.memory_space<vmem>> -> memref<1x64x128xf32, #tpu.memory_space<vmem>>
          %scatter3A_366 = tpu.memref_squeeze %scatter3A_365 : memref<1x64x128xf32, #tpu.memory_space<vmem>> -> memref<64x128xf32, #tpu.memory_space<vmem>>
          tpu.vector_store_idx %scatter3A_366[%and3A_272, %add3A_24], %gather3A_324 : memref<64x128xf32, #tpu.memory_space<vmem>>[vector<16xi32>, vector<16xi32>], vector<16xf32>,
          %and3A_367 = arith.constant 63 : i32
          %and3A_368 = arith.andi %scan3A_326, %and3A_367 : i32
          %add3A_369 = vector.broadcast %and3A_368 : i32 to vector<16xi32>
          %add3A_370 = arith.addi %add3A_369, %iota3A : vector<16xi32>
          %and3A_371 = arith.constant 63 : i32
          %and3A_372 = vector.broadcast %and3A_371 : i32 to vector<16xi32>
          %and3A_373 = arith.andi %add3A_370, %and3A_372 : vector<16xi32>
          %add3A_374 = arith.addi %and3A_373, %and3A_373 : vector<16xi32>
          %add3A_375 = arith.constant 1 : i32
          %add3A_376 = vector.broadcast %add3A_375 : i32 to vector<16xi32>
          %add3A_377 = arith.addi %add3A_374, %add3A_376 : vector<16xi32>
          %gather3A_378 = arith.constant 0 : i32
          %gather3A_379 = arith.constant 0 : i32
          %gather3A_380 = arith.constant 0 : i32
          %gather3A_381 = tpu.memref_slice %arg5[%gather3A_378, %gather3A_379, %gather3A_380] : memref<2x64x128xf32, #tpu.memory_space<vmem>> -> memref<1x64x128xf32, #tpu.memory_space<vmem>>
          %gather3A_382 = tpu.memref_squeeze %gather3A_381 : memref<1x64x128xf32, #tpu.memory_space<vmem>> -> memref<64x128xf32, #tpu.memory_space<vmem>>
          %gather3A_383 = tpu.vector_load_idx %gather3A_382[%add3A_3, %add3A_374] : memref<64x128xf32, #tpu.memory_space<vmem>>[vector<16xi32>, vector<16xi32>], vector<16xf32>,
          %gather3A_384 = arith.constant 0 : i32
          %gather3A_385 = arith.constant 0 : i32
          %gather3A_386 = arith.constant 0 : i32
          %gather3A_387 = tpu.memref_slice %arg5[%gather3A_384, %gather3A_385, %gather3A_386] : memref<2x64x128xf32, #tpu.memory_space<vmem>> -> memref<1x64x128xf32, #tpu.memory_space<vmem>>
          %gather3A_388 = tpu.memref_squeeze %gather3A_387 : memref<1x64x128xf32, #tpu.memory_space<vmem>> -> memref<64x128xf32, #tpu.memory_space<vmem>>
          %gather3A_389 = tpu.vector_load_idx %gather3A_388[%add3A_6, %add3A_374] : memref<64x128xf32, #tpu.memory_space<vmem>>[vector<16xi32>, vector<16xi32>], vector<16xf32>,
          %gather3A_390 = arith.constant 0 : i32
          %gather3A_391 = arith.constant 0 : i32
          %gather3A_392 = arith.constant 0 : i32
          %gather3A_393 = tpu.memref_slice %arg5[%gather3A_390, %gather3A_391, %gather3A_392] : memref<2x64x128xf32, #tpu.memory_space<vmem>> -> memref<1x64x128xf32, #tpu.memory_space<vmem>>
          %gather3A_394 = tpu.memref_squeeze %gather3A_393 : memref<1x64x128xf32, #tpu.memory_space<vmem>> -> memref<64x128xf32, #tpu.memory_space<vmem>>
          %gather3A_395 = tpu.vector_load_idx %gather3A_394[%add3A_9, %add3A_374] : memref<64x128xf32, #tpu.memory_space<vmem>>[vector<16xi32>, vector<16xi32>], vector<16xf32>,
          %gather3A_396 = arith.constant 0 : i32
          %gather3A_397 = arith.constant 0 : i32
          %gather3A_398 = arith.constant 0 : i32
          %gather3A_399 = tpu.memref_slice %arg5[%gather3A_396, %gather3A_397, %gather3A_398] : memref<2x64x128xf32, #tpu.memory_space<vmem>> -> memref<1x64x128xf32, #tpu.memory_space<vmem>>
          %gather3A_400 = tpu.memref_squeeze %gather3A_399 : memref<1x64x128xf32, #tpu.memory_space<vmem>> -> memref<64x128xf32, #tpu.memory_space<vmem>>
          %gather3A_401 = tpu.vector_load_idx %gather3A_400[%add3A_12, %add3A_374] : memref<64x128xf32, #tpu.memory_space<vmem>>[vector<16xi32>, vector<16xi32>], vector<16xf32>,
          %gather3A_402 = arith.constant 0 : i32
          %gather3A_403 = arith.constant 0 : i32
          %gather3A_404 = arith.constant 0 : i32
          %gather3A_405 = tpu.memref_slice %arg5[%gather3A_402, %gather3A_403, %gather3A_404] : memref<2x64x128xf32, #tpu.memory_space<vmem>> -> memref<1x64x128xf32, #tpu.memory_space<vmem>>
          %gather3A_406 = tpu.memref_squeeze %gather3A_405 : memref<1x64x128xf32, #tpu.memory_space<vmem>> -> memref<64x128xf32, #tpu.memory_space<vmem>>
          %gather3A_407 = tpu.vector_load_idx %gather3A_406[%add3A_3, %add3A_377] : memref<64x128xf32, #tpu.memory_space<vmem>>[vector<16xi32>, vector<16xi32>], vector<16xf32>,
          %gather3A_408 = arith.constant 0 : i32
          %gather3A_409 = arith.constant 0 : i32
          %gather3A_410 = arith.constant 0 : i32
          %gather3A_411 = tpu.memref_slice %arg5[%gather3A_408, %gather3A_409, %gather3A_410] : memref<2x64x128xf32, #tpu.memory_space<vmem>> -> memref<1x64x128xf32, #tpu.memory_space<vmem>>
          %gather3A_412 = tpu.memref_squeeze %gather3A_411 : memref<1x64x128xf32, #tpu.memory_space<vmem>> -> memref<64x128xf32, #tpu.memory_space<vmem>>
          %gather3A_413 = tpu.vector_load_idx %gather3A_412[%add3A_6, %add3A_377] : memref<64x128xf32, #tpu.memory_space<vmem>>[vector<16xi32>, vector<16xi32>], vector<16xf32>,
          %gather3A_414 = arith.constant 0 : i32
          %gather3A_415 = arith.constant 0 : i32
          %gather3A_416 = arith.constant 0 : i32
          %gather3A_417 = tpu.memref_slice %arg5[%gather3A_414, %gather3A_415, %gather3A_416] : memref<2x64x128xf32, #tpu.memory_space<vmem>> -> memref<1x64x128xf32, #tpu.memory_space<vmem>>
          %gather3A_418 = tpu.memref_squeeze %gather3A_417 : memref<1x64x128xf32, #tpu.memory_space<vmem>> -> memref<64x128xf32, #tpu.memory_space<vmem>>
          %gather3A_419 = tpu.vector_load_idx %gather3A_418[%add3A_9, %add3A_377] : memref<64x128xf32, #tpu.memory_space<vmem>>[vector<16xi32>, vector<16xi32>], vector<16xf32>,
          %gather3A_420 = arith.constant 0 : i32
          %gather3A_421 = arith.constant 0 : i32
          %gather3A_422 = arith.constant 0 : i32
          %gather3A_423 = tpu.memref_slice %arg5[%gather3A_420, %gather3A_421, %gather3A_422] : memref<2x64x128xf32, #tpu.memory_space<vmem>> -> memref<1x64x128xf32, #tpu.memory_space<vmem>>
          %gather3A_424 = tpu.memref_squeeze %gather3A_423 : memref<1x64x128xf32, #tpu.memory_space<vmem>> -> memref<64x128xf32, #tpu.memory_space<vmem>>
          %gather3A_425 = tpu.vector_load_idx %gather3A_424[%add3A_12, %add3A_377] : memref<64x128xf32, #tpu.memory_space<vmem>>[vector<16xi32>, vector<16xi32>], vector<16xf32>,
          %scan3A_426 = arith.constant 2 : i32
          %scan3A_427 = arith.addi %scan3A_217, %scan3A_426 : i32
          %scatter3A_428 = arith.constant 0 : i32
          %scatter3A_429 = arith.constant 0 : i32
          %scatter3A_430 = arith.constant 0 : i32
          %scatter3A_431 = tpu.memref_slice %arg6[%scatter3A_428, %scatter3A_429, %scatter3A_430] : memref<2x64x128xf32, #tpu.memory_space<vmem>> -> memref<1x64x128xf32, #tpu.memory_space<vmem>>
          %scatter3A_432 = tpu.memref_squeeze %scatter3A_431 : memref<1x64x128xf32, #tpu.memory_space<vmem>> -> memref<64x128xf32, #tpu.memory_space<vmem>>
          tpu.vector_store_idx %scatter3A_432[%and3A_373, %add3A_3], %gather3A_383 : memref<64x128xf32, #tpu.memory_space<vmem>>[vector<16xi32>, vector<16xi32>], vector<16xf32>,
          %scatter3A_433 = arith.constant 0 : i32
          %scatter3A_434 = arith.constant 0 : i32
          %scatter3A_435 = arith.constant 0 : i32
          %scatter3A_436 = tpu.memref_slice %arg6[%scatter3A_433, %scatter3A_434, %scatter3A_435] : memref<2x64x128xf32, #tpu.memory_space<vmem>> -> memref<1x64x128xf32, #tpu.memory_space<vmem>>
          %scatter3A_437 = tpu.memref_squeeze %scatter3A_436 : memref<1x64x128xf32, #tpu.memory_space<vmem>> -> memref<64x128xf32, #tpu.memory_space<vmem>>
          tpu.vector_store_idx %scatter3A_437[%and3A_373, %add3A_6], %gather3A_389 : memref<64x128xf32, #tpu.memory_space<vmem>>[vector<16xi32>, vector<16xi32>], vector<16xf32>,
          %scatter3A_438 = arith.constant 0 : i32
          %scatter3A_439 = arith.constant 0 : i32
          %scatter3A_440 = arith.constant 0 : i32
          %scatter3A_441 = tpu.memref_slice %arg6[%scatter3A_438, %scatter3A_439, %scatter3A_440] : memref<2x64x128xf32, #tpu.memory_space<vmem>> -> memref<1x64x128xf32, #tpu.memory_space<vmem>>
          %scatter3A_442 = tpu.memref_squeeze %scatter3A_441 : memref<1x64x128xf32, #tpu.memory_space<vmem>> -> memref<64x128xf32, #tpu.memory_space<vmem>>
          tpu.vector_store_idx %scatter3A_442[%and3A_373, %add3A_9], %gather3A_395 : memref<64x128xf32, #tpu.memory_space<vmem>>[vector<16xi32>, vector<16xi32>], vector<16xf32>,
          %scatter3A_443 = arith.constant 0 : i32
          %scatter3A_444 = arith.constant 0 : i32
          %scatter3A_445 = arith.constant 0 : i32
          %scatter3A_446 = tpu.memref_slice %arg6[%scatter3A_443, %scatter3A_444, %scatter3A_445] : memref<2x64x128xf32, #tpu.memory_space<vmem>> -> memref<1x64x128xf32, #tpu.memory_space<vmem>>
          %scatter3A_447 = tpu.memref_squeeze %scatter3A_446 : memref<1x64x128xf32, #tpu.memory_space<vmem>> -> memref<64x128xf32, #tpu.memory_space<vmem>>
          tpu.vector_store_idx %scatter3A_447[%and3A_373, %add3A_12], %gather3A_401 : memref<64x128xf32, #tpu.memory_space<vmem>>[vector<16xi32>, vector<16xi32>], vector<16xf32>,
          %scatter3A_448 = arith.constant 0 : i32
          %scatter3A_449 = arith.constant 0 : i32
          %scatter3A_450 = arith.constant 0 : i32
          %scatter3A_451 = tpu.memref_slice %arg6[%scatter3A_448, %scatter3A_449, %scatter3A_450] : memref<2x64x128xf32, #tpu.memory_space<vmem>> -> memref<1x64x128xf32, #tpu.memory_space<vmem>>
          %scatter3A_452 = tpu.memref_squeeze %scatter3A_451 : memref<1x64x128xf32, #tpu.memory_space<vmem>> -> memref<64x128xf32, #tpu.memory_space<vmem>>
          tpu.vector_store_idx %scatter3A_452[%and3A_373, %add3A_15], %gather3A_407 : memref<64x128xf32, #tpu.memory_space<vmem>>[vector<16xi32>, vector<16xi32>], vector<16xf32>,
          %scatter3A_453 = arith.constant 0 : i32
          %scatter3A_454 = arith.constant 0 : i32
          %scatter3A_455 = arith.constant 0 : i32
          %scatter3A_456 = tpu.memref_slice %arg6[%scatter3A_453, %scatter3A_454, %scatter3A_455] : memref<2x64x128xf32, #tpu.memory_space<vmem>> -> memref<1x64x128xf32, #tpu.memory_space<vmem>>
          %scatter3A_457 = tpu.memref_squeeze %scatter3A_456 : memref<1x64x128xf32, #tpu.memory_space<vmem>> -> memref<64x128xf32, #tpu.memory_space<vmem>>
          tpu.vector_store_idx %scatter3A_457[%and3A_373, %add3A_18], %gather3A_413 : memref<64x128xf32, #tpu.memory_space<vmem>>[vector<16xi32>, vector<16xi32>], vector<16xf32>,
          %scatter3A_458 = arith.constant 0 : i32
          %scatter3A_459 = arith.constant 0 : i32
          %scatter3A_460 = arith.constant 0 : i32
          %scatter3A_461 = tpu.memref_slice %arg6[%scatter3A_458, %scatter3A_459, %scatter3A_460] : memref<2x64x128xf32, #tpu.memory_space<vmem>> -> memref<1x64x128xf32, #tpu.memory_space<vmem>>
          %scatter3A_462 = tpu.memref_squeeze %scatter3A_461 : memref<1x64x128xf32, #tpu.memory_space<vmem>> -> memref<64x128xf32, #tpu.memory_space<vmem>>
          tpu.vector_store_idx %scatter3A_462[%and3A_373, %add3A_21], %gather3A_419 : memref<64x128xf32, #tpu.memory_space<vmem>>[vector<16xi32>, vector<16xi32>], vector<16xf32>,
          %scatter3A_463 = arith.constant 0 : i32
          %scatter3A_464 = arith.constant 0 : i32
          %scatter3A_465 = arith.constant 0 : i32
          %scatter3A_466 = tpu.memref_slice %arg6[%scatter3A_463, %scatter3A_464, %scatter3A_465] : memref<2x64x128xf32, #tpu.memory_space<vmem>> -> memref<1x64x128xf32, #tpu.memory_space<vmem>>
          %scatter3A_467 = tpu.memref_squeeze %scatter3A_466 : memref<1x64x128xf32, #tpu.memory_space<vmem>> -> memref<64x128xf32, #tpu.memory_space<vmem>>
          tpu.vector_store_idx %scatter3A_467[%and3A_373, %add3A_24], %gather3A_425 : memref<64x128xf32, #tpu.memory_space<vmem>>[vector<16xi32>, vector<16xi32>], vector<16xf32>,
          %and3A_468 = arith.constant 63 : i32
          %and3A_469 = arith.andi %scan3A_427, %and3A_468 : i32
          %add3A_470 = vector.broadcast %and3A_469 : i32 to vector<16xi32>
          %add3A_471 = arith.addi %add3A_470, %iota3A : vector<16xi32>
          %and3A_472 = arith.constant 63 : i32
          %and3A_473 = vector.broadcast %and3A_472 : i32 to vector<16xi32>
          %and3A_474 = arith.andi %add3A_471, %and3A_473 : vector<16xi32>
          %add3A_475 = arith.addi %and3A_474, %and3A_474 : vector<16xi32>
          %add3A_476 = arith.constant 1 : i32
          %add3A_477 = vector.broadcast %add3A_476 : i32 to vector<16xi32>
          %add3A_478 = arith.addi %add3A_475, %add3A_477 : vector<16xi32>
          %gather3A_479 = arith.constant 0 : i32
          %gather3A_480 = arith.constant 0 : i32
          %gather3A_481 = arith.constant 0 : i32
          %gather3A_482 = tpu.memref_slice %arg5[%gather3A_479, %gather3A_480, %gather3A_481] : memref<2x64x128xf32, #tpu.memory_space<vmem>> -> memref<1x64x128xf32, #tpu.memory_space<vmem>>
          %gather3A_483 = tpu.memref_squeeze %gather3A_482 : memref<1x64x128xf32, #tpu.memory_space<vmem>> -> memref<64x128xf32, #tpu.memory_space<vmem>>
          %gather3A_484 = tpu.vector_load_idx %gather3A_483[%add3A_3, %add3A_475] : memref<64x128xf32, #tpu.memory_space<vmem>>[vector<16xi32>, vector<16xi32>], vector<16xf32>,
          %gather3A_485 = arith.constant 0 : i32
          %gather3A_486 = arith.constant 0 : i32
          %gather3A_487 = arith.constant 0 : i32
          %gather3A_488 = tpu.memref_slice %arg5[%gather3A_485, %gather3A_486, %gather3A_487] : memref<2x64x128xf32, #tpu.memory_space<vmem>> -> memref<1x64x128xf32, #tpu.memory_space<vmem>>
          %gather3A_489 = tpu.memref_squeeze %gather3A_488 : memref<1x64x128xf32, #tpu.memory_space<vmem>> -> memref<64x128xf32, #tpu.memory_space<vmem>>
          %gather3A_490 = tpu.vector_load_idx %gather3A_489[%add3A_6, %add3A_475] : memref<64x128xf32, #tpu.memory_space<vmem>>[vector<16xi32>, vector<16xi32>], vector<16xf32>,
          %gather3A_491 = arith.constant 0 : i32
          %gather3A_492 = arith.constant 0 : i32
          %gather3A_493 = arith.constant 0 : i32
          %gather3A_494 = tpu.memref_slice %arg5[%gather3A_491, %gather3A_492, %gather3A_493] : memref<2x64x128xf32, #tpu.memory_space<vmem>> -> memref<1x64x128xf32, #tpu.memory_space<vmem>>
          %gather3A_495 = tpu.memref_squeeze %gather3A_494 : memref<1x64x128xf32, #tpu.memory_space<vmem>> -> memref<64x128xf32, #tpu.memory_space<vmem>>
          %gather3A_496 = tpu.vector_load_idx %gather3A_495[%add3A_9, %add3A_475] : memref<64x128xf32, #tpu.memory_space<vmem>>[vector<16xi32>, vector<16xi32>], vector<16xf32>,
          %gather3A_497 = arith.constant 0 : i32
          %gather3A_498 = arith.constant 0 : i32
          %gather3A_499 = arith.constant 0 : i32
          %gather3A_500 = tpu.memref_slice %arg5[%gather3A_497, %gather3A_498, %gather3A_499] : memref<2x64x128xf32, #tpu.memory_space<vmem>> -> memref<1x64x128xf32, #tpu.memory_space<vmem>>
          %gather3A_501 = tpu.memref_squeeze %gather3A_500 : memref<1x64x128xf32, #tpu.memory_space<vmem>> -> memref<64x128xf32, #tpu.memory_space<vmem>>
          %gather3A_502 = tpu.vector_load_idx %gather3A_501[%add3A_12, %add3A_475] : memref<64x128xf32, #tpu.memory_space<vmem>>[vector<16xi32>, vector<16xi32>], vector<16xf32>,
          %gather3A_503 = arith.constant 0 : i32
          %gather3A_504 = arith.constant 0 : i32
          %gather3A_505 = arith.constant 0 : i32
          %gather3A_506 = tpu.memref_slice %arg5[%gather3A_503, %gather3A_504, %gather3A_505] : memref<2x64x128xf32, #tpu.memory_space<vmem>> -> memref<1x64x128xf32, #tpu.memory_space<vmem>>
          %gather3A_507 = tpu.memref_squeeze %gather3A_506 : memref<1x64x128xf32, #tpu.memory_space<vmem>> -> memref<64x128xf32, #tpu.memory_space<vmem>>
          %gather3A_508 = tpu.vector_load_idx %gather3A_507[%add3A_3, %add3A_478] : memref<64x128xf32, #tpu.memory_space<vmem>>[vector<16xi32>, vector<16xi32>], vector<16xf32>,
          %gather3A_509 = arith.constant 0 : i32
          %gather3A_510 = arith.constant 0 : i32
          %gather3A_511 = arith.constant 0 : i32
          %gather3A_512 = tpu.memref_slice %arg5[%gather3A_509, %gather3A_510, %gather3A_511] : memref<2x64x128xf32, #tpu.memory_space<vmem>> -> memref<1x64x128xf32, #tpu.memory_space<vmem>>
          %gather3A_513 = tpu.memref_squeeze %gather3A_512 : memref<1x64x128xf32, #tpu.memory_space<vmem>> -> memref<64x128xf32, #tpu.memory_space<vmem>>
          %gather3A_514 = tpu.vector_load_idx %gather3A_513[%add3A_6, %add3A_478] : memref<64x128xf32, #tpu.memory_space<vmem>>[vector<16xi32>, vector<16xi32>], vector<16xf32>,
          %gather3A_515 = arith.constant 0 : i32
          %gather3A_516 = arith.constant 0 : i32
          %gather3A_517 = arith.constant 0 : i32
          %gather3A_518 = tpu.memref_slice %arg5[%gather3A_515, %gather3A_516, %gather3A_517] : memref<2x64x128xf32, #tpu.memory_space<vmem>> -> memref<1x64x128xf32, #tpu.memory_space<vmem>>
          %gather3A_519 = tpu.memref_squeeze %gather3A_518 : memref<1x64x128xf32, #tpu.memory_space<vmem>> -> memref<64x128xf32, #tpu.memory_space<vmem>>
          %gather3A_520 = tpu.vector_load_idx %gather3A_519[%add3A_9, %add3A_478] : memref<64x128xf32, #tpu.memory_space<vmem>>[vector<16xi32>, vector<16xi32>], vector<16xf32>,
          %gather3A_521 = arith.constant 0 : i32
          %gather3A_522 = arith.constant 0 : i32
          %gather3A_523 = arith.constant 0 : i32
          %gather3A_524 = tpu.memref_slice %arg5[%gather3A_521, %gather3A_522, %gather3A_523] : memref<2x64x128xf32, #tpu.memory_space<vmem>> -> memref<1x64x128xf32, #tpu.memory_space<vmem>>
          %gather3A_525 = tpu.memref_squeeze %gather3A_524 : memref<1x64x128xf32, #tpu.memory_space<vmem>> -> memref<64x128xf32, #tpu.memory_space<vmem>>
          %gather3A_526 = tpu.vector_load_idx %gather3A_525[%add3A_12, %add3A_478] : memref<64x128xf32, #tpu.memory_space<vmem>>[vector<16xi32>, vector<16xi32>], vector<16xf32>,
          %scan3A_527 = arith.constant 3 : i32
          %scan3A_528 = arith.addi %scan3A_217, %scan3A_527 : i32
          %scatter3A_529 = arith.constant 0 : i32
          %scatter3A_530 = arith.constant 0 : i32
          %scatter3A_531 = arith.constant 0 : i32
          %scatter3A_532 = tpu.memref_slice %arg6[%scatter3A_529, %scatter3A_530, %scatter3A_531] : memref<2x64x128xf32, #tpu.memory_space<vmem>> -> memref<1x64x128xf32, #tpu.memory_space<vmem>>
          %scatter3A_533 = tpu.memref_squeeze %scatter3A_532 : memref<1x64x128xf32, #tpu.memory_space<vmem>> -> memref<64x128xf32, #tpu.memory_space<vmem>>
          tpu.vector_store_idx %scatter3A_533[%and3A_474, %add3A_3], %gather3A_484 : memref<64x128xf32, #tpu.memory_space<vmem>>[vector<16xi32>, vector<16xi32>], vector<16xf32>,
          %scatter3A_534 = arith.constant 0 : i32
          %scatter3A_535 = arith.constant 0 : i32
          %scatter3A_536 = arith.constant 0 : i32
          %scatter3A_537 = tpu.memref_slice %arg6[%scatter3A_534, %scatter3A_535, %scatter3A_536] : memref<2x64x128xf32, #tpu.memory_space<vmem>> -> memref<1x64x128xf32, #tpu.memory_space<vmem>>
          %scatter3A_538 = tpu.memref_squeeze %scatter3A_537 : memref<1x64x128xf32, #tpu.memory_space<vmem>> -> memref<64x128xf32, #tpu.memory_space<vmem>>
          tpu.vector_store_idx %scatter3A_538[%and3A_474, %add3A_6], %gather3A_490 : memref<64x128xf32, #tpu.memory_space<vmem>>[vector<16xi32>, vector<16xi32>], vector<16xf32>,
          %scatter3A_539 = arith.constant 0 : i32
          %scatter3A_540 = arith.constant 0 : i32
          %scatter3A_541 = arith.constant 0 : i32
          %scatter3A_542 = tpu.memref_slice %arg6[%scatter3A_539, %scatter3A_540, %scatter3A_541] : memref<2x64x128xf32, #tpu.memory_space<vmem>> -> memref<1x64x128xf32, #tpu.memory_space<vmem>>
          %scatter3A_543 = tpu.memref_squeeze %scatter3A_542 : memref<1x64x128xf32, #tpu.memory_space<vmem>> -> memref<64x128xf32, #tpu.memory_space<vmem>>
          tpu.vector_store_idx %scatter3A_543[%and3A_474, %add3A_9], %gather3A_496 : memref<64x128xf32, #tpu.memory_space<vmem>>[vector<16xi32>, vector<16xi32>], vector<16xf32>,
          %scatter3A_544 = arith.constant 0 : i32
          %scatter3A_545 = arith.constant 0 : i32
          %scatter3A_546 = arith.constant 0 : i32
          %scatter3A_547 = tpu.memref_slice %arg6[%scatter3A_544, %scatter3A_545, %scatter3A_546] : memref<2x64x128xf32, #tpu.memory_space<vmem>> -> memref<1x64x128xf32, #tpu.memory_space<vmem>>
          %scatter3A_548 = tpu.memref_squeeze %scatter3A_547 : memref<1x64x128xf32, #tpu.memory_space<vmem>> -> memref<64x128xf32, #tpu.memory_space<vmem>>
          tpu.vector_store_idx %scatter3A_548[%and3A_474, %add3A_12], %gather3A_502 : memref<64x128xf32, #tpu.memory_space<vmem>>[vector<16xi32>, vector<16xi32>], vector<16xf32>,
          %scatter3A_549 = arith.constant 0 : i32
          %scatter3A_550 = arith.constant 0 : i32
          %scatter3A_551 = arith.constant 0 : i32
          %scatter3A_552 = tpu.memref_slice %arg6[%scatter3A_549, %scatter3A_550, %scatter3A_551] : memref<2x64x128xf32, #tpu.memory_space<vmem>> -> memref<1x64x128xf32, #tpu.memory_space<vmem>>
          %scatter3A_553 = tpu.memref_squeeze %scatter3A_552 : memref<1x64x128xf32, #tpu.memory_space<vmem>> -> memref<64x128xf32, #tpu.memory_space<vmem>>
          tpu.vector_store_idx %scatter3A_553[%and3A_474, %add3A_15], %gather3A_508 : memref<64x128xf32, #tpu.memory_space<vmem>>[vector<16xi32>, vector<16xi32>], vector<16xf32>,
          %scatter3A_554 = arith.constant 0 : i32
          %scatter3A_555 = arith.constant 0 : i32
          %scatter3A_556 = arith.constant 0 : i32
          %scatter3A_557 = tpu.memref_slice %arg6[%scatter3A_554, %scatter3A_555, %scatter3A_556] : memref<2x64x128xf32, #tpu.memory_space<vmem>> -> memref<1x64x128xf32, #tpu.memory_space<vmem>>
          %scatter3A_558 = tpu.memref_squeeze %scatter3A_557 : memref<1x64x128xf32, #tpu.memory_space<vmem>> -> memref<64x128xf32, #tpu.memory_space<vmem>>
          tpu.vector_store_idx %scatter3A_558[%and3A_474, %add3A_18], %gather3A_514 : memref<64x128xf32, #tpu.memory_space<vmem>>[vector<16xi32>, vector<16xi32>], vector<16xf32>,
          %scatter3A_559 = arith.constant 0 : i32
          %scatter3A_560 = arith.constant 0 : i32
          %scatter3A_561 = arith.constant 0 : i32
          %scatter3A_562 = tpu.memref_slice %arg6[%scatter3A_559, %scatter3A_560, %scatter3A_561] : memref<2x64x128xf32, #tpu.memory_space<vmem>> -> memref<1x64x128xf32, #tpu.memory_space<vmem>>
          %scatter3A_563 = tpu.memref_squeeze %scatter3A_562 : memref<1x64x128xf32, #tpu.memory_space<vmem>> -> memref<64x128xf32, #tpu.memory_space<vmem>>
          tpu.vector_store_idx %scatter3A_563[%and3A_474, %add3A_21], %gather3A_520 : memref<64x128xf32, #tpu.memory_space<vmem>>[vector<16xi32>, vector<16xi32>], vector<16xf32>,
          %scatter3A_564 = arith.constant 0 : i32
          %scatter3A_565 = arith.constant 0 : i32
          %scatter3A_566 = arith.constant 0 : i32
          %scatter3A_567 = tpu.memref_slice %arg6[%scatter3A_564, %scatter3A_565, %scatter3A_566] : memref<2x64x128xf32, #tpu.memory_space<vmem>> -> memref<1x64x128xf32, #tpu.memory_space<vmem>>
          %scatter3A_568 = tpu.memref_squeeze %scatter3A_567 : memref<1x64x128xf32, #tpu.memory_space<vmem>> -> memref<64x128xf32, #tpu.memory_space<vmem>>
          tpu.vector_store_idx %scatter3A_568[%and3A_474, %add3A_24], %gather3A_526 : memref<64x128xf32, #tpu.memory_space<vmem>>[vector<16xi32>, vector<16xi32>], vector<16xf32>,
          %and3A_569 = arith.constant 63 : i32
          %and3A_570 = arith.andi %scan3A_528, %and3A_569 : i32
          %add3A_571 = vector.broadcast %and3A_570 : i32 to vector<16xi32>
          %add3A_572 = arith.addi %add3A_571, %iota3A : vector<16xi32>
          %and3A_573 = arith.constant 63 : i32
          %and3A_574 = vector.broadcast %and3A_573 : i32 to vector<16xi32>
          %and3A_575 = arith.andi %add3A_572, %and3A_574 : vector<16xi32>
          %add3A_576 = arith.addi %and3A_575, %and3A_575 : vector<16xi32>
          %add3A_577 = arith.constant 1 : i32
          %add3A_578 = vector.broadcast %add3A_577 : i32 to vector<16xi32>
          %add3A_579 = arith.addi %add3A_576, %add3A_578 : vector<16xi32>
          %gather3A_580 = arith.constant 0 : i32
          %gather3A_581 = arith.constant 0 : i32
          %gather3A_582 = arith.constant 0 : i32
          %gather3A_583 = tpu.memref_slice %arg5[%gather3A_580, %gather3A_581, %gather3A_582] : memref<2x64x128xf32, #tpu.memory_space<vmem>> -> memref<1x64x128xf32, #tpu.memory_space<vmem>>
          %gather3A_584 = tpu.memref_squeeze %gather3A_583 : memref<1x64x128xf32, #tpu.memory_space<vmem>> -> memref<64x128xf32, #tpu.memory_space<vmem>>
          %gather3A_585 = tpu.vector_load_idx %gather3A_584[%add3A_3, %add3A_576] : memref<64x128xf32, #tpu.memory_space<vmem>>[vector<16xi32>, vector<16xi32>], vector<16xf32>,
          %gather3A_586 = arith.constant 0 : i32
          %gather3A_587 = arith.constant 0 : i32
          %gather3A_588 = arith.constant 0 : i32
          %gather3A_589 = tpu.memref_slice %arg5[%gather3A_586, %gather3A_587, %gather3A_588] : memref<2x64x128xf32, #tpu.memory_space<vmem>> -> memref<1x64x128xf32, #tpu.memory_space<vmem>>
          %gather3A_590 = tpu.memref_squeeze %gather3A_589 : memref<1x64x128xf32, #tpu.memory_space<vmem>> -> memref<64x128xf32, #tpu.memory_space<vmem>>
          %gather3A_591 = tpu.vector_load_idx %gather3A_590[%add3A_6, %add3A_576] : memref<64x128xf32, #tpu.memory_space<vmem>>[vector<16xi32>, vector<16xi32>], vector<16xf32>,
          %gather3A_592 = arith.constant 0 : i32
          %gather3A_593 = arith.constant 0 : i32
          %gather3A_594 = arith.constant 0 : i32
          %gather3A_595 = tpu.memref_slice %arg5[%gather3A_592, %gather3A_593, %gather3A_594] : memref<2x64x128xf32, #tpu.memory_space<vmem>> -> memref<1x64x128xf32, #tpu.memory_space<vmem>>
          %gather3A_596 = tpu.memref_squeeze %gather3A_595 : memref<1x64x128xf32, #tpu.memory_space<vmem>> -> memref<64x128xf32, #tpu.memory_space<vmem>>
          %gather3A_597 = tpu.vector_load_idx %gather3A_596[%add3A_9, %add3A_576] : memref<64x128xf32, #tpu.memory_space<vmem>>[vector<16xi32>, vector<16xi32>], vector<16xf32>,
          %gather3A_598 = arith.constant 0 : i32
          %gather3A_599 = arith.constant 0 : i32
          %gather3A_600 = arith.constant 0 : i32
          %gather3A_601 = tpu.memref_slice %arg5[%gather3A_598, %gather3A_599, %gather3A_600] : memref<2x64x128xf32, #tpu.memory_space<vmem>> -> memref<1x64x128xf32, #tpu.memory_space<vmem>>
          %gather3A_602 = tpu.memref_squeeze %gather3A_601 : memref<1x64x128xf32, #tpu.memory_space<vmem>> -> memref<64x128xf32, #tpu.memory_space<vmem>>
          %gather3A_603 = tpu.vector_load_idx %gather3A_602[%add3A_12, %add3A_576] : memref<64x128xf32, #tpu.memory_space<vmem>>[vector<16xi32>, vector<16xi32>], vector<16xf32>,
          %gather3A_604 = arith.constant 0 : i32
          %gather3A_605 = arith.constant 0 : i32
          %gather3A_606 = arith.constant 0 : i32
          %gather3A_607 = tpu.memref_slice %arg5[%gather3A_604, %gather3A_605, %gather3A_606] : memref<2x64x128xf32, #tpu.memory_space<vmem>> -> memref<1x64x128xf32, #tpu.memory_space<vmem>>
          %gather3A_608 = tpu.memref_squeeze %gather3A_607 : memref<1x64x128xf32, #tpu.memory_space<vmem>> -> memref<64x128xf32, #tpu.memory_space<vmem>>
          %gather3A_609 = tpu.vector_load_idx %gather3A_608[%add3A_3, %add3A_579] : memref<64x128xf32, #tpu.memory_space<vmem>>[vector<16xi32>, vector<16xi32>], vector<16xf32>,
          %gather3A_610 = arith.constant 0 : i32
          %gather3A_611 = arith.constant 0 : i32
          %gather3A_612 = arith.constant 0 : i32
          %gather3A_613 = tpu.memref_slice %arg5[%gather3A_610, %gather3A_611, %gather3A_612] : memref<2x64x128xf32, #tpu.memory_space<vmem>> -> memref<1x64x128xf32, #tpu.memory_space<vmem>>
          %gather3A_614 = tpu.memref_squeeze %gather3A_613 : memref<1x64x128xf32, #tpu.memory_space<vmem>> -> memref<64x128xf32, #tpu.memory_space<vmem>>
          %gather3A_615 = tpu.vector_load_idx %gather3A_614[%add3A_6, %add3A_579] : memref<64x128xf32, #tpu.memory_space<vmem>>[vector<16xi32>, vector<16xi32>], vector<16xf32>,
          %gather3A_616 = arith.constant 0 : i32
          %gather3A_617 = arith.constant 0 : i32
          %gather3A_618 = arith.constant 0 : i32
          %gather3A_619 = tpu.memref_slice %arg5[%gather3A_616, %gather3A_617, %gather3A_618] : memref<2x64x128xf32, #tpu.memory_space<vmem>> -> memref<1x64x128xf32, #tpu.memory_space<vmem>>
          %gather3A_620 = tpu.memref_squeeze %gather3A_619 : memref<1x64x128xf32, #tpu.memory_space<vmem>> -> memref<64x128xf32, #tpu.memory_space<vmem>>
          %gather3A_621 = tpu.vector_load_idx %gather3A_620[%add3A_9, %add3A_579] : memref<64x128xf32, #tpu.memory_space<vmem>>[vector<16xi32>, vector<16xi32>], vector<16xf32>,
          %gather3A_622 = arith.constant 0 : i32
          %gather3A_623 = arith.constant 0 : i32
          %gather3A_624 = arith.constant 0 : i32
          %gather3A_625 = tpu.memref_slice %arg5[%gather3A_622, %gather3A_623, %gather3A_624] : memref<2x64x128xf32, #tpu.memory_space<vmem>> -> memref<1x64x128xf32, #tpu.memory_space<vmem>>
          %gather3A_626 = tpu.memref_squeeze %gather3A_625 : memref<1x64x128xf32, #tpu.memory_space<vmem>> -> memref<64x128xf32, #tpu.memory_space<vmem>>
          %gather3A_627 = tpu.vector_load_idx %gather3A_626[%add3A_12, %add3A_579] : memref<64x128xf32, #tpu.memory_space<vmem>>[vector<16xi32>, vector<16xi32>], vector<16xf32>,
          scf.yield %gather3A_585, %gather3A_591, %gather3A_597, %gather3A_603, %gather3A_609, %gather3A_615, %gather3A_621, %gather3A_627, %and3A_575 : vector<16xf32>, vector<16xf32>, vector<16xf32>, vector<16xf32>, vector<16xf32>, vector<16xf32>, vector<16xf32>, vector<16xf32>, vector<16xi32>
        }
        %scan3A_204 = arith.constant 64 : i32
        %delay3A = arith.constant 100 : i32
        tpu.delay %delay3A
        %mul3A_205 = arith.constant 32 : i32
        %mul3A_206 = arith.muli %mul3A_82, %mul3A_205 : i32
        %add3A_207 = arith.addi %add3A, %mul3A_206 : i32
        %lt3A_208 = arith.constant 7812 : i32
        %lt3A_209 = arith.cmpi slt, %add3A_207, %lt3A_208 : i32
        %convert_element_type3A_210 = arith.extui %lt3A_209 : i1 to i32
        %cond3A_211 = arith.constant 0 : i32
        %cond3A_212 = arith.cmpi ne, %convert_element_type3A_210, %cond3A_211 : i32
        scf.if %cond3A_212 {
          %mul3A_217 = arith.constant 64 : i32
          %mul3A_218 = arith.muli %add3A_207, %mul3A_217 : i32
          %dma_start3A = arith.constant 0 : i32
          %dma_start3A_219 = arith.constant 0 : i32
          %dma_start3A_220 = arith.constant 0 : i32
          %dma_start3A_221 = arith.constant 0 : i32
          %dma_start3A_222 = tpu.memref_slice %arg6[%dma_start3A, %dma_start3A_220, %dma_start3A_221] : memref<2x64x128xf32, #tpu.memory_space<vmem>> -> memref<1x64x128xf32, #tpu.memory_space<vmem>>
          %dma_start3A_223 = tpu.memref_squeeze %dma_start3A_222 : memref<1x64x128xf32, #tpu.memory_space<vmem>> -> memref<64x128xf32, #tpu.memory_space<vmem>>
          %dma_start3A_224 = arith.constant 0 : i32
          %dma_start3A_225 = tpu.memref_slice %arg4[%mul3A_218, %dma_start3A_224] : memref<500000x128xf32, #tpu.memory_space<hbm>> -> memref<64x128xf32, #tpu.memory_space<hbm>>
          %dma_start3A_226 = tpu.memref_slice %arg8[%dma_start3A_219] : memref<2x!tpu.dma_semaphore, #tpu.memory_space<semaphore_mem>> -> memref<1x!tpu.dma_semaphore, #tpu.memory_space<semaphore_mem>>
          %dma_start3A_227 = tpu.memref_squeeze %dma_start3A_226 : memref<1x!tpu.dma_semaphore, #tpu.memory_space<semaphore_mem>> -> memref<!tpu.dma_semaphore, #tpu.memory_space<semaphore_mem>>
          %dma_start3A_228 = arith.constant 0 : i32
          %dma_start3A_229 = tpu.memref_slice %arg4[%mul3A_218, %dma_start3A_228] : memref<500000x128xf32, #tpu.memory_space<hbm>> -> memref<64x128xf32, #tpu.memory_space<hbm>>
          %dma_start3A_230 = arith.constant 0 : i32
          %dma_start3A_231 = arith.constant 0 : i32
          %dma_start3A_232 = tpu.memref_slice %arg6[%dma_start3A, %dma_start3A_230, %dma_start3A_231] : memref<2x64x128xf32, #tpu.memory_space<vmem>> -> memref<1x64x128xf32, #tpu.memory_space<vmem>>
          %dma_start3A_233 = tpu.memref_squeeze %dma_start3A_232 : memref<1x64x128xf32, #tpu.memory_space<vmem>> -> memref<64x128xf32, #tpu.memory_space<vmem>>
          tpu.enqueue_dma source(%dma_start3A_233 : memref<64x128xf32, #tpu.memory_space<vmem>>) target(%dma_start3A_229 : memref<64x128xf32, #tpu.memory_space<hbm>>) target_semaphore(%dma_start3A_227 : memref<!tpu.dma_semaphore, #tpu.memory_space<semaphore_mem>>)
        } else {
        }
        %eq3A = arith.constant 7812 : i32
        %eq3A_213 = arith.cmpi eq, %add3A_207, %eq3A : i32
        %convert_element_type3A_214 = arith.extui %eq3A_213 : i1 to i32
        %cond3A_215 = arith.constant 0 : i32
        %cond3A_216 = arith.cmpi ne, %convert_element_type3A_214, %cond3A_215 : i32
        scf.if %cond3A_216 {
          %mul3A_217 = arith.constant 64 : i32
          %mul3A_218 = arith.muli %add3A_207, %mul3A_217 : i32
          %dma_start3A = arith.constant 0 : i32
          %dma_start3A_219 = arith.constant 0 : i32
          %dma_start3A_220 = arith.constant 0 : i32
          %dma_start3A_221 = arith.constant 0 : i32
          %dma_start3A_222 = tpu.memref_slice %arg6[%dma_start3A, %dma_start3A_220, %dma_start3A_221] : memref<2x64x128xf32, #tpu.memory_space<vmem>> -> memref<1x32x128xf32, #tpu.memory_space<vmem>>
          %dma_start3A_223 = tpu.memref_squeeze %dma_start3A_222 : memref<1x32x128xf32, #tpu.memory_space<vmem>> -> memref<32x128xf32, #tpu.memory_space<vmem>>
          %dma_start3A_224 = arith.constant 0 : i32
          %dma_start3A_225 = tpu.memref_slice %arg4[%mul3A_218, %dma_start3A_224] : memref<500000x128xf32, #tpu.memory_space<hbm>> -> memref<32x128xf32, #tpu.memory_space<hbm>>
          %dma_start3A_226 = tpu.memref_slice %arg8[%dma_start3A_219] : memref<2x!tpu.dma_semaphore, #tpu.memory_space<semaphore_mem>> -> memref<1x!tpu.dma_semaphore, #tpu.memory_space<semaphore_mem>>
          %dma_start3A_227 = tpu.memref_squeeze %dma_start3A_226 : memref<1x!tpu.dma_semaphore, #tpu.memory_space<semaphore_mem>> -> memref<!tpu.dma_semaphore, #tpu.memory_space<semaphore_mem>>
          %dma_start3A_228 = arith.constant 0 : i32
          %dma_start3A_229 = tpu.memref_slice %arg4[%mul3A_218, %dma_start3A_228] : memref<500000x128xf32, #tpu.memory_space<hbm>> -> memref<32x128xf32, #tpu.memory_space<hbm>>
          %dma_start3A_230 = arith.constant 0 : i32
          %dma_start3A_231 = arith.constant 0 : i32
          %dma_start3A_232 = tpu.memref_slice %arg6[%dma_start3A, %dma_start3A_230, %dma_start3A_231] : memref<2x64x128xf32, #tpu.memory_space<vmem>> -> memref<1x32x128xf32, #tpu.memory_space<vmem>>
          %dma_start3A_233 = tpu.memref_squeeze %dma_start3A_232 : memref<1x32x128xf32, #tpu.memory_space<vmem>> -> memref<32x128xf32, #tpu.memory_space<vmem>>
          tpu.enqueue_dma source(%dma_start3A_233 : memref<32x128xf32, #tpu.memory_space<vmem>>) target(%dma_start3A_229 : memref<32x128xf32, #tpu.memory_space<hbm>>) target_semaphore(%dma_start3A_227 : memref<!tpu.dma_semaphore, #tpu.memory_space<semaphore_mem>>)
        } else {
        }
      } else {
      }
      %mul3A_109 = arith.constant 2 : i32
      %mul3A_110 = arith.muli %mul3A_109, %scan3A_80 : i32
      %add3A_111 = arith.constant 1 : i32
      %add3A_112 = arith.addi %mul3A_110, %add3A_111 : i32
      %mul3A_113 = arith.constant 32 : i32
      %mul3A_114 = arith.muli %add3A_112, %mul3A_113 : i32
      %add3A_115 = arith.addi %add3A, %mul3A_114 : i32
      %lt3A_116 = arith.constant 7813 : i32
      %lt3A_117 = arith.cmpi slt, %add3A_115, %lt3A_116 : i32
      %convert_element_type3A_118 = arith.extui %lt3A_117 : i1 to i32
      %cond3A_119 = arith.constant 0 : i32
      %cond3A_120 = arith.cmpi ne, %convert_element_type3A_118, %cond3A_119 : i32
      scf.if %cond3A_120 {
        %mul3A_139 = arith.constant 32 : i32
        %mul3A_140 = arith.muli %add3A_112, %mul3A_139 : i32
        %add3A_141 = arith.addi %add3A, %mul3A_140 : i32
        %lt3A_142 = arith.constant 7812 : i32
        %lt3A_143 = arith.cmpi slt, %add3A_141, %lt3A_142 : i32
        %convert_element_type3A_144 = arith.extui %lt3A_143 : i1 to i32
        %cond3A_145 = arith.constant 0 : i32
        %cond3A_146 = arith.cmpi ne, %convert_element_type3A_144, %cond3A_145 : i32
        scf.if %cond3A_146 {
          %mul3A_151 = arith.constant 128 : i32
          %mul3A_152 = arith.muli %add3A_141, %mul3A_151 : i32
          %dma_wait3A = arith.constant 1 : i32
          %dma_wait3A_153 = arith.constant 1 : i32
          %dma_wait3A_154 = arith.constant 0 : i32
          %dma_wait3A_155 = arith.constant 0 : i32
          %dma_wait3A_156 = tpu.memref_slice %arg5[%dma_wait3A, %dma_wait3A_154, %dma_wait3A_155] : memref<2x64x128xf32, #tpu.memory_space<vmem>> -> memref<1x64x128xf32, #tpu.memory_space<vmem>>
          %dma_wait3A_157 = tpu.memref_squeeze %dma_wait3A_156 : memref<1x64x128xf32, #tpu.memory_space<vmem>> -> memref<64x128xf32, #tpu.memory_space<vmem>>
          %dma_wait3A_158 = arith.constant 0 : i32
          %dma_wait3A_159 = tpu.memref_slice %arg2[%dma_wait3A_158, %mul3A_152] : memref<64x1000000xf32, #tpu.memory_space<hbm>> -> memref<64x128xf32, #tpu.memory_space<hbm>>
          %dma_wait3A_160 = tpu.memref_slice %arg7[%dma_wait3A_153] : memref<2x!tpu.dma_semaphore, #tpu.memory_space<semaphore_mem>> -> memref<1x!tpu.dma_semaphore, #tpu.memory_space<semaphore_mem>>
          %dma_wait3A_161 = tpu.memref_squeeze %dma_wait3A_160 : memref<1x!tpu.dma_semaphore, #tpu.memory_space<semaphore_mem>> -> memref<!tpu.dma_semaphore, #tpu.memory_space<semaphore_mem>>
          %dma_wait3A_162 = arith.constant 0 : i32
          %dma_wait3A_163 = arith.constant 0 : i32
          %dma_wait3A_164 = tpu.memref_slice %arg5[%dma_wait3A, %dma_wait3A_162, %dma_wait3A_163] : memref<2x64x128xf32, #tpu.memory_space<vmem>> -> memref<1x64x128xf32, #tpu.memory_space<vmem>>
          %dma_wait3A_165 = tpu.memref_squeeze %dma_wait3A_164 : memref<1x64x128xf32, #tpu.memory_space<vmem>> -> memref<64x128xf32, #tpu.memory_space<vmem>>
          %dma_wait3A_166 = arith.constant 0 : i32
          %dma_wait3A_167 = tpu.memref_slice %arg2[%dma_wait3A_166, %mul3A_152] : memref<64x1000000xf32, #tpu.memory_space<hbm>> -> memref<64x128xf32, #tpu.memory_space<hbm>>
          tpu.wait_dma2 semaphore(%dma_wait3A_161 : memref<!tpu.dma_semaphore, #tpu.memory_space<semaphore_mem>>) src(%dma_wait3A_167 : memref<64x128xf32, #tpu.memory_space<hbm>>) dst(%dma_wait3A_165 : memref<64x128xf32, #tpu.memory_space<vmem>>)
        } else {
        }
        %eq3A = arith.constant 7812 : i32
        %eq3A_147 = arith.cmpi eq, %add3A_141, %eq3A : i32
        %convert_element_type3A_148 = arith.extui %eq3A_147 : i1 to i32
        %cond3A_149 = arith.constant 0 : i32
        %cond3A_150 = arith.cmpi ne, %convert_element_type3A_148, %cond3A_149 : i32
        scf.if %cond3A_150 {
          %dma_wait3A = arith.constant 1 : i32
          %dma_wait3A_151 = arith.constant 1 : i32
          %dma_wait3A_152 = arith.constant 0 : i32
          %dma_wait3A_153 = arith.constant 0 : i32
          %dma_wait3A_154 = tpu.memref_slice %arg5[%dma_wait3A, %dma_wait3A_152, %dma_wait3A_153] : memref<2x64x128xf32, #tpu.memory_space<vmem>> -> memref<1x64x128xf32, #tpu.memory_space<vmem>>
          %dma_wait3A_155 = tpu.memref_squeeze %dma_wait3A_154 : memref<1x64x128xf32, #tpu.memory_space<vmem>> -> memref<64x128xf32, #tpu.memory_space<vmem>>
          %dma_wait3A_156 = tpu.memref_slice %arg7[%dma_wait3A_151] : memref<2x!tpu.dma_semaphore, #tpu.memory_space<semaphore_mem>> -> memref<1x!tpu.dma_semaphore, #tpu.memory_space<semaphore_mem>>
          %dma_wait3A_157 = tpu.memref_squeeze %dma_wait3A_156 : memref<1x!tpu.dma_semaphore, #tpu.memory_space<semaphore_mem>> -> memref<!tpu.dma_semaphore, #tpu.memory_space<semaphore_mem>>
          %dma_wait3A_158 = arith.constant 0 : i32
          %dma_wait3A_159 = arith.constant 0 : i32
          %dma_wait3A_160 = tpu.memref_slice %arg5[%dma_wait3A, %dma_wait3A_158, %dma_wait3A_159] : memref<2x64x128xf32, #tpu.memory_space<vmem>> -> memref<1x64x128xf32, #tpu.memory_space<vmem>>
          %dma_wait3A_161 = tpu.memref_squeeze %dma_wait3A_160 : memref<1x64x128xf32, #tpu.memory_space<vmem>> -> memref<64x128xf32, #tpu.memory_space<vmem>>
          tpu.wait_dma2 semaphore(%dma_wait3A_157 : memref<!tpu.dma_semaphore, #tpu.memory_space<semaphore_mem>>) src(%arg3 : memref<64x128xf32, #tpu.memory_space<hbm>>) dst(%dma_wait3A_161 : memref<64x128xf32, #tpu.memory_space<vmem>>)
        } else {
        }
      } else {
      }
      %add3A_121 = arith.constant 1 : i32
      %add3A_122 = arith.addi %add3A_112, %add3A_121 : i32
      %mul3A_123 = arith.constant 32 : i32
      %mul3A_124 = arith.muli %add3A_122, %mul3A_123 : i32
      %add3A_125 = arith.addi %add3A, %mul3A_124 : i32
      %lt3A_126 = arith.constant 7813 : i32
      %lt3A_127 = arith.cmpi slt, %add3A_125, %lt3A_126 : i32
      %convert_element_type3A_128 = arith.extui %lt3A_127 : i1 to i32
      %cond3A_129 = arith.constant 0 : i32
      %cond3A_130 = arith.cmpi ne, %convert_element_type3A_128, %cond3A_129 : i32
      scf.if %cond3A_130 {
        %add3A_139 = arith.constant 1 : i32
        %add3A_140 = arith.addi %add3A_112, %add3A_139 : i32
        %mul3A_141 = arith.constant 32 : i32
        %mul3A_142 = arith.muli %add3A_140, %mul3A_141 : i32
        %add3A_143 = arith.addi %add3A, %mul3A_142 : i32
        %lt3A_144 = arith.constant 7812 : i32
        %lt3A_145 = arith.cmpi slt, %add3A_143, %lt3A_144 : i32
        %convert_element_type3A_146 = arith.extui %lt3A_145 : i1 to i32
        %cond3A_147 = arith.constant 0 : i32
        %cond3A_148 = arith.cmpi ne, %convert_element_type3A_146, %cond3A_147 : i32
        scf.if %cond3A_148 {
          %mul3A_153 = arith.constant 128 : i32
          %mul3A_154 = arith.muli %add3A_143, %mul3A_153 : i32
          %dma_start3A = arith.constant 0 : i32
          %dma_start3A_155 = arith.constant 0 : i32
          %dma_start3A_156 = arith.constant 0 : i32
          %dma_start3A_157 = arith.constant 0 : i32
          %dma_start3A_158 = tpu.memref_slice %arg5[%dma_start3A, %dma_start3A_156, %dma_start3A_157] : memref<2x64x128xf32, #tpu.memory_space<vmem>> -> memref<1x64x128xf32, #tpu.memory_space<vmem>>
          %dma_start3A_159 = tpu.memref_squeeze %dma_start3A_158 : memref<1x64x128xf32, #tpu.memory_space<vmem>> -> memref<64x128xf32, #tpu.memory_space<vmem>>
          %dma_start3A_160 = arith.constant 0 : i32
          %dma_start3A_161 = tpu.memref_slice %arg2[%dma_start3A_160, %mul3A_154] : memref<64x1000000xf32, #tpu.memory_space<hbm>> -> memref<64x128xf32, #tpu.memory_space<hbm>>
          %dma_start3A_162 = tpu.memref_slice %arg7[%dma_start3A_155] : memref<2x!tpu.dma_semaphore, #tpu.memory_space<semaphore_mem>> -> memref<1x!tpu.dma_semaphore, #tpu.memory_space<semaphore_mem>>
          %dma_start3A_163 = tpu.memref_squeeze %dma_start3A_162 : memref<1x!tpu.dma_semaphore, #tpu.memory_space<semaphore_mem>> -> memref<!tpu.dma_semaphore, #tpu.memory_space<semaphore_mem>>
          %dma_start3A_164 = arith.constant 0 : i32
          %dma_start3A_165 = arith.constant 0 : i32
          %dma_start3A_166 = tpu.memref_slice %arg5[%dma_start3A, %dma_start3A_164, %dma_start3A_165] : memref<2x64x128xf32, #tpu.memory_space<vmem>> -> memref<1x64x128xf32, #tpu.memory_space<vmem>>
          %dma_start3A_167 = tpu.memref_squeeze %dma_start3A_166 : memref<1x64x128xf32, #tpu.memory_space<vmem>> -> memref<64x128xf32, #tpu.memory_space<vmem>>
          %dma_start3A_168 = arith.constant 0 : i32
          %dma_start3A_169 = tpu.memref_slice %arg2[%dma_start3A_168, %mul3A_154] : memref<64x1000000xf32, #tpu.memory_space<hbm>> -> memref<64x128xf32, #tpu.memory_space<hbm>>
          tpu.enqueue_dma source(%dma_start3A_169 : memref<64x128xf32, #tpu.memory_space<hbm>>) target(%dma_start3A_167 : memref<64x128xf32, #tpu.memory_space<vmem>>) target_semaphore(%dma_start3A_163 : memref<!tpu.dma_semaphore, #tpu.memory_space<semaphore_mem>>)
        } else {
        }
        %eq3A = arith.constant 7812 : i32
        %eq3A_149 = arith.cmpi eq, %add3A_143, %eq3A : i32
        %convert_element_type3A_150 = arith.extui %eq3A_149 : i1 to i32
        %cond3A_151 = arith.constant 0 : i32
        %cond3A_152 = arith.cmpi ne, %convert_element_type3A_150, %cond3A_151 : i32
        scf.if %cond3A_152 {
          %dma_start3A = arith.constant 0 : i32
          %dma_start3A_153 = arith.constant 0 : i32
          %dma_start3A_154 = arith.constant 0 : i32
          %dma_start3A_155 = arith.constant 0 : i32
          %dma_start3A_156 = tpu.memref_slice %arg5[%dma_start3A, %dma_start3A_154, %dma_start3A_155] : memref<2x64x128xf32, #tpu.memory_space<vmem>> -> memref<1x64x128xf32, #tpu.memory_space<vmem>>
          %dma_start3A_157 = tpu.memref_squeeze %dma_start3A_156 : memref<1x64x128xf32, #tpu.memory_space<vmem>> -> memref<64x128xf32, #tpu.memory_space<vmem>>
          %dma_start3A_158 = tpu.memref_slice %arg7[%dma_start3A_153] : memref<2x!tpu.dma_semaphore, #tpu.memory_space<semaphore_mem>> -> memref<1x!tpu.dma_semaphore, #tpu.memory_space<semaphore_mem>>
          %dma_start3A_159 = tpu.memref_squeeze %dma_start3A_158 : memref<1x!tpu.dma_semaphore, #tpu.memory_space<semaphore_mem>> -> memref<!tpu.dma_semaphore, #tpu.memory_space<semaphore_mem>>
          %dma_start3A_160 = arith.constant 0 : i32
          %dma_start3A_161 = arith.constant 0 : i32
          %dma_start3A_162 = tpu.memref_slice %arg5[%dma_start3A, %dma_start3A_160, %dma_start3A_161] : memref<2x64x128xf32, #tpu.memory_space<vmem>> -> memref<1x64x128xf32, #tpu.memory_space<vmem>>
          %dma_start3A_163 = tpu.memref_squeeze %dma_start3A_162 : memref<1x64x128xf32, #tpu.memory_space<vmem>> -> memref<64x128xf32, #tpu.memory_space<vmem>>
          tpu.enqueue_dma source(%arg3 : memref<64x128xf32, #tpu.memory_space<hbm>>) target(%dma_start3A_163 : memref<64x128xf32, #tpu.memory_space<vmem>>) target_semaphore(%dma_start3A_159 : memref<!tpu.dma_semaphore, #tpu.memory_space<semaphore_mem>>)
        } else {
        }
      } else {
      }
      %mul3A_131 = arith.constant 32 : i32
      %mul3A_132 = arith.muli %add3A_112, %mul3A_131 : i32
      %add3A_133 = arith.addi %add3A, %mul3A_132 : i32
      %lt3A_134 = arith.constant 7813 : i32
      %lt3A_135 = arith.cmpi slt, %add3A_133, %lt3A_134 : i32
      %convert_element_type3A_136 = arith.extui %lt3A_135 : i1 to i32
      %cond3A_137 = arith.constant 0 : i32
      %cond3A_138 = arith.cmpi ne, %convert_element_type3A_136, %cond3A_137 : i32
      scf.if %cond3A_138 {
        %ge3A = arith.constant 2 : i32
        %ge3A_139 = arith.cmpi sge, %add3A_112, %ge3A : i32
        %convert_element_type3A_140 = arith.extui %ge3A_139 : i1 to i32
        %cond3A_141 = arith.constant 0 : i32
        %cond3A_142 = arith.cmpi ne, %convert_element_type3A_140, %cond3A_141 : i32
        scf.if %cond3A_142 {
          %sub3A = arith.constant 2 : i32
          %sub3A_217 = arith.subi %add3A_112, %sub3A : i32
          %mul3A_218 = arith.constant 32 : i32
          %mul3A_219 = arith.muli %sub3A_217, %mul3A_218 : i32
          %add3A_220 = arith.addi %add3A, %mul3A_219 : i32
          %lt3A_221 = arith.constant 7812 : i32
          %lt3A_222 = arith.cmpi slt, %add3A_220, %lt3A_221 : i32
          %convert_element_type3A_223 = arith.extui %lt3A_222 : i1 to i32
          %cond3A_224 = arith.constant 0 : i32
          %cond3A_225 = arith.cmpi ne, %convert_element_type3A_223, %cond3A_224 : i32
          scf.if %cond3A_225 {
            %mul3A_231 = arith.constant 64 : i32
            %mul3A_232 = arith.muli %add3A_220, %mul3A_231 : i32
            %dma_wait3A = arith.constant 1 : i32
            %dma_wait3A_233 = arith.constant 1 : i32
            %dma_wait3A_234 = arith.constant 0 : i32
            %dma_wait3A_235 = arith.constant 0 : i32
            %dma_wait3A_236 = tpu.memref_slice %arg6[%dma_wait3A, %dma_wait3A_234, %dma_wait3A_235] : memref<2x64x128xf32, #tpu.memory_space<vmem>> -> memref<1x64x128xf32, #tpu.memory_space<vmem>>
            %dma_wait3A_237 = tpu.memref_squeeze %dma_wait3A_236 : memref<1x64x128xf32, #tpu.memory_space<vmem>> -> memref<64x128xf32, #tpu.memory_space<vmem>>
            %dma_wait3A_238 = arith.constant 0 : i32
            %dma_wait3A_239 = tpu.memref_slice %arg4[%mul3A_232, %dma_wait3A_238] : memref<500000x128xf32, #tpu.memory_space<hbm>> -> memref<64x128xf32, #tpu.memory_space<hbm>>
            %dma_wait3A_240 = tpu.memref_slice %arg8[%dma_wait3A_233] : memref<2x!tpu.dma_semaphore, #tpu.memory_space<semaphore_mem>> -> memref<1x!tpu.dma_semaphore, #tpu.memory_space<semaphore_mem>>
            %dma_wait3A_241 = tpu.memref_squeeze %dma_wait3A_240 : memref<1x!tpu.dma_semaphore, #tpu.memory_space<semaphore_mem>> -> memref<!tpu.dma_semaphore, #tpu.memory_space<semaphore_mem>>
            %dma_wait3A_242 = arith.constant 0 : i32
            %dma_wait3A_243 = tpu.memref_slice %arg4[%mul3A_232, %dma_wait3A_242] : memref<500000x128xf32, #tpu.memory_space<hbm>> -> memref<64x128xf32, #tpu.memory_space<hbm>>
            %dma_wait3A_244 = arith.constant 0 : i32
            %dma_wait3A_245 = arith.constant 0 : i32
            %dma_wait3A_246 = tpu.memref_slice %arg6[%dma_wait3A, %dma_wait3A_244, %dma_wait3A_245] : memref<2x64x128xf32, #tpu.memory_space<vmem>> -> memref<1x64x128xf32, #tpu.memory_space<vmem>>
            %dma_wait3A_247 = tpu.memref_squeeze %dma_wait3A_246 : memref<1x64x128xf32, #tpu.memory_space<vmem>> -> memref<64x128xf32, #tpu.memory_space<vmem>>
            tpu.wait_dma2 semaphore(%dma_wait3A_241 : memref<!tpu.dma_semaphore, #tpu.memory_space<semaphore_mem>>) src(%dma_wait3A_247 : memref<64x128xf32, #tpu.memory_space<vmem>>) dst(%dma_wait3A_243 : memref<64x128xf32, #tpu.memory_space<hbm>>)
          } else {
          }
          %eq3A_226 = arith.constant 7812 : i32
          %eq3A_227 = arith.cmpi eq, %add3A_220, %eq3A_226 : i32
          %convert_element_type3A_228 = arith.extui %eq3A_227 : i1 to i32
          %cond3A_229 = arith.constant 0 : i32
          %cond3A_230 = arith.cmpi ne, %convert_element_type3A_228, %cond3A_229 : i32
          scf.if %cond3A_230 {
            %mul3A_231 = arith.constant 64 : i32
            %mul3A_232 = arith.muli %add3A_220, %mul3A_231 : i32
            %dma_wait3A = arith.constant 1 : i32
            %dma_wait3A_233 = arith.constant 1 : i32
            %dma_wait3A_234 = arith.constant 0 : i32
            %dma_wait3A_235 = arith.constant 0 : i32
            %dma_wait3A_236 = tpu.memref_slice %arg6[%dma_wait3A, %dma_wait3A_234, %dma_wait3A_235] : memref<2x64x128xf32, #tpu.memory_space<vmem>> -> memref<1x32x128xf32, #tpu.memory_space<vmem>>
            %dma_wait3A_237 = tpu.memref_squeeze %dma_wait3A_236 : memref<1x32x128xf32, #tpu.memory_space<vmem>> -> memref<32x128xf32, #tpu.memory_space<vmem>>
            %dma_wait3A_238 = arith.constant 0 : i32
            %dma_wait3A_239 = tpu.memref_slice %arg4[%mul3A_232, %dma_wait3A_238] : memref<500000x128xf32, #tpu.memory_space<hbm>> -> memref<32x128xf32, #tpu.memory_space<hbm>>
            %dma_wait3A_240 = tpu.memref_slice %arg8[%dma_wait3A_233] : memref<2x!tpu.dma_semaphore, #tpu.memory_space<semaphore_mem>> -> memref<1x!tpu.dma_semaphore, #tpu.memory_space<semaphore_mem>>
            %dma_wait3A_241 = tpu.memref_squeeze %dma_wait3A_240 : memref<1x!tpu.dma_semaphore, #tpu.memory_space<semaphore_mem>> -> memref<!tpu.dma_semaphore, #tpu.memory_space<semaphore_mem>>
            %dma_wait3A_242 = arith.constant 0 : i32
            %dma_wait3A_243 = tpu.memref_slice %arg4[%mul3A_232, %dma_wait3A_242] : memref<500000x128xf32, #tpu.memory_space<hbm>> -> memref<32x128xf32, #tpu.memory_space<hbm>>
            %dma_wait3A_244 = arith.constant 0 : i32
            %dma_wait3A_245 = arith.constant 0 : i32
            %dma_wait3A_246 = tpu.memref_slice %arg6[%dma_wait3A, %dma_wait3A_244, %dma_wait3A_245] : memref<2x64x128xf32, #tpu.memory_space<vmem>> -> memref<1x32x128xf32, #tpu.memory_space<vmem>>
            %dma_wait3A_247 = tpu.memref_squeeze %dma_wait3A_246 : memref<1x32x128xf32, #tpu.memory_space<vmem>> -> memref<32x128xf32, #tpu.memory_space<vmem>>
            tpu.wait_dma2 semaphore(%dma_wait3A_241 : memref<!tpu.dma_semaphore, #tpu.memory_space<semaphore_mem>>) src(%dma_wait3A_247 : memref<32x128xf32, #tpu.memory_space<vmem>>) dst(%dma_wait3A_243 : memref<32x128xf32, #tpu.memory_space<hbm>>)
          } else {
          }
        } else {
        }
        %add3A_143 = arith.constant 0 : i32
        %add3A_144 = vector.broadcast %add3A_143 : i32 to vector<16xi32>
        %add3A_145 = arith.addi %add3A_144, %iota3A : vector<16xi32>
        %and3A = arith.constant 63 : i32
        %and3A_146 = vector.broadcast %and3A : i32 to vector<16xi32>
        %and3A_147 = arith.andi %add3A_145, %and3A_146 : vector<16xi32>
        %add3A_148 = arith.addi %and3A_147, %and3A_147 : vector<16xi32>
        %add3A_149 = arith.constant 1 : i32
        %add3A_150 = vector.broadcast %add3A_149 : i32 to vector<16xi32>
        %add3A_151 = arith.addi %add3A_148, %add3A_150 : vector<16xi32>
        %gather3A = arith.constant 1 : i32
        %gather3A_152 = arith.constant 0 : i32
        %gather3A_153 = arith.constant 0 : i32
        %gather3A_154 = tpu.memref_slice %arg5[%gather3A, %gather3A_152, %gather3A_153] : memref<2x64x128xf32, #tpu.memory_space<vmem>> -> memref<1x64x128xf32, #tpu.memory_space<vmem>>
        %gather3A_155 = tpu.memref_squeeze %gather3A_154 : memref<1x64x128xf32, #tpu.memory_space<vmem>> -> memref<64x128xf32, #tpu.memory_space<vmem>>
        %gather3A_156 = tpu.vector_load_idx %gather3A_155[%add3A_3, %add3A_148] : memref<64x128xf32, #tpu.memory_space<vmem>>[vector<16xi32>, vector<16xi32>], vector<16xf32>,
        %gather3A_157 = arith.constant 1 : i32
        %gather3A_158 = arith.constant 0 : i32
        %gather3A_159 = arith.constant 0 : i32
        %gather3A_160 = tpu.memref_slice %arg5[%gather3A_157, %gather3A_158, %gather3A_159] : memref<2x64x128xf32, #tpu.memory_space<vmem>> -> memref<1x64x128xf32, #tpu.memory_space<vmem>>
        %gather3A_161 = tpu.memref_squeeze %gather3A_160 : memref<1x64x128xf32, #tpu.memory_space<vmem>> -> memref<64x128xf32, #tpu.memory_space<vmem>>
        %gather3A_162 = tpu.vector_load_idx %gather3A_161[%add3A_6, %add3A_148] : memref<64x128xf32, #tpu.memory_space<vmem>>[vector<16xi32>, vector<16xi32>], vector<16xf32>,
        %gather3A_163 = arith.constant 1 : i32
        %gather3A_164 = arith.constant 0 : i32
        %gather3A_165 = arith.constant 0 : i32
        %gather3A_166 = tpu.memref_slice %arg5[%gather3A_163, %gather3A_164, %gather3A_165] : memref<2x64x128xf32, #tpu.memory_space<vmem>> -> memref<1x64x128xf32, #tpu.memory_space<vmem>>
        %gather3A_167 = tpu.memref_squeeze %gather3A_166 : memref<1x64x128xf32, #tpu.memory_space<vmem>> -> memref<64x128xf32, #tpu.memory_space<vmem>>
        %gather3A_168 = tpu.vector_load_idx %gather3A_167[%add3A_9, %add3A_148] : memref<64x128xf32, #tpu.memory_space<vmem>>[vector<16xi32>, vector<16xi32>], vector<16xf32>,
        %gather3A_169 = arith.constant 1 : i32
        %gather3A_170 = arith.constant 0 : i32
        %gather3A_171 = arith.constant 0 : i32
        %gather3A_172 = tpu.memref_slice %arg5[%gather3A_169, %gather3A_170, %gather3A_171] : memref<2x64x128xf32, #tpu.memory_space<vmem>> -> memref<1x64x128xf32, #tpu.memory_space<vmem>>
        %gather3A_173 = tpu.memref_squeeze %gather3A_172 : memref<1x64x128xf32, #tpu.memory_space<vmem>> -> memref<64x128xf32, #tpu.memory_space<vmem>>
        %gather3A_174 = tpu.vector_load_idx %gather3A_173[%add3A_12, %add3A_148] : memref<64x128xf32, #tpu.memory_space<vmem>>[vector<16xi32>, vector<16xi32>], vector<16xf32>,
        %gather3A_175 = arith.constant 1 : i32
        %gather3A_176 = arith.constant 0 : i32
        %gather3A_177 = arith.constant 0 : i32
        %gather3A_178 = tpu.memref_slice %arg5[%gather3A_175, %gather3A_176, %gather3A_177] : memref<2x64x128xf32, #tpu.memory_space<vmem>> -> memref<1x64x128xf32, #tpu.memory_space<vmem>>
        %gather3A_179 = tpu.memref_squeeze %gather3A_178 : memref<1x64x128xf32, #tpu.memory_space<vmem>> -> memref<64x128xf32, #tpu.memory_space<vmem>>
        %gather3A_180 = tpu.vector_load_idx %gather3A_179[%add3A_3, %add3A_151] : memref<64x128xf32, #tpu.memory_space<vmem>>[vector<16xi32>, vector<16xi32>], vector<16xf32>,
        %gather3A_181 = arith.constant 1 : i32
        %gather3A_182 = arith.constant 0 : i32
        %gather3A_183 = arith.constant 0 : i32
        %gather3A_184 = tpu.memref_slice %arg5[%gather3A_181, %gather3A_182, %gather3A_183] : memref<2x64x128xf32, #tpu.memory_space<vmem>> -> memref<1x64x128xf32, #tpu.memory_space<vmem>>
        %gather3A_185 = tpu.memref_squeeze %gather3A_184 : memref<1x64x128xf32, #tpu.memory_space<vmem>> -> memref<64x128xf32, #tpu.memory_space<vmem>>
        %gather3A_186 = tpu.vector_load_idx %gather3A_185[%add3A_6, %add3A_151] : memref<64x128xf32, #tpu.memory_space<vmem>>[vector<16xi32>, vector<16xi32>], vector<16xf32>,
        %gather3A_187 = arith.constant 1 : i32
        %gather3A_188 = arith.constant 0 : i32
        %gather3A_189 = arith.constant 0 : i32
        %gather3A_190 = tpu.memref_slice %arg5[%gather3A_187, %gather3A_188, %gather3A_189] : memref<2x64x128xf32, #tpu.memory_space<vmem>> -> memref<1x64x128xf32, #tpu.memory_space<vmem>>
        %gather3A_191 = tpu.memref_squeeze %gather3A_190 : memref<1x64x128xf32, #tpu.memory_space<vmem>> -> memref<64x128xf32, #tpu.memory_space<vmem>>
        %gather3A_192 = tpu.vector_load_idx %gather3A_191[%add3A_9, %add3A_151] : memref<64x128xf32, #tpu.memory_space<vmem>>[vector<16xi32>, vector<16xi32>], vector<16xf32>,
        %gather3A_193 = arith.constant 1 : i32
        %gather3A_194 = arith.constant 0 : i32
        %gather3A_195 = arith.constant 0 : i32
        %gather3A_196 = tpu.memref_slice %arg5[%gather3A_193, %gather3A_194, %gather3A_195] : memref<2x64x128xf32, #tpu.memory_space<vmem>> -> memref<1x64x128xf32, #tpu.memory_space<vmem>>
        %gather3A_197 = tpu.memref_squeeze %gather3A_196 : memref<1x64x128xf32, #tpu.memory_space<vmem>> -> memref<64x128xf32, #tpu.memory_space<vmem>>
        %gather3A_198 = tpu.vector_load_idx %gather3A_197[%add3A_12, %add3A_151] : memref<64x128xf32, #tpu.memory_space<vmem>>[vector<16xi32>, vector<16xi32>], vector<16xf32>,
        %scan3A_199 = arith.constant 1 : i32
        %scan3A_200 = arith.constant 64 : i32
        %scan3A_201 = arith.addi %scan3A_199, %scan3A_200 : i32
        %scan3A_202 = arith.constant 4 : i32
        %scan3A_203:9 = scf.for %scan3A_217 = %scan3A_199 to %scan3A_201 step %scan3A_202 iter_args(%scan3A_218 = %gather3A_156, %scan3A_219 = %gather3A_162, %scan3A_220 = %gather3A_168, %scan3A_221 = %gather3A_174, %scan3A_222 = %gather3A_180, %scan3A_223 = %gather3A_186, %scan3A_224 = %gather3A_192, %scan3A_225 = %gather3A_198, %scan3A_226 = %and3A_147) -> (vector<16xf32>, vector<16xf32>, vector<16xf32>, vector<16xf32>, vector<16xf32>, vector<16xf32>, vector<16xf32>, vector<16xf32>, vector<16xi32>)  : i32 {
          %scatter3A = arith.constant 1 : i32
          %scatter3A_227 = arith.constant 0 : i32
          %scatter3A_228 = arith.constant 0 : i32
          %scatter3A_229 = tpu.memref_slice %arg6[%scatter3A, %scatter3A_227, %scatter3A_228] : memref<2x64x128xf32, #tpu.memory_space<vmem>> -> memref<1x64x128xf32, #tpu.memory_space<vmem>>
          %scatter3A_230 = tpu.memref_squeeze %scatter3A_229 : memref<1x64x128xf32, #tpu.memory_space<vmem>> -> memref<64x128xf32, #tpu.memory_space<vmem>>
          tpu.vector_store_idx %scatter3A_230[%scan3A_226, %add3A_3], %scan3A_218 : memref<64x128xf32, #tpu.memory_space<vmem>>[vector<16xi32>, vector<16xi32>], vector<16xf32>,
          %scatter3A_231 = arith.constant 1 : i32
          %scatter3A_232 = arith.constant 0 : i32
          %scatter3A_233 = arith.constant 0 : i32
          %scatter3A_234 = tpu.memref_slice %arg6[%scatter3A_231, %scatter3A_232, %scatter3A_233] : memref<2x64x128xf32, #tpu.memory_space<vmem>> -> memref<1x64x128xf32, #tpu.memory_space<vmem>>
          %scatter3A_235 = tpu.memref_squeeze %scatter3A_234 : memref<1x64x128xf32, #tpu.memory_space<vmem>> -> memref<64x128xf32, #tpu.memory_space<vmem>>
          tpu.vector_store_idx %scatter3A_235[%scan3A_226, %add3A_6], %scan3A_219 : memref<64x128xf32, #tpu.memory_space<vmem>>[vector<16xi32>, vector<16xi32>], vector<16xf32>,
          %scatter3A_236 = arith.constant 1 : i32
          %scatter3A_237 = arith.constant 0 : i32
          %scatter3A_238 = arith.constant 0 : i32
          %scatter3A_239 = tpu.memref_slice %arg6[%scatter3A_236, %scatter3A_237, %scatter3A_238] : memref<2x64x128xf32, #tpu.memory_space<vmem>> -> memref<1x64x128xf32, #tpu.memory_space<vmem>>
          %scatter3A_240 = tpu.memref_squeeze %scatter3A_239 : memref<1x64x128xf32, #tpu.memory_space<vmem>> -> memref<64x128xf32, #tpu.memory_space<vmem>>
          tpu.vector_store_idx %scatter3A_240[%scan3A_226, %add3A_9], %scan3A_220 : memref<64x128xf32, #tpu.memory_space<vmem>>[vector<16xi32>, vector<16xi32>], vector<16xf32>,
          %scatter3A_241 = arith.constant 1 : i32
          %scatter3A_242 = arith.constant 0 : i32
          %scatter3A_243 = arith.constant 0 : i32
          %scatter3A_244 = tpu.memref_slice %arg6[%scatter3A_241, %scatter3A_242, %scatter3A_243] : memref<2x64x128xf32, #tpu.memory_space<vmem>> -> memref<1x64x128xf32, #tpu.memory_space<vmem>>
          %scatter3A_245 = tpu.memref_squeeze %scatter3A_244 : memref<1x64x128xf32, #tpu.memory_space<vmem>> -> memref<64x128xf32, #tpu.memory_space<vmem>>
          tpu.vector_store_idx %scatter3A_245[%scan3A_226, %add3A_12], %scan3A_221 : memref<64x128xf32, #tpu.memory_space<vmem>>[vector<16xi32>, vector<16xi32>], vector<16xf32>,
          %scatter3A_246 = arith.constant 1 : i32
          %scatter3A_247 = arith.constant 0 : i32
          %scatter3A_248 = arith.constant 0 : i32
          %scatter3A_249 = tpu.memref_slice %arg6[%scatter3A_246, %scatter3A_247, %scatter3A_248] : memref<2x64x128xf32, #tpu.memory_space<vmem>> -> memref<1x64x128xf32, #tpu.memory_space<vmem>>
          %scatter3A_250 = tpu.memref_squeeze %scatter3A_249 : memref<1x64x128xf32, #tpu.memory_space<vmem>> -> memref<64x128xf32, #tpu.memory_space<vmem>>
          tpu.vector_store_idx %scatter3A_250[%scan3A_226, %add3A_15], %scan3A_222 : memref<64x128xf32, #tpu.memory_space<vmem>>[vector<16xi32>, vector<16xi32>], vector<16xf32>,
          %scatter3A_251 = arith.constant 1 : i32
          %scatter3A_252 = arith.constant 0 : i32
          %scatter3A_253 = arith.constant 0 : i32
          %scatter3A_254 = tpu.memref_slice %arg6[%scatter3A_251, %scatter3A_252, %scatter3A_253] : memref<2x64x128xf32, #tpu.memory_space<vmem>> -> memref<1x64x128xf32, #tpu.memory_space<vmem>>
          %scatter3A_255 = tpu.memref_squeeze %scatter3A_254 : memref<1x64x128xf32, #tpu.memory_space<vmem>> -> memref<64x128xf32, #tpu.memory_space<vmem>>
          tpu.vector_store_idx %scatter3A_255[%scan3A_226, %add3A_18], %scan3A_223 : memref<64x128xf32, #tpu.memory_space<vmem>>[vector<16xi32>, vector<16xi32>], vector<16xf32>,
          %scatter3A_256 = arith.constant 1 : i32
          %scatter3A_257 = arith.constant 0 : i32
          %scatter3A_258 = arith.constant 0 : i32
          %scatter3A_259 = tpu.memref_slice %arg6[%scatter3A_256, %scatter3A_257, %scatter3A_258] : memref<2x64x128xf32, #tpu.memory_space<vmem>> -> memref<1x64x128xf32, #tpu.memory_space<vmem>>
          %scatter3A_260 = tpu.memref_squeeze %scatter3A_259 : memref<1x64x128xf32, #tpu.memory_space<vmem>> -> memref<64x128xf32, #tpu.memory_space<vmem>>
          tpu.vector_store_idx %scatter3A_260[%scan3A_226, %add3A_21], %scan3A_224 : memref<64x128xf32, #tpu.memory_space<vmem>>[vector<16xi32>, vector<16xi32>], vector<16xf32>,
          %scatter3A_261 = arith.constant 1 : i32
          %scatter3A_262 = arith.constant 0 : i32
          %scatter3A_263 = arith.constant 0 : i32
          %scatter3A_264 = tpu.memref_slice %arg6[%scatter3A_261, %scatter3A_262, %scatter3A_263] : memref<2x64x128xf32, #tpu.memory_space<vmem>> -> memref<1x64x128xf32, #tpu.memory_space<vmem>>
          %scatter3A_265 = tpu.memref_squeeze %scatter3A_264 : memref<1x64x128xf32, #tpu.memory_space<vmem>> -> memref<64x128xf32, #tpu.memory_space<vmem>>
          tpu.vector_store_idx %scatter3A_265[%scan3A_226, %add3A_24], %scan3A_225 : memref<64x128xf32, #tpu.memory_space<vmem>>[vector<16xi32>, vector<16xi32>], vector<16xf32>,
          %and3A_266 = arith.constant 63 : i32
          %and3A_267 = arith.andi %scan3A_217, %and3A_266 : i32
          %add3A_268 = vector.broadcast %and3A_267 : i32 to vector<16xi32>
          %add3A_269 = arith.addi %add3A_268, %iota3A : vector<16xi32>
          %and3A_270 = arith.constant 63 : i32
          %and3A_271 = vector.broadcast %and3A_270 : i32 to vector<16xi32>
          %and3A_272 = arith.andi %add3A_269, %and3A_271 : vector<16xi32>
          %add3A_273 = arith.addi %and3A_272, %and3A_272 : vector<16xi32>
          %add3A_274 = arith.constant 1 : i32
          %add3A_275 = vector.broadcast %add3A_274 : i32 to vector<16xi32>
          %add3A_276 = arith.addi %add3A_273, %add3A_275 : vector<16xi32>
          %gather3A_277 = arith.constant 1 : i32
          %gather3A_278 = arith.constant 0 : i32
          %gather3A_279 = arith.constant 0 : i32
          %gather3A_280 = tpu.memref_slice %arg5[%gather3A_277, %gather3A_278, %gather3A_279] : memref<2x64x128xf32, #tpu.memory_space<vmem>> -> memref<1x64x128xf32, #tpu.memory_space<vmem>>
          %gather3A_281 = tpu.memref_squeeze %gather3A_280 : memref<1x64x128xf32, #tpu.memory_space<vmem>> -> memref<64x128xf32, #tpu.memory_space<vmem>>
          %gather3A_282 = tpu.vector_load_idx %gather3A_281[%add3A_3, %add3A_273] : memref<64x128xf32, #tpu.memory_space<vmem>>[vector<16xi32>, vector<16xi32>], vector<16xf32>,
          %gather3A_283 = arith.constant 1 : i32
          %gather3A_284 = arith.constant 0 : i32
          %gather3A_285 = arith.constant 0 : i32
          %gather3A_286 = tpu.memref_slice %arg5[%gather3A_283, %gather3A_284, %gather3A_285] : memref<2x64x128xf32, #tpu.memory_space<vmem>> -> memref<1x64x128xf32, #tpu.memory_space<vmem>>
          %gather3A_287 = tpu.memref_squeeze %gather3A_286 : memref<1x64x128xf32, #tpu.memory_space<vmem>> -> memref<64x128xf32, #tpu.memory_space<vmem>>
          %gather3A_288 = tpu.vector_load_idx %gather3A_287[%add3A_6, %add3A_273] : memref<64x128xf32, #tpu.memory_space<vmem>>[vector<16xi32>, vector<16xi32>], vector<16xf32>,
          %gather3A_289 = arith.constant 1 : i32
          %gather3A_290 = arith.constant 0 : i32
          %gather3A_291 = arith.constant 0 : i32
          %gather3A_292 = tpu.memref_slice %arg5[%gather3A_289, %gather3A_290, %gather3A_291] : memref<2x64x128xf32, #tpu.memory_space<vmem>> -> memref<1x64x128xf32, #tpu.memory_space<vmem>>
          %gather3A_293 = tpu.memref_squeeze %gather3A_292 : memref<1x64x128xf32, #tpu.memory_space<vmem>> -> memref<64x128xf32, #tpu.memory_space<vmem>>
          %gather3A_294 = tpu.vector_load_idx %gather3A_293[%add3A_9, %add3A_273] : memref<64x128xf32, #tpu.memory_space<vmem>>[vector<16xi32>, vector<16xi32>], vector<16xf32>,
          %gather3A_295 = arith.constant 1 : i32
          %gather3A_296 = arith.constant 0 : i32
          %gather3A_297 = arith.constant 0 : i32
          %gather3A_298 = tpu.memref_slice %arg5[%gather3A_295, %gather3A_296, %gather3A_297] : memref<2x64x128xf32, #tpu.memory_space<vmem>> -> memref<1x64x128xf32, #tpu.memory_space<vmem>>
          %gather3A_299 = tpu.memref_squeeze %gather3A_298 : memref<1x64x128xf32, #tpu.memory_space<vmem>> -> memref<64x128xf32, #tpu.memory_space<vmem>>
          %gather3A_300 = tpu.vector_load_idx %gather3A_299[%add3A_12, %add3A_273] : memref<64x128xf32, #tpu.memory_space<vmem>>[vector<16xi32>, vector<16xi32>], vector<16xf32>,
          %gather3A_301 = arith.constant 1 : i32
          %gather3A_302 = arith.constant 0 : i32
          %gather3A_303 = arith.constant 0 : i32
          %gather3A_304 = tpu.memref_slice %arg5[%gather3A_301, %gather3A_302, %gather3A_303] : memref<2x64x128xf32, #tpu.memory_space<vmem>> -> memref<1x64x128xf32, #tpu.memory_space<vmem>>
          %gather3A_305 = tpu.memref_squeeze %gather3A_304 : memref<1x64x128xf32, #tpu.memory_space<vmem>> -> memref<64x128xf32, #tpu.memory_space<vmem>>
          %gather3A_306 = tpu.vector_load_idx %gather3A_305[%add3A_3, %add3A_276] : memref<64x128xf32, #tpu.memory_space<vmem>>[vector<16xi32>, vector<16xi32>], vector<16xf32>,
          %gather3A_307 = arith.constant 1 : i32
          %gather3A_308 = arith.constant 0 : i32
          %gather3A_309 = arith.constant 0 : i32
          %gather3A_310 = tpu.memref_slice %arg5[%gather3A_307, %gather3A_308, %gather3A_309] : memref<2x64x128xf32, #tpu.memory_space<vmem>> -> memref<1x64x128xf32, #tpu.memory_space<vmem>>
          %gather3A_311 = tpu.memref_squeeze %gather3A_310 : memref<1x64x128xf32, #tpu.memory_space<vmem>> -> memref<64x128xf32, #tpu.memory_space<vmem>>
          %gather3A_312 = tpu.vector_load_idx %gather3A_311[%add3A_6, %add3A_276] : memref<64x128xf32, #tpu.memory_space<vmem>>[vector<16xi32>, vector<16xi32>], vector<16xf32>,
          %gather3A_313 = arith.constant 1 : i32
          %gather3A_314 = arith.constant 0 : i32
          %gather3A_315 = arith.constant 0 : i32
          %gather3A_316 = tpu.memref_slice %arg5[%gather3A_313, %gather3A_314, %gather3A_315] : memref<2x64x128xf32, #tpu.memory_space<vmem>> -> memref<1x64x128xf32, #tpu.memory_space<vmem>>
          %gather3A_317 = tpu.memref_squeeze %gather3A_316 : memref<1x64x128xf32, #tpu.memory_space<vmem>> -> memref<64x128xf32, #tpu.memory_space<vmem>>
          %gather3A_318 = tpu.vector_load_idx %gather3A_317[%add3A_9, %add3A_276] : memref<64x128xf32, #tpu.memory_space<vmem>>[vector<16xi32>, vector<16xi32>], vector<16xf32>,
          %gather3A_319 = arith.constant 1 : i32
          %gather3A_320 = arith.constant 0 : i32
          %gather3A_321 = arith.constant 0 : i32
          %gather3A_322 = tpu.memref_slice %arg5[%gather3A_319, %gather3A_320, %gather3A_321] : memref<2x64x128xf32, #tpu.memory_space<vmem>> -> memref<1x64x128xf32, #tpu.memory_space<vmem>>
          %gather3A_323 = tpu.memref_squeeze %gather3A_322 : memref<1x64x128xf32, #tpu.memory_space<vmem>> -> memref<64x128xf32, #tpu.memory_space<vmem>>
          %gather3A_324 = tpu.vector_load_idx %gather3A_323[%add3A_12, %add3A_276] : memref<64x128xf32, #tpu.memory_space<vmem>>[vector<16xi32>, vector<16xi32>], vector<16xf32>,
          %scan3A_325 = arith.constant 1 : i32
          %scan3A_326 = arith.addi %scan3A_217, %scan3A_325 : i32
          %scatter3A_327 = arith.constant 1 : i32
          %scatter3A_328 = arith.constant 0 : i32
          %scatter3A_329 = arith.constant 0 : i32
          %scatter3A_330 = tpu.memref_slice %arg6[%scatter3A_327, %scatter3A_328, %scatter3A_329] : memref<2x64x128xf32, #tpu.memory_space<vmem>> -> memref<1x64x128xf32, #tpu.memory_space<vmem>>
          %scatter3A_331 = tpu.memref_squeeze %scatter3A_330 : memref<1x64x128xf32, #tpu.memory_space<vmem>> -> memref<64x128xf32, #tpu.memory_space<vmem>>
          tpu.vector_store_idx %scatter3A_331[%and3A_272, %add3A_3], %gather3A_282 : memref<64x128xf32, #tpu.memory_space<vmem>>[vector<16xi32>, vector<16xi32>], vector<16xf32>,
          %scatter3A_332 = arith.constant 1 : i32
          %scatter3A_333 = arith.constant 0 : i32
          %scatter3A_334 = arith.constant 0 : i32
          %scatter3A_335 = tpu.memref_slice %arg6[%scatter3A_332, %scatter3A_333, %scatter3A_334] : memref<2x64x128xf32, #tpu.memory_space<vmem>> -> memref<1x64x128xf32, #tpu.memory_space<vmem>>
          %scatter3A_336 = tpu.memref_squeeze %scatter3A_335 : memref<1x64x128xf32, #tpu.memory_space<vmem>> -> memref<64x128xf32, #tpu.memory_space<vmem>>
          tpu.vector_store_idx %scatter3A_336[%and3A_272, %add3A_6], %gather3A_288 : memref<64x128xf32, #tpu.memory_space<vmem>>[vector<16xi32>, vector<16xi32>], vector<16xf32>,
          %scatter3A_337 = arith.constant 1 : i32
          %scatter3A_338 = arith.constant 0 : i32
          %scatter3A_339 = arith.constant 0 : i32
          %scatter3A_340 = tpu.memref_slice %arg6[%scatter3A_337, %scatter3A_338, %scatter3A_339] : memref<2x64x128xf32, #tpu.memory_space<vmem>> -> memref<1x64x128xf32, #tpu.memory_space<vmem>>
          %scatter3A_341 = tpu.memref_squeeze %scatter3A_340 : memref<1x64x128xf32, #tpu.memory_space<vmem>> -> memref<64x128xf32, #tpu.memory_space<vmem>>
          tpu.vector_store_idx %scatter3A_341[%and3A_272, %add3A_9], %gather3A_294 : memref<64x128xf32, #tpu.memory_space<vmem>>[vector<16xi32>, vector<16xi32>], vector<16xf32>,
          %scatter3A_342 = arith.constant 1 : i32
          %scatter3A_343 = arith.constant 0 : i32
          %scatter3A_344 = arith.constant 0 : i32
          %scatter3A_345 = tpu.memref_slice %arg6[%scatter3A_342, %scatter3A_343, %scatter3A_344] : memref<2x64x128xf32, #tpu.memory_space<vmem>> -> memref<1x64x128xf32, #tpu.memory_space<vmem>>
          %scatter3A_346 = tpu.memref_squeeze %scatter3A_345 : memref<1x64x128xf32, #tpu.memory_space<vmem>> -> memref<64x128xf32, #tpu.memory_space<vmem>>
          tpu.vector_store_idx %scatter3A_346[%and3A_272, %add3A_12], %gather3A_300 : memref<64x128xf32, #tpu.memory_space<vmem>>[vector<16xi32>, vector<16xi32>], vector<16xf32>,
          %scatter3A_347 = arith.constant 1 : i32
          %scatter3A_348 = arith.constant 0 : i32
          %scatter3A_349 = arith.constant 0 : i32
          %scatter3A_350 = tpu.memref_slice %arg6[%scatter3A_347, %scatter3A_348, %scatter3A_349] : memref<2x64x128xf32, #tpu.memory_space<vmem>> -> memref<1x64x128xf32, #tpu.memory_space<vmem>>
          %scatter3A_351 = tpu.memref_squeeze %scatter3A_350 : memref<1x64x128xf32, #tpu.memory_space<vmem>> -> memref<64x128xf32, #tpu.memory_space<vmem>>
          tpu.vector_store_idx %scatter3A_351[%and3A_272, %add3A_15], %gather3A_306 : memref<64x128xf32, #tpu.memory_space<vmem>>[vector<16xi32>, vector<16xi32>], vector<16xf32>,
          %scatter3A_352 = arith.constant 1 : i32
          %scatter3A_353 = arith.constant 0 : i32
          %scatter3A_354 = arith.constant 0 : i32
          %scatter3A_355 = tpu.memref_slice %arg6[%scatter3A_352, %scatter3A_353, %scatter3A_354] : memref<2x64x128xf32, #tpu.memory_space<vmem>> -> memref<1x64x128xf32, #tpu.memory_space<vmem>>
          %scatter3A_356 = tpu.memref_squeeze %scatter3A_355 : memref<1x64x128xf32, #tpu.memory_space<vmem>> -> memref<64x128xf32, #tpu.memory_space<vmem>>
          tpu.vector_store_idx %scatter3A_356[%and3A_272, %add3A_18], %gather3A_312 : memref<64x128xf32, #tpu.memory_space<vmem>>[vector<16xi32>, vector<16xi32>], vector<16xf32>,
          %scatter3A_357 = arith.constant 1 : i32
          %scatter3A_358 = arith.constant 0 : i32
          %scatter3A_359 = arith.constant 0 : i32
          %scatter3A_360 = tpu.memref_slice %arg6[%scatter3A_357, %scatter3A_358, %scatter3A_359] : memref<2x64x128xf32, #tpu.memory_space<vmem>> -> memref<1x64x128xf32, #tpu.memory_space<vmem>>
          %scatter3A_361 = tpu.memref_squeeze %scatter3A_360 : memref<1x64x128xf32, #tpu.memory_space<vmem>> -> memref<64x128xf32, #tpu.memory_space<vmem>>
          tpu.vector_store_idx %scatter3A_361[%and3A_272, %add3A_21], %gather3A_318 : memref<64x128xf32, #tpu.memory_space<vmem>>[vector<16xi32>, vector<16xi32>], vector<16xf32>,
          %scatter3A_362 = arith.constant 1 : i32
          %scatter3A_363 = arith.constant 0 : i32
          %scatter3A_364 = arith.constant 0 : i32
          %scatter3A_365 = tpu.memref_slice %arg6[%scatter3A_362, %scatter3A_363, %scatter3A_364] : memref<2x64x128xf32, #tpu.memory_space<vmem>> -> memref<1x64x128xf32, #tpu.memory_space<vmem>>
          %scatter3A_366 = tpu.memref_squeeze %scatter3A_365 : memref<1x64x128xf32, #tpu.memory_space<vmem>> -> memref<64x128xf32, #tpu.memory_space<vmem>>
          tpu.vector_store_idx %scatter3A_366[%and3A_272, %add3A_24], %gather3A_324 : memref<64x128xf32, #tpu.memory_space<vmem>>[vector<16xi32>, vector<16xi32>], vector<16xf32>,
          %and3A_367 = arith.constant 63 : i32
          %and3A_368 = arith.andi %scan3A_326, %and3A_367 : i32
          %add3A_369 = vector.broadcast %and3A_368 : i32 to vector<16xi32>
          %add3A_370 = arith.addi %add3A_369, %iota3A : vector<16xi32>
          %and3A_371 = arith.constant 63 : i32
          %and3A_372 = vector.broadcast %and3A_371 : i32 to vector<16xi32>
          %and3A_373 = arith.andi %add3A_370, %and3A_372 : vector<16xi32>
          %add3A_374 = arith.addi %and3A_373, %and3A_373 : vector<16xi32>
          %add3A_375 = arith.constant 1 : i32
          %add3A_376 = vector.broadcast %add3A_375 : i32 to vector<16xi32>
          %add3A_377 = arith.addi %add3A_374, %add3A_376 : vector<16xi32>
          %gather3A_378 = arith.constant 1 : i32
          %gather3A_379 = arith.constant 0 : i32
          %gather3A_380 = arith.constant 0 : i32
          %gather3A_381 = tpu.memref_slice %arg5[%gather3A_378, %gather3A_379, %gather3A_380] : memref<2x64x128xf32, #tpu.memory_space<vmem>> -> memref<1x64x128xf32, #tpu.memory_space<vmem>>
          %gather3A_382 = tpu.memref_squeeze %gather3A_381 : memref<1x64x128xf32, #tpu.memory_space<vmem>> -> memref<64x128xf32, #tpu.memory_space<vmem>>
          %gather3A_383 = tpu.vector_load_idx %gather3A_382[%add3A_3, %add3A_374] : memref<64x128xf32, #tpu.memory_space<vmem>>[vector<16xi32>, vector<16xi32>], vector<16xf32>,
          %gather3A_384 = arith.constant 1 : i32
          %gather3A_385 = arith.constant 0 : i32
          %gather3A_386 = arith.constant 0 : i32
          %gather3A_387 = tpu.memref_slice %arg5[%gather3A_384, %gather3A_385, %gather3A_386] : memref<2x64x128xf32, #tpu.memory_space<vmem>> -> memref<1x64x128xf32, #tpu.memory_space<vmem>>
          %gather3A_388 = tpu.memref_squeeze %gather3A_387 : memref<1x64x128xf32, #tpu.memory_space<vmem>> -> memref<64x128xf32, #tpu.memory_space<vmem>>
          %gather3A_389 = tpu.vector_load_idx %gather3A_388[%add3A_6, %add3A_374] : memref<64x128xf32, #tpu.memory_space<vmem>>[vector<16xi32>, vector<16xi32>], vector<16xf32>,
          %gather3A_390 = arith.constant 1 : i32
          %gather3A_391 = arith.constant 0 : i32
          %gather3A_392 = arith.constant 0 : i32
          %gather3A_393 = tpu.memref_slice %arg5[%gather3A_390, %gather3A_391, %gather3A_392] : memref<2x64x128xf32, #tpu.memory_space<vmem>> -> memref<1x64x128xf32, #tpu.memory_space<vmem>>
          %gather3A_394 = tpu.memref_squeeze %gather3A_393 : memref<1x64x128xf32, #tpu.memory_space<vmem>> -> memref<64x128xf32, #tpu.memory_space<vmem>>
          %gather3A_395 = tpu.vector_load_idx %gather3A_394[%add3A_9, %add3A_374] : memref<64x128xf32, #tpu.memory_space<vmem>>[vector<16xi32>, vector<16xi32>], vector<16xf32>,
          %gather3A_396 = arith.constant 1 : i32
          %gather3A_397 = arith.constant 0 : i32
          %gather3A_398 = arith.constant 0 : i32
          %gather3A_399 = tpu.memref_slice %arg5[%gather3A_396, %gather3A_397, %gather3A_398] : memref<2x64x128xf32, #tpu.memory_space<vmem>> -> memref<1x64x128xf32, #tpu.memory_space<vmem>>
          %gather3A_400 = tpu.memref_squeeze %gather3A_399 : memref<1x64x128xf32, #tpu.memory_space<vmem>> -> memref<64x128xf32, #tpu.memory_space<vmem>>
          %gather3A_401 = tpu.vector_load_idx %gather3A_400[%add3A_12, %add3A_374] : memref<64x128xf32, #tpu.memory_space<vmem>>[vector<16xi32>, vector<16xi32>], vector<16xf32>,
          %gather3A_402 = arith.constant 1 : i32
          %gather3A_403 = arith.constant 0 : i32
          %gather3A_404 = arith.constant 0 : i32
          %gather3A_405 = tpu.memref_slice %arg5[%gather3A_402, %gather3A_403, %gather3A_404] : memref<2x64x128xf32, #tpu.memory_space<vmem>> -> memref<1x64x128xf32, #tpu.memory_space<vmem>>
          %gather3A_406 = tpu.memref_squeeze %gather3A_405 : memref<1x64x128xf32, #tpu.memory_space<vmem>> -> memref<64x128xf32, #tpu.memory_space<vmem>>
          %gather3A_407 = tpu.vector_load_idx %gather3A_406[%add3A_3, %add3A_377] : memref<64x128xf32, #tpu.memory_space<vmem>>[vector<16xi32>, vector<16xi32>], vector<16xf32>,
          %gather3A_408 = arith.constant 1 : i32
          %gather3A_409 = arith.constant 0 : i32
          %gather3A_410 = arith.constant 0 : i32
          %gather3A_411 = tpu.memref_slice %arg5[%gather3A_408, %gather3A_409, %gather3A_410] : memref<2x64x128xf32, #tpu.memory_space<vmem>> -> memref<1x64x128xf32, #tpu.memory_space<vmem>>
          %gather3A_412 = tpu.memref_squeeze %gather3A_411 : memref<1x64x128xf32, #tpu.memory_space<vmem>> -> memref<64x128xf32, #tpu.memory_space<vmem>>
          %gather3A_413 = tpu.vector_load_idx %gather3A_412[%add3A_6, %add3A_377] : memref<64x128xf32, #tpu.memory_space<vmem>>[vector<16xi32>, vector<16xi32>], vector<16xf32>,
          %gather3A_414 = arith.constant 1 : i32
          %gather3A_415 = arith.constant 0 : i32
          %gather3A_416 = arith.constant 0 : i32
          %gather3A_417 = tpu.memref_slice %arg5[%gather3A_414, %gather3A_415, %gather3A_416] : memref<2x64x128xf32, #tpu.memory_space<vmem>> -> memref<1x64x128xf32, #tpu.memory_space<vmem>>
          %gather3A_418 = tpu.memref_squeeze %gather3A_417 : memref<1x64x128xf32, #tpu.memory_space<vmem>> -> memref<64x128xf32, #tpu.memory_space<vmem>>
          %gather3A_419 = tpu.vector_load_idx %gather3A_418[%add3A_9, %add3A_377] : memref<64x128xf32, #tpu.memory_space<vmem>>[vector<16xi32>, vector<16xi32>], vector<16xf32>,
          %gather3A_420 = arith.constant 1 : i32
          %gather3A_421 = arith.constant 0 : i32
          %gather3A_422 = arith.constant 0 : i32
          %gather3A_423 = tpu.memref_slice %arg5[%gather3A_420, %gather3A_421, %gather3A_422] : memref<2x64x128xf32, #tpu.memory_space<vmem>> -> memref<1x64x128xf32, #tpu.memory_space<vmem>>
          %gather3A_424 = tpu.memref_squeeze %gather3A_423 : memref<1x64x128xf32, #tpu.memory_space<vmem>> -> memref<64x128xf32, #tpu.memory_space<vmem>>
          %gather3A_425 = tpu.vector_load_idx %gather3A_424[%add3A_12, %add3A_377] : memref<64x128xf32, #tpu.memory_space<vmem>>[vector<16xi32>, vector<16xi32>], vector<16xf32>,
          %scan3A_426 = arith.constant 2 : i32
          %scan3A_427 = arith.addi %scan3A_217, %scan3A_426 : i32
          %scatter3A_428 = arith.constant 1 : i32
          %scatter3A_429 = arith.constant 0 : i32
          %scatter3A_430 = arith.constant 0 : i32
          %scatter3A_431 = tpu.memref_slice %arg6[%scatter3A_428, %scatter3A_429, %scatter3A_430] : memref<2x64x128xf32, #tpu.memory_space<vmem>> -> memref<1x64x128xf32, #tpu.memory_space<vmem>>
          %scatter3A_432 = tpu.memref_squeeze %scatter3A_431 : memref<1x64x128xf32, #tpu.memory_space<vmem>> -> memref<64x128xf32, #tpu.memory_space<vmem>>
          tpu.vector_store_idx %scatter3A_432[%and3A_373, %add3A_3], %gather3A_383 : memref<64x128xf32, #tpu.memory_space<vmem>>[vector<16xi32>, vector<16xi32>], vector<16xf32>,
          %scatter3A_433 = arith.constant 1 : i32
          %scatter3A_434 = arith.constant 0 : i32
          %scatter3A_435 = arith.constant 0 : i32
          %scatter3A_436 = tpu.memref_slice %arg6[%scatter3A_433, %scatter3A_434, %scatter3A_435] : memref<2x64x128xf32, #tpu.memory_space<vmem>> -> memref<1x64x128xf32, #tpu.memory_space<vmem>>
          %scatter3A_437 = tpu.memref_squeeze %scatter3A_436 : memref<1x64x128xf32, #tpu.memory_space<vmem>> -> memref<64x128xf32, #tpu.memory_space<vmem>>
          tpu.vector_store_idx %scatter3A_437[%and3A_373, %add3A_6], %gather3A_389 : memref<64x128xf32, #tpu.memory_space<vmem>>[vector<16xi32>, vector<16xi32>], vector<16xf32>,
          %scatter3A_438 = arith.constant 1 : i32
          %scatter3A_439 = arith.constant 0 : i32
          %scatter3A_440 = arith.constant 0 : i32
          %scatter3A_441 = tpu.memref_slice %arg6[%scatter3A_438, %scatter3A_439, %scatter3A_440] : memref<2x64x128xf32, #tpu.memory_space<vmem>> -> memref<1x64x128xf32, #tpu.memory_space<vmem>>
          %scatter3A_442 = tpu.memref_squeeze %scatter3A_441 : memref<1x64x128xf32, #tpu.memory_space<vmem>> -> memref<64x128xf32, #tpu.memory_space<vmem>>
          tpu.vector_store_idx %scatter3A_442[%and3A_373, %add3A_9], %gather3A_395 : memref<64x128xf32, #tpu.memory_space<vmem>>[vector<16xi32>, vector<16xi32>], vector<16xf32>,
          %scatter3A_443 = arith.constant 1 : i32
          %scatter3A_444 = arith.constant 0 : i32
          %scatter3A_445 = arith.constant 0 : i32
          %scatter3A_446 = tpu.memref_slice %arg6[%scatter3A_443, %scatter3A_444, %scatter3A_445] : memref<2x64x128xf32, #tpu.memory_space<vmem>> -> memref<1x64x128xf32, #tpu.memory_space<vmem>>
          %scatter3A_447 = tpu.memref_squeeze %scatter3A_446 : memref<1x64x128xf32, #tpu.memory_space<vmem>> -> memref<64x128xf32, #tpu.memory_space<vmem>>
          tpu.vector_store_idx %scatter3A_447[%and3A_373, %add3A_12], %gather3A_401 : memref<64x128xf32, #tpu.memory_space<vmem>>[vector<16xi32>, vector<16xi32>], vector<16xf32>,
          %scatter3A_448 = arith.constant 1 : i32
          %scatter3A_449 = arith.constant 0 : i32
          %scatter3A_450 = arith.constant 0 : i32
          %scatter3A_451 = tpu.memref_slice %arg6[%scatter3A_448, %scatter3A_449, %scatter3A_450] : memref<2x64x128xf32, #tpu.memory_space<vmem>> -> memref<1x64x128xf32, #tpu.memory_space<vmem>>
          %scatter3A_452 = tpu.memref_squeeze %scatter3A_451 : memref<1x64x128xf32, #tpu.memory_space<vmem>> -> memref<64x128xf32, #tpu.memory_space<vmem>>
          tpu.vector_store_idx %scatter3A_452[%and3A_373, %add3A_15], %gather3A_407 : memref<64x128xf32, #tpu.memory_space<vmem>>[vector<16xi32>, vector<16xi32>], vector<16xf32>,
          %scatter3A_453 = arith.constant 1 : i32
          %scatter3A_454 = arith.constant 0 : i32
          %scatter3A_455 = arith.constant 0 : i32
          %scatter3A_456 = tpu.memref_slice %arg6[%scatter3A_453, %scatter3A_454, %scatter3A_455] : memref<2x64x128xf32, #tpu.memory_space<vmem>> -> memref<1x64x128xf32, #tpu.memory_space<vmem>>
          %scatter3A_457 = tpu.memref_squeeze %scatter3A_456 : memref<1x64x128xf32, #tpu.memory_space<vmem>> -> memref<64x128xf32, #tpu.memory_space<vmem>>
          tpu.vector_store_idx %scatter3A_457[%and3A_373, %add3A_18], %gather3A_413 : memref<64x128xf32, #tpu.memory_space<vmem>>[vector<16xi32>, vector<16xi32>], vector<16xf32>,
          %scatter3A_458 = arith.constant 1 : i32
          %scatter3A_459 = arith.constant 0 : i32
          %scatter3A_460 = arith.constant 0 : i32
          %scatter3A_461 = tpu.memref_slice %arg6[%scatter3A_458, %scatter3A_459, %scatter3A_460] : memref<2x64x128xf32, #tpu.memory_space<vmem>> -> memref<1x64x128xf32, #tpu.memory_space<vmem>>
          %scatter3A_462 = tpu.memref_squeeze %scatter3A_461 : memref<1x64x128xf32, #tpu.memory_space<vmem>> -> memref<64x128xf32, #tpu.memory_space<vmem>>
          tpu.vector_store_idx %scatter3A_462[%and3A_373, %add3A_21], %gather3A_419 : memref<64x128xf32, #tpu.memory_space<vmem>>[vector<16xi32>, vector<16xi32>], vector<16xf32>,
          %scatter3A_463 = arith.constant 1 : i32
          %scatter3A_464 = arith.constant 0 : i32
          %scatter3A_465 = arith.constant 0 : i32
          %scatter3A_466 = tpu.memref_slice %arg6[%scatter3A_463, %scatter3A_464, %scatter3A_465] : memref<2x64x128xf32, #tpu.memory_space<vmem>> -> memref<1x64x128xf32, #tpu.memory_space<vmem>>
          %scatter3A_467 = tpu.memref_squeeze %scatter3A_466 : memref<1x64x128xf32, #tpu.memory_space<vmem>> -> memref<64x128xf32, #tpu.memory_space<vmem>>
          tpu.vector_store_idx %scatter3A_467[%and3A_373, %add3A_24], %gather3A_425 : memref<64x128xf32, #tpu.memory_space<vmem>>[vector<16xi32>, vector<16xi32>], vector<16xf32>,
          %and3A_468 = arith.constant 63 : i32
          %and3A_469 = arith.andi %scan3A_427, %and3A_468 : i32
          %add3A_470 = vector.broadcast %and3A_469 : i32 to vector<16xi32>
          %add3A_471 = arith.addi %add3A_470, %iota3A : vector<16xi32>
          %and3A_472 = arith.constant 63 : i32
          %and3A_473 = vector.broadcast %and3A_472 : i32 to vector<16xi32>
          %and3A_474 = arith.andi %add3A_471, %and3A_473 : vector<16xi32>
          %add3A_475 = arith.addi %and3A_474, %and3A_474 : vector<16xi32>
          %add3A_476 = arith.constant 1 : i32
          %add3A_477 = vector.broadcast %add3A_476 : i32 to vector<16xi32>
          %add3A_478 = arith.addi %add3A_475, %add3A_477 : vector<16xi32>
          %gather3A_479 = arith.constant 1 : i32
          %gather3A_480 = arith.constant 0 : i32
          %gather3A_481 = arith.constant 0 : i32
          %gather3A_482 = tpu.memref_slice %arg5[%gather3A_479, %gather3A_480, %gather3A_481] : memref<2x64x128xf32, #tpu.memory_space<vmem>> -> memref<1x64x128xf32, #tpu.memory_space<vmem>>
          %gather3A_483 = tpu.memref_squeeze %gather3A_482 : memref<1x64x128xf32, #tpu.memory_space<vmem>> -> memref<64x128xf32, #tpu.memory_space<vmem>>
          %gather3A_484 = tpu.vector_load_idx %gather3A_483[%add3A_3, %add3A_475] : memref<64x128xf32, #tpu.memory_space<vmem>>[vector<16xi32>, vector<16xi32>], vector<16xf32>,
          %gather3A_485 = arith.constant 1 : i32
          %gather3A_486 = arith.constant 0 : i32
          %gather3A_487 = arith.constant 0 : i32
          %gather3A_488 = tpu.memref_slice %arg5[%gather3A_485, %gather3A_486, %gather3A_487] : memref<2x64x128xf32, #tpu.memory_space<vmem>> -> memref<1x64x128xf32, #tpu.memory_space<vmem>>
          %gather3A_489 = tpu.memref_squeeze %gather3A_488 : memref<1x64x128xf32, #tpu.memory_space<vmem>> -> memref<64x128xf32, #tpu.memory_space<vmem>>
          %gather3A_490 = tpu.vector_load_idx %gather3A_489[%add3A_6, %add3A_475] : memref<64x128xf32, #tpu.memory_space<vmem>>[vector<16xi32>, vector<16xi32>], vector<16xf32>,
          %gather3A_491 = arith.constant 1 : i32
          %gather3A_492 = arith.constant 0 : i32
          %gather3A_493 = arith.constant 0 : i32
          %gather3A_494 = tpu.memref_slice %arg5[%gather3A_491, %gather3A_492, %gather3A_493] : memref<2x64x128xf32, #tpu.memory_space<vmem>> -> memref<1x64x128xf32, #tpu.memory_space<vmem>>
          %gather3A_495 = tpu.memref_squeeze %gather3A_494 : memref<1x64x128xf32, #tpu.memory_space<vmem>> -> memref<64x128xf32, #tpu.memory_space<vmem>>
          %gather3A_496 = tpu.vector_load_idx %gather3A_495[%add3A_9, %add3A_475] : memref<64x128xf32, #tpu.memory_space<vmem>>[vector<16xi32>, vector<16xi32>], vector<16xf32>,
          %gather3A_497 = arith.constant 1 : i32
          %gather3A_498 = arith.constant 0 : i32
          %gather3A_499 = arith.constant 0 : i32
          %gather3A_500 = tpu.memref_slice %arg5[%gather3A_497, %gather3A_498, %gather3A_499] : memref<2x64x128xf32, #tpu.memory_space<vmem>> -> memref<1x64x128xf32, #tpu.memory_space<vmem>>
          %gather3A_501 = tpu.memref_squeeze %gather3A_500 : memref<1x64x128xf32, #tpu.memory_space<vmem>> -> memref<64x128xf32, #tpu.memory_space<vmem>>
          %gather3A_502 = tpu.vector_load_idx %gather3A_501[%add3A_12, %add3A_475] : memref<64x128xf32, #tpu.memory_space<vmem>>[vector<16xi32>, vector<16xi32>], vector<16xf32>,
          %gather3A_503 = arith.constant 1 : i32
          %gather3A_504 = arith.constant 0 : i32
          %gather3A_505 = arith.constant 0 : i32
          %gather3A_506 = tpu.memref_slice %arg5[%gather3A_503, %gather3A_504, %gather3A_505] : memref<2x64x128xf32, #tpu.memory_space<vmem>> -> memref<1x64x128xf32, #tpu.memory_space<vmem>>
          %gather3A_507 = tpu.memref_squeeze %gather3A_506 : memref<1x64x128xf32, #tpu.memory_space<vmem>> -> memref<64x128xf32, #tpu.memory_space<vmem>>
          %gather3A_508 = tpu.vector_load_idx %gather3A_507[%add3A_3, %add3A_478] : memref<64x128xf32, #tpu.memory_space<vmem>>[vector<16xi32>, vector<16xi32>], vector<16xf32>,
          %gather3A_509 = arith.constant 1 : i32
          %gather3A_510 = arith.constant 0 : i32
          %gather3A_511 = arith.constant 0 : i32
          %gather3A_512 = tpu.memref_slice %arg5[%gather3A_509, %gather3A_510, %gather3A_511] : memref<2x64x128xf32, #tpu.memory_space<vmem>> -> memref<1x64x128xf32, #tpu.memory_space<vmem>>
          %gather3A_513 = tpu.memref_squeeze %gather3A_512 : memref<1x64x128xf32, #tpu.memory_space<vmem>> -> memref<64x128xf32, #tpu.memory_space<vmem>>
          %gather3A_514 = tpu.vector_load_idx %gather3A_513[%add3A_6, %add3A_478] : memref<64x128xf32, #tpu.memory_space<vmem>>[vector<16xi32>, vector<16xi32>], vector<16xf32>,
          %gather3A_515 = arith.constant 1 : i32
          %gather3A_516 = arith.constant 0 : i32
          %gather3A_517 = arith.constant 0 : i32
          %gather3A_518 = tpu.memref_slice %arg5[%gather3A_515, %gather3A_516, %gather3A_517] : memref<2x64x128xf32, #tpu.memory_space<vmem>> -> memref<1x64x128xf32, #tpu.memory_space<vmem>>
          %gather3A_519 = tpu.memref_squeeze %gather3A_518 : memref<1x64x128xf32, #tpu.memory_space<vmem>> -> memref<64x128xf32, #tpu.memory_space<vmem>>
          %gather3A_520 = tpu.vector_load_idx %gather3A_519[%add3A_9, %add3A_478] : memref<64x128xf32, #tpu.memory_space<vmem>>[vector<16xi32>, vector<16xi32>], vector<16xf32>,
          %gather3A_521 = arith.constant 1 : i32
          %gather3A_522 = arith.constant 0 : i32
          %gather3A_523 = arith.constant 0 : i32
          %gather3A_524 = tpu.memref_slice %arg5[%gather3A_521, %gather3A_522, %gather3A_523] : memref<2x64x128xf32, #tpu.memory_space<vmem>> -> memref<1x64x128xf32, #tpu.memory_space<vmem>>
          %gather3A_525 = tpu.memref_squeeze %gather3A_524 : memref<1x64x128xf32, #tpu.memory_space<vmem>> -> memref<64x128xf32, #tpu.memory_space<vmem>>
          %gather3A_526 = tpu.vector_load_idx %gather3A_525[%add3A_12, %add3A_478] : memref<64x128xf32, #tpu.memory_space<vmem>>[vector<16xi32>, vector<16xi32>], vector<16xf32>,
          %scan3A_527 = arith.constant 3 : i32
          %scan3A_528 = arith.addi %scan3A_217, %scan3A_527 : i32
          %scatter3A_529 = arith.constant 1 : i32
          %scatter3A_530 = arith.constant 0 : i32
          %scatter3A_531 = arith.constant 0 : i32
          %scatter3A_532 = tpu.memref_slice %arg6[%scatter3A_529, %scatter3A_530, %scatter3A_531] : memref<2x64x128xf32, #tpu.memory_space<vmem>> -> memref<1x64x128xf32, #tpu.memory_space<vmem>>
          %scatter3A_533 = tpu.memref_squeeze %scatter3A_532 : memref<1x64x128xf32, #tpu.memory_space<vmem>> -> memref<64x128xf32, #tpu.memory_space<vmem>>
          tpu.vector_store_idx %scatter3A_533[%and3A_474, %add3A_3], %gather3A_484 : memref<64x128xf32, #tpu.memory_space<vmem>>[vector<16xi32>, vector<16xi32>], vector<16xf32>,
          %scatter3A_534 = arith.constant 1 : i32
          %scatter3A_535 = arith.constant 0 : i32
          %scatter3A_536 = arith.constant 0 : i32
          %scatter3A_537 = tpu.memref_slice %arg6[%scatter3A_534, %scatter3A_535, %scatter3A_536] : memref<2x64x128xf32, #tpu.memory_space<vmem>> -> memref<1x64x128xf32, #tpu.memory_space<vmem>>
          %scatter3A_538 = tpu.memref_squeeze %scatter3A_537 : memref<1x64x128xf32, #tpu.memory_space<vmem>> -> memref<64x128xf32, #tpu.memory_space<vmem>>
          tpu.vector_store_idx %scatter3A_538[%and3A_474, %add3A_6], %gather3A_490 : memref<64x128xf32, #tpu.memory_space<vmem>>[vector<16xi32>, vector<16xi32>], vector<16xf32>,
          %scatter3A_539 = arith.constant 1 : i32
          %scatter3A_540 = arith.constant 0 : i32
          %scatter3A_541 = arith.constant 0 : i32
          %scatter3A_542 = tpu.memref_slice %arg6[%scatter3A_539, %scatter3A_540, %scatter3A_541] : memref<2x64x128xf32, #tpu.memory_space<vmem>> -> memref<1x64x128xf32, #tpu.memory_space<vmem>>
          %scatter3A_543 = tpu.memref_squeeze %scatter3A_542 : memref<1x64x128xf32, #tpu.memory_space<vmem>> -> memref<64x128xf32, #tpu.memory_space<vmem>>
          tpu.vector_store_idx %scatter3A_543[%and3A_474, %add3A_9], %gather3A_496 : memref<64x128xf32, #tpu.memory_space<vmem>>[vector<16xi32>, vector<16xi32>], vector<16xf32>,
          %scatter3A_544 = arith.constant 1 : i32
          %scatter3A_545 = arith.constant 0 : i32
          %scatter3A_546 = arith.constant 0 : i32
          %scatter3A_547 = tpu.memref_slice %arg6[%scatter3A_544, %scatter3A_545, %scatter3A_546] : memref<2x64x128xf32, #tpu.memory_space<vmem>> -> memref<1x64x128xf32, #tpu.memory_space<vmem>>
          %scatter3A_548 = tpu.memref_squeeze %scatter3A_547 : memref<1x64x128xf32, #tpu.memory_space<vmem>> -> memref<64x128xf32, #tpu.memory_space<vmem>>
          tpu.vector_store_idx %scatter3A_548[%and3A_474, %add3A_12], %gather3A_502 : memref<64x128xf32, #tpu.memory_space<vmem>>[vector<16xi32>, vector<16xi32>], vector<16xf32>,
          %scatter3A_549 = arith.constant 1 : i32
          %scatter3A_550 = arith.constant 0 : i32
          %scatter3A_551 = arith.constant 0 : i32
          %scatter3A_552 = tpu.memref_slice %arg6[%scatter3A_549, %scatter3A_550, %scatter3A_551] : memref<2x64x128xf32, #tpu.memory_space<vmem>> -> memref<1x64x128xf32, #tpu.memory_space<vmem>>
          %scatter3A_553 = tpu.memref_squeeze %scatter3A_552 : memref<1x64x128xf32, #tpu.memory_space<vmem>> -> memref<64x128xf32, #tpu.memory_space<vmem>>
          tpu.vector_store_idx %scatter3A_553[%and3A_474, %add3A_15], %gather3A_508 : memref<64x128xf32, #tpu.memory_space<vmem>>[vector<16xi32>, vector<16xi32>], vector<16xf32>,
          %scatter3A_554 = arith.constant 1 : i32
          %scatter3A_555 = arith.constant 0 : i32
          %scatter3A_556 = arith.constant 0 : i32
          %scatter3A_557 = tpu.memref_slice %arg6[%scatter3A_554, %scatter3A_555, %scatter3A_556] : memref<2x64x128xf32, #tpu.memory_space<vmem>> -> memref<1x64x128xf32, #tpu.memory_space<vmem>>
          %scatter3A_558 = tpu.memref_squeeze %scatter3A_557 : memref<1x64x128xf32, #tpu.memory_space<vmem>> -> memref<64x128xf32, #tpu.memory_space<vmem>>
          tpu.vector_store_idx %scatter3A_558[%and3A_474, %add3A_18], %gather3A_514 : memref<64x128xf32, #tpu.memory_space<vmem>>[vector<16xi32>, vector<16xi32>], vector<16xf32>,
          %scatter3A_559 = arith.constant 1 : i32
          %scatter3A_560 = arith.constant 0 : i32
          %scatter3A_561 = arith.constant 0 : i32
          %scatter3A_562 = tpu.memref_slice %arg6[%scatter3A_559, %scatter3A_560, %scatter3A_561] : memref<2x64x128xf32, #tpu.memory_space<vmem>> -> memref<1x64x128xf32, #tpu.memory_space<vmem>>
          %scatter3A_563 = tpu.memref_squeeze %scatter3A_562 : memref<1x64x128xf32, #tpu.memory_space<vmem>> -> memref<64x128xf32, #tpu.memory_space<vmem>>
          tpu.vector_store_idx %scatter3A_563[%and3A_474, %add3A_21], %gather3A_520 : memref<64x128xf32, #tpu.memory_space<vmem>>[vector<16xi32>, vector<16xi32>], vector<16xf32>,
          %scatter3A_564 = arith.constant 1 : i32
          %scatter3A_565 = arith.constant 0 : i32
          %scatter3A_566 = arith.constant 0 : i32
          %scatter3A_567 = tpu.memref_slice %arg6[%scatter3A_564, %scatter3A_565, %scatter3A_566] : memref<2x64x128xf32, #tpu.memory_space<vmem>> -> memref<1x64x128xf32, #tpu.memory_space<vmem>>
          %scatter3A_568 = tpu.memref_squeeze %scatter3A_567 : memref<1x64x128xf32, #tpu.memory_space<vmem>> -> memref<64x128xf32, #tpu.memory_space<vmem>>
          tpu.vector_store_idx %scatter3A_568[%and3A_474, %add3A_24], %gather3A_526 : memref<64x128xf32, #tpu.memory_space<vmem>>[vector<16xi32>, vector<16xi32>], vector<16xf32>,
          %and3A_569 = arith.constant 63 : i32
          %and3A_570 = arith.andi %scan3A_528, %and3A_569 : i32
          %add3A_571 = vector.broadcast %and3A_570 : i32 to vector<16xi32>
          %add3A_572 = arith.addi %add3A_571, %iota3A : vector<16xi32>
          %and3A_573 = arith.constant 63 : i32
          %and3A_574 = vector.broadcast %and3A_573 : i32 to vector<16xi32>
          %and3A_575 = arith.andi %add3A_572, %and3A_574 : vector<16xi32>
          %add3A_576 = arith.addi %and3A_575, %and3A_575 : vector<16xi32>
          %add3A_577 = arith.constant 1 : i32
          %add3A_578 = vector.broadcast %add3A_577 : i32 to vector<16xi32>
          %add3A_579 = arith.addi %add3A_576, %add3A_578 : vector<16xi32>
          %gather3A_580 = arith.constant 1 : i32
          %gather3A_581 = arith.constant 0 : i32
          %gather3A_582 = arith.constant 0 : i32
          %gather3A_583 = tpu.memref_slice %arg5[%gather3A_580, %gather3A_581, %gather3A_582] : memref<2x64x128xf32, #tpu.memory_space<vmem>> -> memref<1x64x128xf32, #tpu.memory_space<vmem>>
          %gather3A_584 = tpu.memref_squeeze %gather3A_583 : memref<1x64x128xf32, #tpu.memory_space<vmem>> -> memref<64x128xf32, #tpu.memory_space<vmem>>
          %gather3A_585 = tpu.vector_load_idx %gather3A_584[%add3A_3, %add3A_576] : memref<64x128xf32, #tpu.memory_space<vmem>>[vector<16xi32>, vector<16xi32>], vector<16xf32>,
          %gather3A_586 = arith.constant 1 : i32
          %gather3A_587 = arith.constant 0 : i32
          %gather3A_588 = arith.constant 0 : i32
          %gather3A_589 = tpu.memref_slice %arg5[%gather3A_586, %gather3A_587, %gather3A_588] : memref<2x64x128xf32, #tpu.memory_space<vmem>> -> memref<1x64x128xf32, #tpu.memory_space<vmem>>
          %gather3A_590 = tpu.memref_squeeze %gather3A_589 : memref<1x64x128xf32, #tpu.memory_space<vmem>> -> memref<64x128xf32, #tpu.memory_space<vmem>>
          %gather3A_591 = tpu.vector_load_idx %gather3A_590[%add3A_6, %add3A_576] : memref<64x128xf32, #tpu.memory_space<vmem>>[vector<16xi32>, vector<16xi32>], vector<16xf32>,
          %gather3A_592 = arith.constant 1 : i32
          %gather3A_593 = arith.constant 0 : i32
          %gather3A_594 = arith.constant 0 : i32
          %gather3A_595 = tpu.memref_slice %arg5[%gather3A_592, %gather3A_593, %gather3A_594] : memref<2x64x128xf32, #tpu.memory_space<vmem>> -> memref<1x64x128xf32, #tpu.memory_space<vmem>>
          %gather3A_596 = tpu.memref_squeeze %gather3A_595 : memref<1x64x128xf32, #tpu.memory_space<vmem>> -> memref<64x128xf32, #tpu.memory_space<vmem>>
          %gather3A_597 = tpu.vector_load_idx %gather3A_596[%add3A_9, %add3A_576] : memref<64x128xf32, #tpu.memory_space<vmem>>[vector<16xi32>, vector<16xi32>], vector<16xf32>,
          %gather3A_598 = arith.constant 1 : i32
          %gather3A_599 = arith.constant 0 : i32
          %gather3A_600 = arith.constant 0 : i32
          %gather3A_601 = tpu.memref_slice %arg5[%gather3A_598, %gather3A_599, %gather3A_600] : memref<2x64x128xf32, #tpu.memory_space<vmem>> -> memref<1x64x128xf32, #tpu.memory_space<vmem>>
          %gather3A_602 = tpu.memref_squeeze %gather3A_601 : memref<1x64x128xf32, #tpu.memory_space<vmem>> -> memref<64x128xf32, #tpu.memory_space<vmem>>
          %gather3A_603 = tpu.vector_load_idx %gather3A_602[%add3A_12, %add3A_576] : memref<64x128xf32, #tpu.memory_space<vmem>>[vector<16xi32>, vector<16xi32>], vector<16xf32>,
          %gather3A_604 = arith.constant 1 : i32
          %gather3A_605 = arith.constant 0 : i32
          %gather3A_606 = arith.constant 0 : i32
          %gather3A_607 = tpu.memref_slice %arg5[%gather3A_604, %gather3A_605, %gather3A_606] : memref<2x64x128xf32, #tpu.memory_space<vmem>> -> memref<1x64x128xf32, #tpu.memory_space<vmem>>
          %gather3A_608 = tpu.memref_squeeze %gather3A_607 : memref<1x64x128xf32, #tpu.memory_space<vmem>> -> memref<64x128xf32, #tpu.memory_space<vmem>>
          %gather3A_609 = tpu.vector_load_idx %gather3A_608[%add3A_3, %add3A_579] : memref<64x128xf32, #tpu.memory_space<vmem>>[vector<16xi32>, vector<16xi32>], vector<16xf32>,
          %gather3A_610 = arith.constant 1 : i32
          %gather3A_611 = arith.constant 0 : i32
          %gather3A_612 = arith.constant 0 : i32
          %gather3A_613 = tpu.memref_slice %arg5[%gather3A_610, %gather3A_611, %gather3A_612] : memref<2x64x128xf32, #tpu.memory_space<vmem>> -> memref<1x64x128xf32, #tpu.memory_space<vmem>>
          %gather3A_614 = tpu.memref_squeeze %gather3A_613 : memref<1x64x128xf32, #tpu.memory_space<vmem>> -> memref<64x128xf32, #tpu.memory_space<vmem>>
          %gather3A_615 = tpu.vector_load_idx %gather3A_614[%add3A_6, %add3A_579] : memref<64x128xf32, #tpu.memory_space<vmem>>[vector<16xi32>, vector<16xi32>], vector<16xf32>,
          %gather3A_616 = arith.constant 1 : i32
          %gather3A_617 = arith.constant 0 : i32
          %gather3A_618 = arith.constant 0 : i32
          %gather3A_619 = tpu.memref_slice %arg5[%gather3A_616, %gather3A_617, %gather3A_618] : memref<2x64x128xf32, #tpu.memory_space<vmem>> -> memref<1x64x128xf32, #tpu.memory_space<vmem>>
          %gather3A_620 = tpu.memref_squeeze %gather3A_619 : memref<1x64x128xf32, #tpu.memory_space<vmem>> -> memref<64x128xf32, #tpu.memory_space<vmem>>
          %gather3A_621 = tpu.vector_load_idx %gather3A_620[%add3A_9, %add3A_579] : memref<64x128xf32, #tpu.memory_space<vmem>>[vector<16xi32>, vector<16xi32>], vector<16xf32>,
          %gather3A_622 = arith.constant 1 : i32
          %gather3A_623 = arith.constant 0 : i32
          %gather3A_624 = arith.constant 0 : i32
          %gather3A_625 = tpu.memref_slice %arg5[%gather3A_622, %gather3A_623, %gather3A_624] : memref<2x64x128xf32, #tpu.memory_space<vmem>> -> memref<1x64x128xf32, #tpu.memory_space<vmem>>
          %gather3A_626 = tpu.memref_squeeze %gather3A_625 : memref<1x64x128xf32, #tpu.memory_space<vmem>> -> memref<64x128xf32, #tpu.memory_space<vmem>>
          %gather3A_627 = tpu.vector_load_idx %gather3A_626[%add3A_12, %add3A_579] : memref<64x128xf32, #tpu.memory_space<vmem>>[vector<16xi32>, vector<16xi32>], vector<16xf32>,
          scf.yield %gather3A_585, %gather3A_591, %gather3A_597, %gather3A_603, %gather3A_609, %gather3A_615, %gather3A_621, %gather3A_627, %and3A_575 : vector<16xf32>, vector<16xf32>, vector<16xf32>, vector<16xf32>, vector<16xf32>, vector<16xf32>, vector<16xf32>, vector<16xf32>, vector<16xi32>
        }
        %scan3A_204 = arith.constant 64 : i32
        %delay3A = arith.constant 100 : i32
        tpu.delay %delay3A
        %mul3A_205 = arith.constant 32 : i32
        %mul3A_206 = arith.muli %add3A_112, %mul3A_205 : i32
        %add3A_207 = arith.addi %add3A, %mul3A_206 : i32
        %lt3A_208 = arith.constant 7812 : i32
        %lt3A_209 = arith.cmpi slt, %add3A_207, %lt3A_208 : i32
        %convert_element_type3A_210 = arith.extui %lt3A_209 : i1 to i32
        %cond3A_211 = arith.constant 0 : i32
        %cond3A_212 = arith.cmpi ne, %convert_element_type3A_210, %cond3A_211 : i32
        scf.if %cond3A_212 {
          %mul3A_217 = arith.constant 64 : i32
          %mul3A_218 = arith.muli %add3A_207, %mul3A_217 : i32
          %dma_start3A = arith.constant 1 : i32
          %dma_start3A_219 = arith.constant 1 : i32
          %dma_start3A_220 = arith.constant 0 : i32
          %dma_start3A_221 = arith.constant 0 : i32
          %dma_start3A_222 = tpu.memref_slice %arg6[%dma_start3A, %dma_start3A_220, %dma_start3A_221] : memref<2x64x128xf32, #tpu.memory_space<vmem>> -> memref<1x64x128xf32, #tpu.memory_space<vmem>>
          %dma_start3A_223 = tpu.memref_squeeze %dma_start3A_222 : memref<1x64x128xf32, #tpu.memory_space<vmem>> -> memref<64x128xf32, #tpu.memory_space<vmem>>
          %dma_start3A_224 = arith.constant 0 : i32
          %dma_start3A_225 = tpu.memref_slice %arg4[%mul3A_218, %dma_start3A_224] : memref<500000x128xf32, #tpu.memory_space<hbm>> -> memref<64x128xf32, #tpu.memory_space<hbm>>
          %dma_start3A_226 = tpu.memref_slice %arg8[%dma_start3A_219] : memref<2x!tpu.dma_semaphore, #tpu.memory_space<semaphore_mem>> -> memref<1x!tpu.dma_semaphore, #tpu.memory_space<semaphore_mem>>
          %dma_start3A_227 = tpu.memref_squeeze %dma_start3A_226 : memref<1x!tpu.dma_semaphore, #tpu.memory_space<semaphore_mem>> -> memref<!tpu.dma_semaphore, #tpu.memory_space<semaphore_mem>>
          %dma_start3A_228 = arith.constant 0 : i32
          %dma_start3A_229 = tpu.memref_slice %arg4[%mul3A_218, %dma_start3A_228] : memref<500000x128xf32, #tpu.memory_space<hbm>> -> memref<64x128xf32, #tpu.memory_space<hbm>>
          %dma_start3A_230 = arith.constant 0 : i32
          %dma_start3A_231 = arith.constant 0 : i32
          %dma_start3A_232 = tpu.memref_slice %arg6[%dma_start3A, %dma_start3A_230, %dma_start3A_231] : memref<2x64x128xf32, #tpu.memory_space<vmem>> -> memref<1x64x128xf32, #tpu.memory_space<vmem>>
          %dma_start3A_233 = tpu.memref_squeeze %dma_start3A_232 : memref<1x64x128xf32, #tpu.memory_space<vmem>> -> memref<64x128xf32, #tpu.memory_space<vmem>>
          tpu.enqueue_dma source(%dma_start3A_233 : memref<64x128xf32, #tpu.memory_space<vmem>>) target(%dma_start3A_229 : memref<64x128xf32, #tpu.memory_space<hbm>>) target_semaphore(%dma_start3A_227 : memref<!tpu.dma_semaphore, #tpu.memory_space<semaphore_mem>>)
        } else {
        }
        %eq3A = arith.constant 7812 : i32
        %eq3A_213 = arith.cmpi eq, %add3A_207, %eq3A : i32
        %convert_element_type3A_214 = arith.extui %eq3A_213 : i1 to i32
        %cond3A_215 = arith.constant 0 : i32
        %cond3A_216 = arith.cmpi ne, %convert_element_type3A_214, %cond3A_215 : i32
        scf.if %cond3A_216 {
          %mul3A_217 = arith.constant 64 : i32
          %mul3A_218 = arith.muli %add3A_207, %mul3A_217 : i32
          %dma_start3A = arith.constant 1 : i32
          %dma_start3A_219 = arith.constant 1 : i32
          %dma_start3A_220 = arith.constant 0 : i32
          %dma_start3A_221 = arith.constant 0 : i32
          %dma_start3A_222 = tpu.memref_slice %arg6[%dma_start3A, %dma_start3A_220, %dma_start3A_221] : memref<2x64x128xf32, #tpu.memory_space<vmem>> -> memref<1x32x128xf32, #tpu.memory_space<vmem>>
          %dma_start3A_223 = tpu.memref_squeeze %dma_start3A_222 : memref<1x32x128xf32, #tpu.memory_space<vmem>> -> memref<32x128xf32, #tpu.memory_space<vmem>>
          %dma_start3A_224 = arith.constant 0 : i32
          %dma_start3A_225 = tpu.memref_slice %arg4[%mul3A_218, %dma_start3A_224] : memref<500000x128xf32, #tpu.memory_space<hbm>> -> memref<32x128xf32, #tpu.memory_space<hbm>>
          %dma_start3A_226 = tpu.memref_slice %arg8[%dma_start3A_219] : memref<2x!tpu.dma_semaphore, #tpu.memory_space<semaphore_mem>> -> memref<1x!tpu.dma_semaphore, #tpu.memory_space<semaphore_mem>>
          %dma_start3A_227 = tpu.memref_squeeze %dma_start3A_226 : memref<1x!tpu.dma_semaphore, #tpu.memory_space<semaphore_mem>> -> memref<!tpu.dma_semaphore, #tpu.memory_space<semaphore_mem>>
          %dma_start3A_228 = arith.constant 0 : i32
          %dma_start3A_229 = tpu.memref_slice %arg4[%mul3A_218, %dma_start3A_228] : memref<500000x128xf32, #tpu.memory_space<hbm>> -> memref<32x128xf32, #tpu.memory_space<hbm>>
          %dma_start3A_230 = arith.constant 0 : i32
          %dma_start3A_231 = arith.constant 0 : i32
          %dma_start3A_232 = tpu.memref_slice %arg6[%dma_start3A, %dma_start3A_230, %dma_start3A_231] : memref<2x64x128xf32, #tpu.memory_space<vmem>> -> memref<1x32x128xf32, #tpu.memory_space<vmem>>
          %dma_start3A_233 = tpu.memref_squeeze %dma_start3A_232 : memref<1x32x128xf32, #tpu.memory_space<vmem>> -> memref<32x128xf32, #tpu.memory_space<vmem>>
          tpu.enqueue_dma source(%dma_start3A_233 : memref<32x128xf32, #tpu.memory_space<vmem>>) target(%dma_start3A_229 : memref<32x128xf32, #tpu.memory_space<hbm>>) target_semaphore(%dma_start3A_227 : memref<!tpu.dma_semaphore, #tpu.memory_space<semaphore_mem>>)
        } else {
        }
      } else {
      }
    }
    %scan3A_33 = arith.constant 122 : i32
    %mul3A_34 = arith.constant 244 : i32
    %mul3A_35 = arith.constant 32 : i32
    %mul3A_36 = arith.muli %mul3A_34, %mul3A_35 : i32
    %add3A_37 = arith.addi %add3A, %mul3A_36 : i32
    %lt3A_38 = arith.constant 7813 : i32
    %lt3A_39 = arith.cmpi slt, %add3A_37, %lt3A_38 : i32
    %convert_element_type3A_40 = arith.extui %lt3A_39 : i1 to i32
    %cond3A_41 = arith.constant 244 : i32
    %cond3A_42 = arith.constant 0 : i32
    %cond3A_43 = arith.cmpi ne, %convert_element_type3A_40, %cond3A_42 : i32
    scf.if %cond3A_43 {
      %mul3A_80 = arith.constant 32 : i32
      %mul3A_81 = arith.muli %cond3A_41, %mul3A_80 : i32
      %add3A_82 = arith.addi %add3A, %mul3A_81 : i32
      %lt3A_83 = arith.constant 7812 : i32
      %lt3A_84 = arith.cmpi slt, %add3A_82, %lt3A_83 : i32
      %convert_element_type3A_85 = arith.extui %lt3A_84 : i1 to i32
      %cond3A_86 = arith.constant 0 : i32
      %cond3A_87 = arith.cmpi ne, %convert_element_type3A_85, %cond3A_86 : i32
      scf.if %cond3A_87 {
        %mul3A_92 = arith.constant 128 : i32
        %mul3A_93 = arith.muli %add3A_82, %mul3A_92 : i32
        %dma_wait3A = arith.constant 0 : i32
        %dma_wait3A_94 = arith.constant 0 : i32
        %dma_wait3A_95 = arith.constant 0 : i32
        %dma_wait3A_96 = arith.constant 0 : i32
        %dma_wait3A_97 = tpu.memref_slice %arg5[%dma_wait3A, %dma_wait3A_95, %dma_wait3A_96] : memref<2x64x128xf32, #tpu.memory_space<vmem>> -> memref<1x64x128xf32, #tpu.memory_space<vmem>>
        %dma_wait3A_98 = tpu.memref_squeeze %dma_wait3A_97 : memref<1x64x128xf32, #tpu.memory_space<vmem>> -> memref<64x128xf32, #tpu.memory_space<vmem>>
        %dma_wait3A_99 = arith.constant 0 : i32
        %dma_wait3A_100 = tpu.memref_slice %arg2[%dma_wait3A_99, %mul3A_93] : memref<64x1000000xf32, #tpu.memory_space<hbm>> -> memref<64x128xf32, #tpu.memory_space<hbm>>
        %dma_wait3A_101 = tpu.memref_slice %arg7[%dma_wait3A_94] : memref<2x!tpu.dma_semaphore, #tpu.memory_space<semaphore_mem>> -> memref<1x!tpu.dma_semaphore, #tpu.memory_space<semaphore_mem>>
        %dma_wait3A_102 = tpu.memref_squeeze %dma_wait3A_101 : memref<1x!tpu.dma_semaphore, #tpu.memory_space<semaphore_mem>> -> memref<!tpu.dma_semaphore, #tpu.memory_space<semaphore_mem>>
        %dma_wait3A_103 = arith.constant 0 : i32
        %dma_wait3A_104 = arith.constant 0 : i32
        %dma_wait3A_105 = tpu.memref_slice %arg5[%dma_wait3A, %dma_wait3A_103, %dma_wait3A_104] : memref<2x64x128xf32, #tpu.memory_space<vmem>> -> memref<1x64x128xf32, #tpu.memory_space<vmem>>
        %dma_wait3A_106 = tpu.memref_squeeze %dma_wait3A_105 : memref<1x64x128xf32, #tpu.memory_space<vmem>> -> memref<64x128xf32, #tpu.memory_space<vmem>>
        %dma_wait3A_107 = arith.constant 0 : i32
        %dma_wait3A_108 = tpu.memref_slice %arg2[%dma_wait3A_107, %mul3A_93] : memref<64x1000000xf32, #tpu.memory_space<hbm>> -> memref<64x128xf32, #tpu.memory_space<hbm>>
        tpu.wait_dma2 semaphore(%dma_wait3A_102 : memref<!tpu.dma_semaphore, #tpu.memory_space<semaphore_mem>>) src(%dma_wait3A_108 : memref<64x128xf32, #tpu.memory_space<hbm>>) dst(%dma_wait3A_106 : memref<64x128xf32, #tpu.memory_space<vmem>>)
      } else {
      }
      %eq3A = arith.constant 7812 : i32
      %eq3A_88 = arith.cmpi eq, %add3A_82, %eq3A : i32
      %convert_element_type3A_89 = arith.extui %eq3A_88 : i1 to i32
      %cond3A_90 = arith.constant 0 : i32
      %cond3A_91 = arith.cmpi ne, %convert_element_type3A_89, %cond3A_90 : i32
      scf.if %cond3A_91 {
        %dma_wait3A = arith.constant 0 : i32
        %dma_wait3A_92 = arith.constant 0 : i32
        %dma_wait3A_93 = arith.constant 0 : i32
        %dma_wait3A_94 = arith.constant 0 : i32
        %dma_wait3A_95 = tpu.memref_slice %arg5[%dma_wait3A, %dma_wait3A_93, %dma_wait3A_94] : memref<2x64x128xf32, #tpu.memory_space<vmem>> -> memref<1x64x128xf32, #tpu.memory_space<vmem>>
        %dma_wait3A_96 = tpu.memref_squeeze %dma_wait3A_95 : memref<1x64x128xf32, #tpu.memory_space<vmem>> -> memref<64x128xf32, #tpu.memory_space<vmem>>
        %dma_wait3A_97 = tpu.memref_slice %arg7[%dma_wait3A_92] : memref<2x!tpu.dma_semaphore, #tpu.memory_space<semaphore_mem>> -> memref<1x!tpu.dma_semaphore, #tpu.memory_space<semaphore_mem>>
        %dma_wait3A_98 = tpu.memref_squeeze %dma_wait3A_97 : memref<1x!tpu.dma_semaphore, #tpu.memory_space<semaphore_mem>> -> memref<!tpu.dma_semaphore, #tpu.memory_space<semaphore_mem>>
        %dma_wait3A_99 = arith.constant 0 : i32
        %dma_wait3A_100 = arith.constant 0 : i32
        %dma_wait3A_101 = tpu.memref_slice %arg5[%dma_wait3A, %dma_wait3A_99, %dma_wait3A_100] : memref<2x64x128xf32, #tpu.memory_space<vmem>> -> memref<1x64x128xf32, #tpu.memory_space<vmem>>
        %dma_wait3A_102 = tpu.memref_squeeze %dma_wait3A_101 : memref<1x64x128xf32, #tpu.memory_space<vmem>> -> memref<64x128xf32, #tpu.memory_space<vmem>>
        tpu.wait_dma2 semaphore(%dma_wait3A_98 : memref<!tpu.dma_semaphore, #tpu.memory_space<semaphore_mem>>) src(%arg3 : memref<64x128xf32, #tpu.memory_space<hbm>>) dst(%dma_wait3A_102 : memref<64x128xf32, #tpu.memory_space<vmem>>)
      } else {
      }
    } else {
    }
    %add3A_44 = arith.constant 244 : i32
    %add3A_45 = arith.constant 1 : i32
    %add3A_46 = arith.addi %add3A_44, %add3A_45 : i32
    %mul3A_47 = arith.constant 32 : i32
    %mul3A_48 = arith.muli %add3A_46, %mul3A_47 : i32
    %add3A_49 = arith.addi %add3A, %mul3A_48 : i32
    %lt3A_50 = arith.constant 7813 : i32
    %lt3A_51 = arith.cmpi slt, %add3A_49, %lt3A_50 : i32
    %convert_element_type3A_52 = arith.extui %lt3A_51 : i1 to i32
    %cond3A_53 = arith.constant 244 : i32
    %cond3A_54 = arith.constant 0 : i32
    %cond3A_55 = arith.cmpi ne, %convert_element_type3A_52, %cond3A_54 : i32
    scf.if %cond3A_55 {
      %add3A_80 = arith.constant 1 : i32
      %add3A_81 = arith.addi %cond3A_53, %add3A_80 : i32
      %mul3A_82 = arith.constant 32 : i32
      %mul3A_83 = arith.muli %add3A_81, %mul3A_82 : i32
      %add3A_84 = arith.addi %add3A, %mul3A_83 : i32
      %lt3A_85 = arith.constant 7812 : i32
      %lt3A_86 = arith.cmpi slt, %add3A_84, %lt3A_85 : i32
      %convert_element_type3A_87 = arith.extui %lt3A_86 : i1 to i32
      %cond3A_88 = arith.constant 0 : i32
      %cond3A_89 = arith.cmpi ne, %convert_element_type3A_87, %cond3A_88 : i32
      scf.if %cond3A_89 {
        %mul3A_94 = arith.constant 128 : i32
        %mul3A_95 = arith.muli %add3A_84, %mul3A_94 : i32
        %dma_start3A = arith.constant 1 : i32
        %dma_start3A_96 = arith.constant 1 : i32
        %dma_start3A_97 = arith.constant 0 : i32
        %dma_start3A_98 = arith.constant 0 : i32
        %dma_start3A_99 = tpu.memref_slice %arg5[%dma_start3A, %dma_start3A_97, %dma_start3A_98] : memref<2x64x128xf32, #tpu.memory_space<vmem>> -> memref<1x64x128xf32, #tpu.memory_space<vmem>>
        %dma_start3A_100 = tpu.memref_squeeze %dma_start3A_99 : memref<1x64x128xf32, #tpu.memory_space<vmem>> -> memref<64x128xf32, #tpu.memory_space<vmem>>
        %dma_start3A_101 = arith.constant 0 : i32
        %dma_start3A_102 = tpu.memref_slice %arg2[%dma_start3A_101, %mul3A_95] : memref<64x1000000xf32, #tpu.memory_space<hbm>> -> memref<64x128xf32, #tpu.memory_space<hbm>>
        %dma_start3A_103 = tpu.memref_slice %arg7[%dma_start3A_96] : memref<2x!tpu.dma_semaphore, #tpu.memory_space<semaphore_mem>> -> memref<1x!tpu.dma_semaphore, #tpu.memory_space<semaphore_mem>>
        %dma_start3A_104 = tpu.memref_squeeze %dma_start3A_103 : memref<1x!tpu.dma_semaphore, #tpu.memory_space<semaphore_mem>> -> memref<!tpu.dma_semaphore, #tpu.memory_space<semaphore_mem>>
        %dma_start3A_105 = arith.constant 0 : i32
        %dma_start3A_106 = arith.constant 0 : i32
        %dma_start3A_107 = tpu.memref_slice %arg5[%dma_start3A, %dma_start3A_105, %dma_start3A_106] : memref<2x64x128xf32, #tpu.memory_space<vmem>> -> memref<1x64x128xf32, #tpu.memory_space<vmem>>
        %dma_start3A_108 = tpu.memref_squeeze %dma_start3A_107 : memref<1x64x128xf32, #tpu.memory_space<vmem>> -> memref<64x128xf32, #tpu.memory_space<vmem>>
        %dma_start3A_109 = arith.constant 0 : i32
        %dma_start3A_110 = tpu.memref_slice %arg2[%dma_start3A_109, %mul3A_95] : memref<64x1000000xf32, #tpu.memory_space<hbm>> -> memref<64x128xf32, #tpu.memory_space<hbm>>
        tpu.enqueue_dma source(%dma_start3A_110 : memref<64x128xf32, #tpu.memory_space<hbm>>) target(%dma_start3A_108 : memref<64x128xf32, #tpu.memory_space<vmem>>) target_semaphore(%dma_start3A_104 : memref<!tpu.dma_semaphore, #tpu.memory_space<semaphore_mem>>)
      } else {
      }
      %eq3A = arith.constant 7812 : i32
      %eq3A_90 = arith.cmpi eq, %add3A_84, %eq3A : i32
      %convert_element_type3A_91 = arith.extui %eq3A_90 : i1 to i32
      %cond3A_92 = arith.constant 0 : i32
      %cond3A_93 = arith.cmpi ne, %convert_element_type3A_91, %cond3A_92 : i32
      scf.if %cond3A_93 {
        %dma_start3A = arith.constant 1 : i32
        %dma_start3A_94 = arith.constant 1 : i32
        %dma_start3A_95 = arith.constant 0 : i32
        %dma_start3A_96 = arith.constant 0 : i32
        %dma_start3A_97 = tpu.memref_slice %arg5[%dma_start3A, %dma_start3A_95, %dma_start3A_96] : memref<2x64x128xf32, #tpu.memory_space<vmem>> -> memref<1x64x128xf32, #tpu.memory_space<vmem>>
        %dma_start3A_98 = tpu.memref_squeeze %dma_start3A_97 : memref<1x64x128xf32, #tpu.memory_space<vmem>> -> memref<64x128xf32, #tpu.memory_space<vmem>>
        %dma_start3A_99 = tpu.memref_slice %arg7[%dma_start3A_94] : memref<2x!tpu.dma_semaphore, #tpu.memory_space<semaphore_mem>> -> memref<1x!tpu.dma_semaphore, #tpu.memory_space<semaphore_mem>>
        %dma_start3A_100 = tpu.memref_squeeze %dma_start3A_99 : memref<1x!tpu.dma_semaphore, #tpu.memory_space<semaphore_mem>> -> memref<!tpu.dma_semaphore, #tpu.memory_space<semaphore_mem>>
        %dma_start3A_101 = arith.constant 0 : i32
        %dma_start3A_102 = arith.constant 0 : i32
        %dma_start3A_103 = tpu.memref_slice %arg5[%dma_start3A, %dma_start3A_101, %dma_start3A_102] : memref<2x64x128xf32, #tpu.memory_space<vmem>> -> memref<1x64x128xf32, #tpu.memory_space<vmem>>
        %dma_start3A_104 = tpu.memref_squeeze %dma_start3A_103 : memref<1x64x128xf32, #tpu.memory_space<vmem>> -> memref<64x128xf32, #tpu.memory_space<vmem>>
        tpu.enqueue_dma source(%arg3 : memref<64x128xf32, #tpu.memory_space<hbm>>) target(%dma_start3A_104 : memref<64x128xf32, #tpu.memory_space<vmem>>) target_semaphore(%dma_start3A_100 : memref<!tpu.dma_semaphore, #tpu.memory_space<semaphore_mem>>)
      } else {
      }
    } else {
    }
    %mul3A_56 = arith.constant 244 : i32
    %mul3A_57 = arith.constant 32 : i32
    %mul3A_58 = arith.muli %mul3A_56, %mul3A_57 : i32
    %add3A_59 = arith.addi %add3A, %mul3A_58 : i32
    %lt3A_60 = arith.constant 7813 : i32
    %lt3A_61 = arith.cmpi slt, %add3A_59, %lt3A_60 : i32
    %convert_element_type3A_62 = arith.extui %lt3A_61 : i1 to i32
    %cond3A_63 = arith.constant 244 : i32
    %cond3A_64 = arith.constant 0 : i32
    %cond3A_65 = arith.cmpi ne, %convert_element_type3A_62, %cond3A_64 : i32
    scf.if %cond3A_65 {
      %ge3A = arith.constant 2 : i32
      %ge3A_80 = arith.cmpi sge, %cond3A_63, %ge3A : i32
      %convert_element_type3A_81 = arith.extui %ge3A_80 : i1 to i32
      %cond3A_82 = arith.constant 0 : i32
      %cond3A_83 = arith.cmpi ne, %convert_element_type3A_81, %cond3A_82 : i32
      scf.if %cond3A_83 {
        %sub3A = arith.constant 2 : i32
        %sub3A_158 = arith.subi %cond3A_63, %sub3A : i32
        %mul3A_159 = arith.constant 32 : i32
        %mul3A_160 = arith.muli %sub3A_158, %mul3A_159 : i32
        %add3A_161 = arith.addi %add3A, %mul3A_160 : i32
        %lt3A_162 = arith.constant 7812 : i32
        %lt3A_163 = arith.cmpi slt, %add3A_161, %lt3A_162 : i32
        %convert_element_type3A_164 = arith.extui %lt3A_163 : i1 to i32
        %cond3A_165 = arith.constant 0 : i32
        %cond3A_166 = arith.cmpi ne, %convert_element_type3A_164, %cond3A_165 : i32
        scf.if %cond3A_166 {
          %mul3A_172 = arith.constant 64 : i32
          %mul3A_173 = arith.muli %add3A_161, %mul3A_172 : i32
          %dma_wait3A = arith.constant 0 : i32
          %dma_wait3A_174 = arith.constant 0 : i32
          %dma_wait3A_175 = arith.constant 0 : i32
          %dma_wait3A_176 = arith.constant 0 : i32
          %dma_wait3A_177 = tpu.memref_slice %arg6[%dma_wait3A, %dma_wait3A_175, %dma_wait3A_176] : memref<2x64x128xf32, #tpu.memory_space<vmem>> -> memref<1x64x128xf32, #tpu.memory_space<vmem>>
          %dma_wait3A_178 = tpu.memref_squeeze %dma_wait3A_177 : memref<1x64x128xf32, #tpu.memory_space<vmem>> -> memref<64x128xf32, #tpu.memory_space<vmem>>
          %dma_wait3A_179 = arith.constant 0 : i32
          %dma_wait3A_180 = tpu.memref_slice %arg4[%mul3A_173, %dma_wait3A_179] : memref<500000x128xf32, #tpu.memory_space<hbm>> -> memref<64x128xf32, #tpu.memory_space<hbm>>
          %dma_wait3A_181 = tpu.memref_slice %arg8[%dma_wait3A_174] : memref<2x!tpu.dma_semaphore, #tpu.memory_space<semaphore_mem>> -> memref<1x!tpu.dma_semaphore, #tpu.memory_space<semaphore_mem>>
          %dma_wait3A_182 = tpu.memref_squeeze %dma_wait3A_181 : memref<1x!tpu.dma_semaphore, #tpu.memory_space<semaphore_mem>> -> memref<!tpu.dma_semaphore, #tpu.memory_space<semaphore_mem>>
          %dma_wait3A_183 = arith.constant 0 : i32
          %dma_wait3A_184 = tpu.memref_slice %arg4[%mul3A_173, %dma_wait3A_183] : memref<500000x128xf32, #tpu.memory_space<hbm>> -> memref<64x128xf32, #tpu.memory_space<hbm>>
          %dma_wait3A_185 = arith.constant 0 : i32
          %dma_wait3A_186 = arith.constant 0 : i32
          %dma_wait3A_187 = tpu.memref_slice %arg6[%dma_wait3A, %dma_wait3A_185, %dma_wait3A_186] : memref<2x64x128xf32, #tpu.memory_space<vmem>> -> memref<1x64x128xf32, #tpu.memory_space<vmem>>
          %dma_wait3A_188 = tpu.memref_squeeze %dma_wait3A_187 : memref<1x64x128xf32, #tpu.memory_space<vmem>> -> memref<64x128xf32, #tpu.memory_space<vmem>>
          tpu.wait_dma2 semaphore(%dma_wait3A_182 : memref<!tpu.dma_semaphore, #tpu.memory_space<semaphore_mem>>) src(%dma_wait3A_188 : memref<64x128xf32, #tpu.memory_space<vmem>>) dst(%dma_wait3A_184 : memref<64x128xf32, #tpu.memory_space<hbm>>)
        } else {
        }
        %eq3A_167 = arith.constant 7812 : i32
        %eq3A_168 = arith.cmpi eq, %add3A_161, %eq3A_167 : i32
        %convert_element_type3A_169 = arith.extui %eq3A_168 : i1 to i32
        %cond3A_170 = arith.constant 0 : i32
        %cond3A_171 = arith.cmpi ne, %convert_element_type3A_169, %cond3A_170 : i32
        scf.if %cond3A_171 {
          %mul3A_172 = arith.constant 64 : i32
          %mul3A_173 = arith.muli %add3A_161, %mul3A_172 : i32
          %dma_wait3A = arith.constant 0 : i32
          %dma_wait3A_174 = arith.constant 0 : i32
          %dma_wait3A_175 = arith.constant 0 : i32
          %dma_wait3A_176 = arith.constant 0 : i32
          %dma_wait3A_177 = tpu.memref_slice %arg6[%dma_wait3A, %dma_wait3A_175, %dma_wait3A_176] : memref<2x64x128xf32, #tpu.memory_space<vmem>> -> memref<1x32x128xf32, #tpu.memory_space<vmem>>
          %dma_wait3A_178 = tpu.memref_squeeze %dma_wait3A_177 : memref<1x32x128xf32, #tpu.memory_space<vmem>> -> memref<32x128xf32, #tpu.memory_space<vmem>>
          %dma_wait3A_179 = arith.constant 0 : i32
          %dma_wait3A_180 = tpu.memref_slice %arg4[%mul3A_173, %dma_wait3A_179] : memref<500000x128xf32, #tpu.memory_space<hbm>> -> memref<32x128xf32, #tpu.memory_space<hbm>>
          %dma_wait3A_181 = tpu.memref_slice %arg8[%dma_wait3A_174] : memref<2x!tpu.dma_semaphore, #tpu.memory_space<semaphore_mem>> -> memref<1x!tpu.dma_semaphore, #tpu.memory_space<semaphore_mem>>
          %dma_wait3A_182 = tpu.memref_squeeze %dma_wait3A_181 : memref<1x!tpu.dma_semaphore, #tpu.memory_space<semaphore_mem>> -> memref<!tpu.dma_semaphore, #tpu.memory_space<semaphore_mem>>
          %dma_wait3A_183 = arith.constant 0 : i32
          %dma_wait3A_184 = tpu.memref_slice %arg4[%mul3A_173, %dma_wait3A_183] : memref<500000x128xf32, #tpu.memory_space<hbm>> -> memref<32x128xf32, #tpu.memory_space<hbm>>
          %dma_wait3A_185 = arith.constant 0 : i32
          %dma_wait3A_186 = arith.constant 0 : i32
          %dma_wait3A_187 = tpu.memref_slice %arg6[%dma_wait3A, %dma_wait3A_185, %dma_wait3A_186] : memref<2x64x128xf32, #tpu.memory_space<vmem>> -> memref<1x32x128xf32, #tpu.memory_space<vmem>>
          %dma_wait3A_188 = tpu.memref_squeeze %dma_wait3A_187 : memref<1x32x128xf32, #tpu.memory_space<vmem>> -> memref<32x128xf32, #tpu.memory_space<vmem>>
          tpu.wait_dma2 semaphore(%dma_wait3A_182 : memref<!tpu.dma_semaphore, #tpu.memory_space<semaphore_mem>>) src(%dma_wait3A_188 : memref<32x128xf32, #tpu.memory_space<vmem>>) dst(%dma_wait3A_184 : memref<32x128xf32, #tpu.memory_space<hbm>>)
        } else {
        }
      } else {
      }
      %add3A_84 = arith.constant 0 : i32
      %add3A_85 = vector.broadcast %add3A_84 : i32 to vector<16xi32>
      %add3A_86 = arith.addi %add3A_85, %iota3A : vector<16xi32>
      %and3A = arith.constant 63 : i32
      %and3A_87 = vector.broadcast %and3A : i32 to vector<16xi32>
      %and3A_88 = arith.andi %add3A_86, %and3A_87 : vector<16xi32>
      %add3A_89 = arith.addi %and3A_88, %and3A_88 : vector<16xi32>
      %add3A_90 = arith.constant 1 : i32
      %add3A_91 = vector.broadcast %add3A_90 : i32 to vector<16xi32>
      %add3A_92 = arith.addi %add3A_89, %add3A_91 : vector<16xi32>
      %gather3A = arith.constant 0 : i32
      %gather3A_93 = arith.constant 0 : i32
      %gather3A_94 = arith.constant 0 : i32
      %gather3A_95 = tpu.memref_slice %arg5[%gather3A, %gather3A_93, %gather3A_94] : memref<2x64x128xf32, #tpu.memory_space<vmem>> -> memref<1x64x128xf32, #tpu.memory_space<vmem>>
      %gather3A_96 = tpu.memref_squeeze %gather3A_95 : memref<1x64x128xf32, #tpu.memory_space<vmem>> -> memref<64x128xf32, #tpu.memory_space<vmem>>
      %gather3A_97 = tpu.vector_load_idx %gather3A_96[%add3A_3, %add3A_89] : memref<64x128xf32, #tpu.memory_space<vmem>>[vector<16xi32>, vector<16xi32>], vector<16xf32>,
      %gather3A_98 = arith.constant 0 : i32
      %gather3A_99 = arith.constant 0 : i32
      %gather3A_100 = arith.constant 0 : i32
      %gather3A_101 = tpu.memref_slice %arg5[%gather3A_98, %gather3A_99, %gather3A_100] : memref<2x64x128xf32, #tpu.memory_space<vmem>> -> memref<1x64x128xf32, #tpu.memory_space<vmem>>
      %gather3A_102 = tpu.memref_squeeze %gather3A_101 : memref<1x64x128xf32, #tpu.memory_space<vmem>> -> memref<64x128xf32, #tpu.memory_space<vmem>>
      %gather3A_103 = tpu.vector_load_idx %gather3A_102[%add3A_6, %add3A_89] : memref<64x128xf32, #tpu.memory_space<vmem>>[vector<16xi32>, vector<16xi32>], vector<16xf32>,
      %gather3A_104 = arith.constant 0 : i32
      %gather3A_105 = arith.constant 0 : i32
      %gather3A_106 = arith.constant 0 : i32
      %gather3A_107 = tpu.memref_slice %arg5[%gather3A_104, %gather3A_105, %gather3A_106] : memref<2x64x128xf32, #tpu.memory_space<vmem>> -> memref<1x64x128xf32, #tpu.memory_space<vmem>>
      %gather3A_108 = tpu.memref_squeeze %gather3A_107 : memref<1x64x128xf32, #tpu.memory_space<vmem>> -> memref<64x128xf32, #tpu.memory_space<vmem>>
      %gather3A_109 = tpu.vector_load_idx %gather3A_108[%add3A_9, %add3A_89] : memref<64x128xf32, #tpu.memory_space<vmem>>[vector<16xi32>, vector<16xi32>], vector<16xf32>,
      %gather3A_110 = arith.constant 0 : i32
      %gather3A_111 = arith.constant 0 : i32
      %gather3A_112 = arith.constant 0 : i32
      %gather3A_113 = tpu.memref_slice %arg5[%gather3A_110, %gather3A_111, %gather3A_112] : memref<2x64x128xf32, #tpu.memory_space<vmem>> -> memref<1x64x128xf32, #tpu.memory_space<vmem>>
      %gather3A_114 = tpu.memref_squeeze %gather3A_113 : memref<1x64x128xf32, #tpu.memory_space<vmem>> -> memref<64x128xf32, #tpu.memory_space<vmem>>
      %gather3A_115 = tpu.vector_load_idx %gather3A_114[%add3A_12, %add3A_89] : memref<64x128xf32, #tpu.memory_space<vmem>>[vector<16xi32>, vector<16xi32>], vector<16xf32>,
      %gather3A_116 = arith.constant 0 : i32
      %gather3A_117 = arith.constant 0 : i32
      %gather3A_118 = arith.constant 0 : i32
      %gather3A_119 = tpu.memref_slice %arg5[%gather3A_116, %gather3A_117, %gather3A_118] : memref<2x64x128xf32, #tpu.memory_space<vmem>> -> memref<1x64x128xf32, #tpu.memory_space<vmem>>
      %gather3A_120 = tpu.memref_squeeze %gather3A_119 : memref<1x64x128xf32, #tpu.memory_space<vmem>> -> memref<64x128xf32, #tpu.memory_space<vmem>>
      %gather3A_121 = tpu.vector_load_idx %gather3A_120[%add3A_3, %add3A_92] : memref<64x128xf32, #tpu.memory_space<vmem>>[vector<16xi32>, vector<16xi32>], vector<16xf32>,
      %gather3A_122 = arith.constant 0 : i32
      %gather3A_123 = arith.constant 0 : i32
      %gather3A_124 = arith.constant 0 : i32
      %gather3A_125 = tpu.memref_slice %arg5[%gather3A_122, %gather3A_123, %gather3A_124] : memref<2x64x128xf32, #tpu.memory_space<vmem>> -> memref<1x64x128xf32, #tpu.memory_space<vmem>>
      %gather3A_126 = tpu.memref_squeeze %gather3A_125 : memref<1x64x128xf32, #tpu.memory_space<vmem>> -> memref<64x128xf32, #tpu.memory_space<vmem>>
      %gather3A_127 = tpu.vector_load_idx %gather3A_126[%add3A_6, %add3A_92] : memref<64x128xf32, #tpu.memory_space<vmem>>[vector<16xi32>, vector<16xi32>], vector<16xf32>,
      %gather3A_128 = arith.constant 0 : i32
      %gather3A_129 = arith.constant 0 : i32
      %gather3A_130 = arith.constant 0 : i32
      %gather3A_131 = tpu.memref_slice %arg5[%gather3A_128, %gather3A_129, %gather3A_130] : memref<2x64x128xf32, #tpu.memory_space<vmem>> -> memref<1x64x128xf32, #tpu.memory_space<vmem>>
      %gather3A_132 = tpu.memref_squeeze %gather3A_131 : memref<1x64x128xf32, #tpu.memory_space<vmem>> -> memref<64x128xf32, #tpu.memory_space<vmem>>
      %gather3A_133 = tpu.vector_load_idx %gather3A_132[%add3A_9, %add3A_92] : memref<64x128xf32, #tpu.memory_space<vmem>>[vector<16xi32>, vector<16xi32>], vector<16xf32>,
      %gather3A_134 = arith.constant 0 : i32
      %gather3A_135 = arith.constant 0 : i32
      %gather3A_136 = arith.constant 0 : i32
      %gather3A_137 = tpu.memref_slice %arg5[%gather3A_134, %gather3A_135, %gather3A_136] : memref<2x64x128xf32, #tpu.memory_space<vmem>> -> memref<1x64x128xf32, #tpu.memory_space<vmem>>
      %gather3A_138 = tpu.memref_squeeze %gather3A_137 : memref<1x64x128xf32, #tpu.memory_space<vmem>> -> memref<64x128xf32, #tpu.memory_space<vmem>>
      %gather3A_139 = tpu.vector_load_idx %gather3A_138[%add3A_12, %add3A_92] : memref<64x128xf32, #tpu.memory_space<vmem>>[vector<16xi32>, vector<16xi32>], vector<16xf32>,
      %scan3A_140 = arith.constant 1 : i32
      %scan3A_141 = arith.constant 64 : i32
      %scan3A_142 = arith.addi %scan3A_140, %scan3A_141 : i32
      %scan3A_143 = arith.constant 4 : i32
      %scan3A_144:9 = scf.for %scan3A_158 = %scan3A_140 to %scan3A_142 step %scan3A_143 iter_args(%scan3A_159 = %gather3A_97, %scan3A_160 = %gather3A_103, %scan3A_161 = %gather3A_109, %scan3A_162 = %gather3A_115, %scan3A_163 = %gather3A_121, %scan3A_164 = %gather3A_127, %scan3A_165 = %gather3A_133, %scan3A_166 = %gather3A_139, %scan3A_167 = %and3A_88) -> (vector<16xf32>, vector<16xf32>, vector<16xf32>, vector<16xf32>, vector<16xf32>, vector<16xf32>, vector<16xf32>, vector<16xf32>, vector<16xi32>)  : i32 {
        %scatter3A = arith.constant 0 : i32
        %scatter3A_168 = arith.constant 0 : i32
        %scatter3A_169 = arith.constant 0 : i32
        %scatter3A_170 = tpu.memref_slice %arg6[%scatter3A, %scatter3A_168, %scatter3A_169] : memref<2x64x128xf32, #tpu.memory_space<vmem>> -> memref<1x64x128xf32, #tpu.memory_space<vmem>>
        %scatter3A_171 = tpu.memref_squeeze %scatter3A_170 : memref<1x64x128xf32, #tpu.memory_space<vmem>> -> memref<64x128xf32, #tpu.memory_space<vmem>>
        tpu.vector_store_idx %scatter3A_171[%scan3A_167, %add3A_3], %scan3A_159 : memref<64x128xf32, #tpu.memory_space<vmem>>[vector<16xi32>, vector<16xi32>], vector<16xf32>,
        %scatter3A_172 = arith.constant 0 : i32
        %scatter3A_173 = arith.constant 0 : i32
        %scatter3A_174 = arith.constant 0 : i32
        %scatter3A_175 = tpu.memref_slice %arg6[%scatter3A_172, %scatter3A_173, %scatter3A_174] : memref<2x64x128xf32, #tpu.memory_space<vmem>> -> memref<1x64x128xf32, #tpu.memory_space<vmem>>
        %scatter3A_176 = tpu.memref_squeeze %scatter3A_175 : memref<1x64x128xf32, #tpu.memory_space<vmem>> -> memref<64x128xf32, #tpu.memory_space<vmem>>
        tpu.vector_store_idx %scatter3A_176[%scan3A_167, %add3A_6], %scan3A_160 : memref<64x128xf32, #tpu.memory_space<vmem>>[vector<16xi32>, vector<16xi32>], vector<16xf32>,
        %scatter3A_177 = arith.constant 0 : i32
        %scatter3A_178 = arith.constant 0 : i32
        %scatter3A_179 = arith.constant 0 : i32
        %scatter3A_180 = tpu.memref_slice %arg6[%scatter3A_177, %scatter3A_178, %scatter3A_179] : memref<2x64x128xf32, #tpu.memory_space<vmem>> -> memref<1x64x128xf32, #tpu.memory_space<vmem>>
        %scatter3A_181 = tpu.memref_squeeze %scatter3A_180 : memref<1x64x128xf32, #tpu.memory_space<vmem>> -> memref<64x128xf32, #tpu.memory_space<vmem>>
        tpu.vector_store_idx %scatter3A_181[%scan3A_167, %add3A_9], %scan3A_161 : memref<64x128xf32, #tpu.memory_space<vmem>>[vector<16xi32>, vector<16xi32>], vector<16xf32>,
        %scatter3A_182 = arith.constant 0 : i32
        %scatter3A_183 = arith.constant 0 : i32
        %scatter3A_184 = arith.constant 0 : i32
        %scatter3A_185 = tpu.memref_slice %arg6[%scatter3A_182, %scatter3A_183, %scatter3A_184] : memref<2x64x128xf32, #tpu.memory_space<vmem>> -> memref<1x64x128xf32, #tpu.memory_space<vmem>>
        %scatter3A_186 = tpu.memref_squeeze %scatter3A_185 : memref<1x64x128xf32, #tpu.memory_space<vmem>> -> memref<64x128xf32, #tpu.memory_space<vmem>>
        tpu.vector_store_idx %scatter3A_186[%scan3A_167, %add3A_12], %scan3A_162 : memref<64x128xf32, #tpu.memory_space<vmem>>[vector<16xi32>, vector<16xi32>], vector<16xf32>,
        %scatter3A_187 = arith.constant 0 : i32
        %scatter3A_188 = arith.constant 0 : i32
        %scatter3A_189 = arith.constant 0 : i32
        %scatter3A_190 = tpu.memref_slice %arg6[%scatter3A_187, %scatter3A_188, %scatter3A_189] : memref<2x64x128xf32, #tpu.memory_space<vmem>> -> memref<1x64x128xf32, #tpu.memory_space<vmem>>
        %scatter3A_191 = tpu.memref_squeeze %scatter3A_190 : memref<1x64x128xf32, #tpu.memory_space<vmem>> -> memref<64x128xf32, #tpu.memory_space<vmem>>
        tpu.vector_store_idx %scatter3A_191[%scan3A_167, %add3A_15], %scan3A_163 : memref<64x128xf32, #tpu.memory_space<vmem>>[vector<16xi32>, vector<16xi32>], vector<16xf32>,
        %scatter3A_192 = arith.constant 0 : i32
        %scatter3A_193 = arith.constant 0 : i32
        %scatter3A_194 = arith.constant 0 : i32
        %scatter3A_195 = tpu.memref_slice %arg6[%scatter3A_192, %scatter3A_193, %scatter3A_194] : memref<2x64x128xf32, #tpu.memory_space<vmem>> -> memref<1x64x128xf32, #tpu.memory_space<vmem>>
        %scatter3A_196 = tpu.memref_squeeze %scatter3A_195 : memref<1x64x128xf32, #tpu.memory_space<vmem>> -> memref<64x128xf32, #tpu.memory_space<vmem>>
        tpu.vector_store_idx %scatter3A_196[%scan3A_167, %add3A_18], %scan3A_164 : memref<64x128xf32, #tpu.memory_space<vmem>>[vector<16xi32>, vector<16xi32>], vector<16xf32>,
        %scatter3A_197 = arith.constant 0 : i32
        %scatter3A_198 = arith.constant 0 : i32
        %scatter3A_199 = arith.constant 0 : i32
        %scatter3A_200 = tpu.memref_slice %arg6[%scatter3A_197, %scatter3A_198, %scatter3A_199] : memref<2x64x128xf32, #tpu.memory_space<vmem>> -> memref<1x64x128xf32, #tpu.memory_space<vmem>>
        %scatter3A_201 = tpu.memref_squeeze %scatter3A_200 : memref<1x64x128xf32, #tpu.memory_space<vmem>> -> memref<64x128xf32, #tpu.memory_space<vmem>>
        tpu.vector_store_idx %scatter3A_201[%scan3A_167, %add3A_21], %scan3A_165 : memref<64x128xf32, #tpu.memory_space<vmem>>[vector<16xi32>, vector<16xi32>], vector<16xf32>,
        %scatter3A_202 = arith.constant 0 : i32
        %scatter3A_203 = arith.constant 0 : i32
        %scatter3A_204 = arith.constant 0 : i32
        %scatter3A_205 = tpu.memref_slice %arg6[%scatter3A_202, %scatter3A_203, %scatter3A_204] : memref<2x64x128xf32, #tpu.memory_space<vmem>> -> memref<1x64x128xf32, #tpu.memory_space<vmem>>
        %scatter3A_206 = tpu.memref_squeeze %scatter3A_205 : memref<1x64x128xf32, #tpu.memory_space<vmem>> -> memref<64x128xf32, #tpu.memory_space<vmem>>
        tpu.vector_store_idx %scatter3A_206[%scan3A_167, %add3A_24], %scan3A_166 : memref<64x128xf32, #tpu.memory_space<vmem>>[vector<16xi32>, vector<16xi32>], vector<16xf32>,
        %and3A_207 = arith.constant 63 : i32
        %and3A_208 = arith.andi %scan3A_158, %and3A_207 : i32
        %add3A_209 = vector.broadcast %and3A_208 : i32 to vector<16xi32>
        %add3A_210 = arith.addi %add3A_209, %iota3A : vector<16xi32>
        %and3A_211 = arith.constant 63 : i32
        %and3A_212 = vector.broadcast %and3A_211 : i32 to vector<16xi32>
        %and3A_213 = arith.andi %add3A_210, %and3A_212 : vector<16xi32>
        %add3A_214 = arith.addi %and3A_213, %and3A_213 : vector<16xi32>
        %add3A_215 = arith.constant 1 : i32
        %add3A_216 = vector.broadcast %add3A_215 : i32 to vector<16xi32>
        %add3A_217 = arith.addi %add3A_214, %add3A_216 : vector<16xi32>
        %gather3A_218 = arith.constant 0 : i32
        %gather3A_219 = arith.constant 0 : i32
        %gather3A_220 = arith.constant 0 : i32
        %gather3A_221 = tpu.memref_slice %arg5[%gather3A_218, %gather3A_219, %gather3A_220] : memref<2x64x128xf32, #tpu.memory_space<vmem>> -> memref<1x64x128xf32, #tpu.memory_space<vmem>>
        %gather3A_222 = tpu.memref_squeeze %gather3A_221 : memref<1x64x128xf32, #tpu.memory_space<vmem>> -> memref<64x128xf32, #tpu.memory_space<vmem>>
        %gather3A_223 = tpu.vector_load_idx %gather3A_222[%add3A_3, %add3A_214] : memref<64x128xf32, #tpu.memory_space<vmem>>[vector<16xi32>, vector<16xi32>], vector<16xf32>,
        %gather3A_224 = arith.constant 0 : i32
        %gather3A_225 = arith.constant 0 : i32
        %gather3A_226 = arith.constant 0 : i32
        %gather3A_227 = tpu.memref_slice %arg5[%gather3A_224, %gather3A_225, %gather3A_226] : memref<2x64x128xf32, #tpu.memory_space<vmem>> -> memref<1x64x128xf32, #tpu.memory_space<vmem>>
        %gather3A_228 = tpu.memref_squeeze %gather3A_227 : memref<1x64x128xf32, #tpu.memory_space<vmem>> -> memref<64x128xf32, #tpu.memory_space<vmem>>
        %gather3A_229 = tpu.vector_load_idx %gather3A_228[%add3A_6, %add3A_214] : memref<64x128xf32, #tpu.memory_space<vmem>>[vector<16xi32>, vector<16xi32>], vector<16xf32>,
        %gather3A_230 = arith.constant 0 : i32
        %gather3A_231 = arith.constant 0 : i32
        %gather3A_232 = arith.constant 0 : i32
        %gather3A_233 = tpu.memref_slice %arg5[%gather3A_230, %gather3A_231, %gather3A_232] : memref<2x64x128xf32, #tpu.memory_space<vmem>> -> memref<1x64x128xf32, #tpu.memory_space<vmem>>
        %gather3A_234 = tpu.memref_squeeze %gather3A_233 : memref<1x64x128xf32, #tpu.memory_space<vmem>> -> memref<64x128xf32, #tpu.memory_space<vmem>>
        %gather3A_235 = tpu.vector_load_idx %gather3A_234[%add3A_9, %add3A_214] : memref<64x128xf32, #tpu.memory_space<vmem>>[vector<16xi32>, vector<16xi32>], vector<16xf32>,
        %gather3A_236 = arith.constant 0 : i32
        %gather3A_237 = arith.constant 0 : i32
        %gather3A_238 = arith.constant 0 : i32
        %gather3A_239 = tpu.memref_slice %arg5[%gather3A_236, %gather3A_237, %gather3A_238] : memref<2x64x128xf32, #tpu.memory_space<vmem>> -> memref<1x64x128xf32, #tpu.memory_space<vmem>>
        %gather3A_240 = tpu.memref_squeeze %gather3A_239 : memref<1x64x128xf32, #tpu.memory_space<vmem>> -> memref<64x128xf32, #tpu.memory_space<vmem>>
        %gather3A_241 = tpu.vector_load_idx %gather3A_240[%add3A_12, %add3A_214] : memref<64x128xf32, #tpu.memory_space<vmem>>[vector<16xi32>, vector<16xi32>], vector<16xf32>,
        %gather3A_242 = arith.constant 0 : i32
        %gather3A_243 = arith.constant 0 : i32
        %gather3A_244 = arith.constant 0 : i32
        %gather3A_245 = tpu.memref_slice %arg5[%gather3A_242, %gather3A_243, %gather3A_244] : memref<2x64x128xf32, #tpu.memory_space<vmem>> -> memref<1x64x128xf32, #tpu.memory_space<vmem>>
        %gather3A_246 = tpu.memref_squeeze %gather3A_245 : memref<1x64x128xf32, #tpu.memory_space<vmem>> -> memref<64x128xf32, #tpu.memory_space<vmem>>
        %gather3A_247 = tpu.vector_load_idx %gather3A_246[%add3A_3, %add3A_217] : memref<64x128xf32, #tpu.memory_space<vmem>>[vector<16xi32>, vector<16xi32>], vector<16xf32>,
        %gather3A_248 = arith.constant 0 : i32
        %gather3A_249 = arith.constant 0 : i32
        %gather3A_250 = arith.constant 0 : i32
        %gather3A_251 = tpu.memref_slice %arg5[%gather3A_248, %gather3A_249, %gather3A_250] : memref<2x64x128xf32, #tpu.memory_space<vmem>> -> memref<1x64x128xf32, #tpu.memory_space<vmem>>
        %gather3A_252 = tpu.memref_squeeze %gather3A_251 : memref<1x64x128xf32, #tpu.memory_space<vmem>> -> memref<64x128xf32, #tpu.memory_space<vmem>>
        %gather3A_253 = tpu.vector_load_idx %gather3A_252[%add3A_6, %add3A_217] : memref<64x128xf32, #tpu.memory_space<vmem>>[vector<16xi32>, vector<16xi32>], vector<16xf32>,
        %gather3A_254 = arith.constant 0 : i32
        %gather3A_255 = arith.constant 0 : i32
        %gather3A_256 = arith.constant 0 : i32
        %gather3A_257 = tpu.memref_slice %arg5[%gather3A_254, %gather3A_255, %gather3A_256] : memref<2x64x128xf32, #tpu.memory_space<vmem>> -> memref<1x64x128xf32, #tpu.memory_space<vmem>>
        %gather3A_258 = tpu.memref_squeeze %gather3A_257 : memref<1x64x128xf32, #tpu.memory_space<vmem>> -> memref<64x128xf32, #tpu.memory_space<vmem>>
        %gather3A_259 = tpu.vector_load_idx %gather3A_258[%add3A_9, %add3A_217] : memref<64x128xf32, #tpu.memory_space<vmem>>[vector<16xi32>, vector<16xi32>], vector<16xf32>,
        %gather3A_260 = arith.constant 0 : i32
        %gather3A_261 = arith.constant 0 : i32
        %gather3A_262 = arith.constant 0 : i32
        %gather3A_263 = tpu.memref_slice %arg5[%gather3A_260, %gather3A_261, %gather3A_262] : memref<2x64x128xf32, #tpu.memory_space<vmem>> -> memref<1x64x128xf32, #tpu.memory_space<vmem>>
        %gather3A_264 = tpu.memref_squeeze %gather3A_263 : memref<1x64x128xf32, #tpu.memory_space<vmem>> -> memref<64x128xf32, #tpu.memory_space<vmem>>
        %gather3A_265 = tpu.vector_load_idx %gather3A_264[%add3A_12, %add3A_217] : memref<64x128xf32, #tpu.memory_space<vmem>>[vector<16xi32>, vector<16xi32>], vector<16xf32>,
        %scan3A_266 = arith.constant 1 : i32
        %scan3A_267 = arith.addi %scan3A_158, %scan3A_266 : i32
        %scatter3A_268 = arith.constant 0 : i32
        %scatter3A_269 = arith.constant 0 : i32
        %scatter3A_270 = arith.constant 0 : i32
        %scatter3A_271 = tpu.memref_slice %arg6[%scatter3A_268, %scatter3A_269, %scatter3A_270] : memref<2x64x128xf32, #tpu.memory_space<vmem>> -> memref<1x64x128xf32, #tpu.memory_space<vmem>>
        %scatter3A_272 = tpu.memref_squeeze %scatter3A_271 : memref<1x64x128xf32, #tpu.memory_space<vmem>> -> memref<64x128xf32, #tpu.memory_space<vmem>>
        tpu.vector_store_idx %scatter3A_272[%and3A_213, %add3A_3], %gather3A_223 : memref<64x128xf32, #tpu.memory_space<vmem>>[vector<16xi32>, vector<16xi32>], vector<16xf32>,
        %scatter3A_273 = arith.constant 0 : i32
        %scatter3A_274 = arith.constant 0 : i32
        %scatter3A_275 = arith.constant 0 : i32
        %scatter3A_276 = tpu.memref_slice %arg6[%scatter3A_273, %scatter3A_274, %scatter3A_275] : memref<2x64x128xf32, #tpu.memory_space<vmem>> -> memref<1x64x128xf32, #tpu.memory_space<vmem>>
        %scatter3A_277 = tpu.memref_squeeze %scatter3A_276 : memref<1x64x128xf32, #tpu.memory_space<vmem>> -> memref<64x128xf32, #tpu.memory_space<vmem>>
        tpu.vector_store_idx %scatter3A_277[%and3A_213, %add3A_6], %gather3A_229 : memref<64x128xf32, #tpu.memory_space<vmem>>[vector<16xi32>, vector<16xi32>], vector<16xf32>,
        %scatter3A_278 = arith.constant 0 : i32
        %scatter3A_279 = arith.constant 0 : i32
        %scatter3A_280 = arith.constant 0 : i32
        %scatter3A_281 = tpu.memref_slice %arg6[%scatter3A_278, %scatter3A_279, %scatter3A_280] : memref<2x64x128xf32, #tpu.memory_space<vmem>> -> memref<1x64x128xf32, #tpu.memory_space<vmem>>
        %scatter3A_282 = tpu.memref_squeeze %scatter3A_281 : memref<1x64x128xf32, #tpu.memory_space<vmem>> -> memref<64x128xf32, #tpu.memory_space<vmem>>
        tpu.vector_store_idx %scatter3A_282[%and3A_213, %add3A_9], %gather3A_235 : memref<64x128xf32, #tpu.memory_space<vmem>>[vector<16xi32>, vector<16xi32>], vector<16xf32>,
        %scatter3A_283 = arith.constant 0 : i32
        %scatter3A_284 = arith.constant 0 : i32
        %scatter3A_285 = arith.constant 0 : i32
        %scatter3A_286 = tpu.memref_slice %arg6[%scatter3A_283, %scatter3A_284, %scatter3A_285] : memref<2x64x128xf32, #tpu.memory_space<vmem>> -> memref<1x64x128xf32, #tpu.memory_space<vmem>>
        %scatter3A_287 = tpu.memref_squeeze %scatter3A_286 : memref<1x64x128xf32, #tpu.memory_space<vmem>> -> memref<64x128xf32, #tpu.memory_space<vmem>>
        tpu.vector_store_idx %scatter3A_287[%and3A_213, %add3A_12], %gather3A_241 : memref<64x128xf32, #tpu.memory_space<vmem>>[vector<16xi32>, vector<16xi32>], vector<16xf32>,
        %scatter3A_288 = arith.constant 0 : i32
        %scatter3A_289 = arith.constant 0 : i32
        %scatter3A_290 = arith.constant 0 : i32
        %scatter3A_291 = tpu.memref_slice %arg6[%scatter3A_288, %scatter3A_289, %scatter3A_290] : memref<2x64x128xf32, #tpu.memory_space<vmem>> -> memref<1x64x128xf32, #tpu.memory_space<vmem>>
        %scatter3A_292 = tpu.memref_squeeze %scatter3A_291 : memref<1x64x128xf32, #tpu.memory_space<vmem>> -> memref<64x128xf32, #tpu.memory_space<vmem>>
        tpu.vector_store_idx %scatter3A_292[%and3A_213, %add3A_15], %gather3A_247 : memref<64x128xf32, #tpu.memory_space<vmem>>[vector<16xi32>, vector<16xi32>], vector<16xf32>,
        %scatter3A_293 = arith.constant 0 : i32
        %scatter3A_294 = arith.constant 0 : i32
        %scatter3A_295 = arith.constant 0 : i32
        %scatter3A_296 = tpu.memref_slice %arg6[%scatter3A_293, %scatter3A_294, %scatter3A_295] : memref<2x64x128xf32, #tpu.memory_space<vmem>> -> memref<1x64x128xf32, #tpu.memory_space<vmem>>
        %scatter3A_297 = tpu.memref_squeeze %scatter3A_296 : memref<1x64x128xf32, #tpu.memory_space<vmem>> -> memref<64x128xf32, #tpu.memory_space<vmem>>
        tpu.vector_store_idx %scatter3A_297[%and3A_213, %add3A_18], %gather3A_253 : memref<64x128xf32, #tpu.memory_space<vmem>>[vector<16xi32>, vector<16xi32>], vector<16xf32>,
        %scatter3A_298 = arith.constant 0 : i32
        %scatter3A_299 = arith.constant 0 : i32
        %scatter3A_300 = arith.constant 0 : i32
        %scatter3A_301 = tpu.memref_slice %arg6[%scatter3A_298, %scatter3A_299, %scatter3A_300] : memref<2x64x128xf32, #tpu.memory_space<vmem>> -> memref<1x64x128xf32, #tpu.memory_space<vmem>>
        %scatter3A_302 = tpu.memref_squeeze %scatter3A_301 : memref<1x64x128xf32, #tpu.memory_space<vmem>> -> memref<64x128xf32, #tpu.memory_space<vmem>>
        tpu.vector_store_idx %scatter3A_302[%and3A_213, %add3A_21], %gather3A_259 : memref<64x128xf32, #tpu.memory_space<vmem>>[vector<16xi32>, vector<16xi32>], vector<16xf32>,
        %scatter3A_303 = arith.constant 0 : i32
        %scatter3A_304 = arith.constant 0 : i32
        %scatter3A_305 = arith.constant 0 : i32
        %scatter3A_306 = tpu.memref_slice %arg6[%scatter3A_303, %scatter3A_304, %scatter3A_305] : memref<2x64x128xf32, #tpu.memory_space<vmem>> -> memref<1x64x128xf32, #tpu.memory_space<vmem>>
        %scatter3A_307 = tpu.memref_squeeze %scatter3A_306 : memref<1x64x128xf32, #tpu.memory_space<vmem>> -> memref<64x128xf32, #tpu.memory_space<vmem>>
        tpu.vector_store_idx %scatter3A_307[%and3A_213, %add3A_24], %gather3A_265 : memref<64x128xf32, #tpu.memory_space<vmem>>[vector<16xi32>, vector<16xi32>], vector<16xf32>,
        %and3A_308 = arith.constant 63 : i32
        %and3A_309 = arith.andi %scan3A_267, %and3A_308 : i32
        %add3A_310 = vector.broadcast %and3A_309 : i32 to vector<16xi32>
        %add3A_311 = arith.addi %add3A_310, %iota3A : vector<16xi32>
        %and3A_312 = arith.constant 63 : i32
        %and3A_313 = vector.broadcast %and3A_312 : i32 to vector<16xi32>
        %and3A_314 = arith.andi %add3A_311, %and3A_313 : vector<16xi32>
        %add3A_315 = arith.addi %and3A_314, %and3A_314 : vector<16xi32>
        %add3A_316 = arith.constant 1 : i32
        %add3A_317 = vector.broadcast %add3A_316 : i32 to vector<16xi32>
        %add3A_318 = arith.addi %add3A_315, %add3A_317 : vector<16xi32>
        %gather3A_319 = arith.constant 0 : i32
        %gather3A_320 = arith.constant 0 : i32
        %gather3A_321 = arith.constant 0 : i32
        %gather3A_322 = tpu.memref_slice %arg5[%gather3A_319, %gather3A_320, %gather3A_321] : memref<2x64x128xf32, #tpu.memory_space<vmem>> -> memref<1x64x128xf32, #tpu.memory_space<vmem>>
        %gather3A_323 = tpu.memref_squeeze %gather3A_322 : memref<1x64x128xf32, #tpu.memory_space<vmem>> -> memref<64x128xf32, #tpu.memory_space<vmem>>
        %gather3A_324 = tpu.vector_load_idx %gather3A_323[%add3A_3, %add3A_315] : memref<64x128xf32, #tpu.memory_space<vmem>>[vector<16xi32>, vector<16xi32>], vector<16xf32>,
        %gather3A_325 = arith.constant 0 : i32
        %gather3A_326 = arith.constant 0 : i32
        %gather3A_327 = arith.constant 0 : i32
        %gather3A_328 = tpu.memref_slice %arg5[%gather3A_325, %gather3A_326, %gather3A_327] : memref<2x64x128xf32, #tpu.memory_space<vmem>> -> memref<1x64x128xf32, #tpu.memory_space<vmem>>
        %gather3A_329 = tpu.memref_squeeze %gather3A_328 : memref<1x64x128xf32, #tpu.memory_space<vmem>> -> memref<64x128xf32, #tpu.memory_space<vmem>>
        %gather3A_330 = tpu.vector_load_idx %gather3A_329[%add3A_6, %add3A_315] : memref<64x128xf32, #tpu.memory_space<vmem>>[vector<16xi32>, vector<16xi32>], vector<16xf32>,
        %gather3A_331 = arith.constant 0 : i32
        %gather3A_332 = arith.constant 0 : i32
        %gather3A_333 = arith.constant 0 : i32
        %gather3A_334 = tpu.memref_slice %arg5[%gather3A_331, %gather3A_332, %gather3A_333] : memref<2x64x128xf32, #tpu.memory_space<vmem>> -> memref<1x64x128xf32, #tpu.memory_space<vmem>>
        %gather3A_335 = tpu.memref_squeeze %gather3A_334 : memref<1x64x128xf32, #tpu.memory_space<vmem>> -> memref<64x128xf32, #tpu.memory_space<vmem>>
        %gather3A_336 = tpu.vector_load_idx %gather3A_335[%add3A_9, %add3A_315] : memref<64x128xf32, #tpu.memory_space<vmem>>[vector<16xi32>, vector<16xi32>], vector<16xf32>,
        %gather3A_337 = arith.constant 0 : i32
        %gather3A_338 = arith.constant 0 : i32
        %gather3A_339 = arith.constant 0 : i32
        %gather3A_340 = tpu.memref_slice %arg5[%gather3A_337, %gather3A_338, %gather3A_339] : memref<2x64x128xf32, #tpu.memory_space<vmem>> -> memref<1x64x128xf32, #tpu.memory_space<vmem>>
        %gather3A_341 = tpu.memref_squeeze %gather3A_340 : memref<1x64x128xf32, #tpu.memory_space<vmem>> -> memref<64x128xf32, #tpu.memory_space<vmem>>
        %gather3A_342 = tpu.vector_load_idx %gather3A_341[%add3A_12, %add3A_315] : memref<64x128xf32, #tpu.memory_space<vmem>>[vector<16xi32>, vector<16xi32>], vector<16xf32>,
        %gather3A_343 = arith.constant 0 : i32
        %gather3A_344 = arith.constant 0 : i32
        %gather3A_345 = arith.constant 0 : i32
        %gather3A_346 = tpu.memref_slice %arg5[%gather3A_343, %gather3A_344, %gather3A_345] : memref<2x64x128xf32, #tpu.memory_space<vmem>> -> memref<1x64x128xf32, #tpu.memory_space<vmem>>
        %gather3A_347 = tpu.memref_squeeze %gather3A_346 : memref<1x64x128xf32, #tpu.memory_space<vmem>> -> memref<64x128xf32, #tpu.memory_space<vmem>>
        %gather3A_348 = tpu.vector_load_idx %gather3A_347[%add3A_3, %add3A_318] : memref<64x128xf32, #tpu.memory_space<vmem>>[vector<16xi32>, vector<16xi32>], vector<16xf32>,
        %gather3A_349 = arith.constant 0 : i32
        %gather3A_350 = arith.constant 0 : i32
        %gather3A_351 = arith.constant 0 : i32
        %gather3A_352 = tpu.memref_slice %arg5[%gather3A_349, %gather3A_350, %gather3A_351] : memref<2x64x128xf32, #tpu.memory_space<vmem>> -> memref<1x64x128xf32, #tpu.memory_space<vmem>>
        %gather3A_353 = tpu.memref_squeeze %gather3A_352 : memref<1x64x128xf32, #tpu.memory_space<vmem>> -> memref<64x128xf32, #tpu.memory_space<vmem>>
        %gather3A_354 = tpu.vector_load_idx %gather3A_353[%add3A_6, %add3A_318] : memref<64x128xf32, #tpu.memory_space<vmem>>[vector<16xi32>, vector<16xi32>], vector<16xf32>,
        %gather3A_355 = arith.constant 0 : i32
        %gather3A_356 = arith.constant 0 : i32
        %gather3A_357 = arith.constant 0 : i32
        %gather3A_358 = tpu.memref_slice %arg5[%gather3A_355, %gather3A_356, %gather3A_357] : memref<2x64x128xf32, #tpu.memory_space<vmem>> -> memref<1x64x128xf32, #tpu.memory_space<vmem>>
        %gather3A_359 = tpu.memref_squeeze %gather3A_358 : memref<1x64x128xf32, #tpu.memory_space<vmem>> -> memref<64x128xf32, #tpu.memory_space<vmem>>
        %gather3A_360 = tpu.vector_load_idx %gather3A_359[%add3A_9, %add3A_318] : memref<64x128xf32, #tpu.memory_space<vmem>>[vector<16xi32>, vector<16xi32>], vector<16xf32>,
        %gather3A_361 = arith.constant 0 : i32
        %gather3A_362 = arith.constant 0 : i32
        %gather3A_363 = arith.constant 0 : i32
        %gather3A_364 = tpu.memref_slice %arg5[%gather3A_361, %gather3A_362, %gather3A_363] : memref<2x64x128xf32, #tpu.memory_space<vmem>> -> memref<1x64x128xf32, #tpu.memory_space<vmem>>
        %gather3A_365 = tpu.memref_squeeze %gather3A_364 : memref<1x64x128xf32, #tpu.memory_space<vmem>> -> memref<64x128xf32, #tpu.memory_space<vmem>>
        %gather3A_366 = tpu.vector_load_idx %gather3A_365[%add3A_12, %add3A_318] : memref<64x128xf32, #tpu.memory_space<vmem>>[vector<16xi32>, vector<16xi32>], vector<16xf32>,
        %scan3A_367 = arith.constant 2 : i32
        %scan3A_368 = arith.addi %scan3A_158, %scan3A_367 : i32
        %scatter3A_369 = arith.constant 0 : i32
        %scatter3A_370 = arith.constant 0 : i32
        %scatter3A_371 = arith.constant 0 : i32
        %scatter3A_372 = tpu.memref_slice %arg6[%scatter3A_369, %scatter3A_370, %scatter3A_371] : memref<2x64x128xf32, #tpu.memory_space<vmem>> -> memref<1x64x128xf32, #tpu.memory_space<vmem>>
        %scatter3A_373 = tpu.memref_squeeze %scatter3A_372 : memref<1x64x128xf32, #tpu.memory_space<vmem>> -> memref<64x128xf32, #tpu.memory_space<vmem>>
        tpu.vector_store_idx %scatter3A_373[%and3A_314, %add3A_3], %gather3A_324 : memref<64x128xf32, #tpu.memory_space<vmem>>[vector<16xi32>, vector<16xi32>], vector<16xf32>,
        %scatter3A_374 = arith.constant 0 : i32
        %scatter3A_375 = arith.constant 0 : i32
        %scatter3A_376 = arith.constant 0 : i32
        %scatter3A_377 = tpu.memref_slice %arg6[%scatter3A_374, %scatter3A_375, %scatter3A_376] : memref<2x64x128xf32, #tpu.memory_space<vmem>> -> memref<1x64x128xf32, #tpu.memory_space<vmem>>
        %scatter3A_378 = tpu.memref_squeeze %scatter3A_377 : memref<1x64x128xf32, #tpu.memory_space<vmem>> -> memref<64x128xf32, #tpu.memory_space<vmem>>
        tpu.vector_store_idx %scatter3A_378[%and3A_314, %add3A_6], %gather3A_330 : memref<64x128xf32, #tpu.memory_space<vmem>>[vector<16xi32>, vector<16xi32>], vector<16xf32>,
        %scatter3A_379 = arith.constant 0 : i32
        %scatter3A_380 = arith.constant 0 : i32
        %scatter3A_381 = arith.constant 0 : i32
        %scatter3A_382 = tpu.memref_slice %arg6[%scatter3A_379, %scatter3A_380, %scatter3A_381] : memref<2x64x128xf32, #tpu.memory_space<vmem>> -> memref<1x64x128xf32, #tpu.memory_space<vmem>>
        %scatter3A_383 = tpu.memref_squeeze %scatter3A_382 : memref<1x64x128xf32, #tpu.memory_space<vmem>> -> memref<64x128xf32, #tpu.memory_space<vmem>>
        tpu.vector_store_idx %scatter3A_383[%and3A_314, %add3A_9], %gather3A_336 : memref<64x128xf32, #tpu.memory_space<vmem>>[vector<16xi32>, vector<16xi32>], vector<16xf32>,
        %scatter3A_384 = arith.constant 0 : i32
        %scatter3A_385 = arith.constant 0 : i32
        %scatter3A_386 = arith.constant 0 : i32
        %scatter3A_387 = tpu.memref_slice %arg6[%scatter3A_384, %scatter3A_385, %scatter3A_386] : memref<2x64x128xf32, #tpu.memory_space<vmem>> -> memref<1x64x128xf32, #tpu.memory_space<vmem>>
        %scatter3A_388 = tpu.memref_squeeze %scatter3A_387 : memref<1x64x128xf32, #tpu.memory_space<vmem>> -> memref<64x128xf32, #tpu.memory_space<vmem>>
        tpu.vector_store_idx %scatter3A_388[%and3A_314, %add3A_12], %gather3A_342 : memref<64x128xf32, #tpu.memory_space<vmem>>[vector<16xi32>, vector<16xi32>], vector<16xf32>,
        %scatter3A_389 = arith.constant 0 : i32
        %scatter3A_390 = arith.constant 0 : i32
        %scatter3A_391 = arith.constant 0 : i32
        %scatter3A_392 = tpu.memref_slice %arg6[%scatter3A_389, %scatter3A_390, %scatter3A_391] : memref<2x64x128xf32, #tpu.memory_space<vmem>> -> memref<1x64x128xf32, #tpu.memory_space<vmem>>
        %scatter3A_393 = tpu.memref_squeeze %scatter3A_392 : memref<1x64x128xf32, #tpu.memory_space<vmem>> -> memref<64x128xf32, #tpu.memory_space<vmem>>
        tpu.vector_store_idx %scatter3A_393[%and3A_314, %add3A_15], %gather3A_348 : memref<64x128xf32, #tpu.memory_space<vmem>>[vector<16xi32>, vector<16xi32>], vector<16xf32>,
        %scatter3A_394 = arith.constant 0 : i32
        %scatter3A_395 = arith.constant 0 : i32
        %scatter3A_396 = arith.constant 0 : i32
        %scatter3A_397 = tpu.memref_slice %arg6[%scatter3A_394, %scatter3A_395, %scatter3A_396] : memref<2x64x128xf32, #tpu.memory_space<vmem>> -> memref<1x64x128xf32, #tpu.memory_space<vmem>>
        %scatter3A_398 = tpu.memref_squeeze %scatter3A_397 : memref<1x64x128xf32, #tpu.memory_space<vmem>> -> memref<64x128xf32, #tpu.memory_space<vmem>>
        tpu.vector_store_idx %scatter3A_398[%and3A_314, %add3A_18], %gather3A_354 : memref<64x128xf32, #tpu.memory_space<vmem>>[vector<16xi32>, vector<16xi32>], vector<16xf32>,
        %scatter3A_399 = arith.constant 0 : i32
        %scatter3A_400 = arith.constant 0 : i32
        %scatter3A_401 = arith.constant 0 : i32
        %scatter3A_402 = tpu.memref_slice %arg6[%scatter3A_399, %scatter3A_400, %scatter3A_401] : memref<2x64x128xf32, #tpu.memory_space<vmem>> -> memref<1x64x128xf32, #tpu.memory_space<vmem>>
        %scatter3A_403 = tpu.memref_squeeze %scatter3A_402 : memref<1x64x128xf32, #tpu.memory_space<vmem>> -> memref<64x128xf32, #tpu.memory_space<vmem>>
        tpu.vector_store_idx %scatter3A_403[%and3A_314, %add3A_21], %gather3A_360 : memref<64x128xf32, #tpu.memory_space<vmem>>[vector<16xi32>, vector<16xi32>], vector<16xf32>,
        %scatter3A_404 = arith.constant 0 : i32
        %scatter3A_405 = arith.constant 0 : i32
        %scatter3A_406 = arith.constant 0 : i32
        %scatter3A_407 = tpu.memref_slice %arg6[%scatter3A_404, %scatter3A_405, %scatter3A_406] : memref<2x64x128xf32, #tpu.memory_space<vmem>> -> memref<1x64x128xf32, #tpu.memory_space<vmem>>
        %scatter3A_408 = tpu.memref_squeeze %scatter3A_407 : memref<1x64x128xf32, #tpu.memory_space<vmem>> -> memref<64x128xf32, #tpu.memory_space<vmem>>
        tpu.vector_store_idx %scatter3A_408[%and3A_314, %add3A_24], %gather3A_366 : memref<64x128xf32, #tpu.memory_space<vmem>>[vector<16xi32>, vector<16xi32>], vector<16xf32>,
        %and3A_409 = arith.constant 63 : i32
        %and3A_410 = arith.andi %scan3A_368, %and3A_409 : i32
        %add3A_411 = vector.broadcast %and3A_410 : i32 to vector<16xi32>
        %add3A_412 = arith.addi %add3A_411, %iota3A : vector<16xi32>
        %and3A_413 = arith.constant 63 : i32
        %and3A_414 = vector.broadcast %and3A_413 : i32 to vector<16xi32>
        %and3A_415 = arith.andi %add3A_412, %and3A_414 : vector<16xi32>
        %add3A_416 = arith.addi %and3A_415, %and3A_415 : vector<16xi32>
        %add3A_417 = arith.constant 1 : i32
        %add3A_418 = vector.broadcast %add3A_417 : i32 to vector<16xi32>
        %add3A_419 = arith.addi %add3A_416, %add3A_418 : vector<16xi32>
        %gather3A_420 = arith.constant 0 : i32
        %gather3A_421 = arith.constant 0 : i32
        %gather3A_422 = arith.constant 0 : i32
        %gather3A_423 = tpu.memref_slice %arg5[%gather3A_420, %gather3A_421, %gather3A_422] : memref<2x64x128xf32, #tpu.memory_space<vmem>> -> memref<1x64x128xf32, #tpu.memory_space<vmem>>
        %gather3A_424 = tpu.memref_squeeze %gather3A_423 : memref<1x64x128xf32, #tpu.memory_space<vmem>> -> memref<64x128xf32, #tpu.memory_space<vmem>>
        %gather3A_425 = tpu.vector_load_idx %gather3A_424[%add3A_3, %add3A_416] : memref<64x128xf32, #tpu.memory_space<vmem>>[vector<16xi32>, vector<16xi32>], vector<16xf32>,
        %gather3A_426 = arith.constant 0 : i32
        %gather3A_427 = arith.constant 0 : i32
        %gather3A_428 = arith.constant 0 : i32
        %gather3A_429 = tpu.memref_slice %arg5[%gather3A_426, %gather3A_427, %gather3A_428] : memref<2x64x128xf32, #tpu.memory_space<vmem>> -> memref<1x64x128xf32, #tpu.memory_space<vmem>>
        %gather3A_430 = tpu.memref_squeeze %gather3A_429 : memref<1x64x128xf32, #tpu.memory_space<vmem>> -> memref<64x128xf32, #tpu.memory_space<vmem>>
        %gather3A_431 = tpu.vector_load_idx %gather3A_430[%add3A_6, %add3A_416] : memref<64x128xf32, #tpu.memory_space<vmem>>[vector<16xi32>, vector<16xi32>], vector<16xf32>,
        %gather3A_432 = arith.constant 0 : i32
        %gather3A_433 = arith.constant 0 : i32
        %gather3A_434 = arith.constant 0 : i32
        %gather3A_435 = tpu.memref_slice %arg5[%gather3A_432, %gather3A_433, %gather3A_434] : memref<2x64x128xf32, #tpu.memory_space<vmem>> -> memref<1x64x128xf32, #tpu.memory_space<vmem>>
        %gather3A_436 = tpu.memref_squeeze %gather3A_435 : memref<1x64x128xf32, #tpu.memory_space<vmem>> -> memref<64x128xf32, #tpu.memory_space<vmem>>
        %gather3A_437 = tpu.vector_load_idx %gather3A_436[%add3A_9, %add3A_416] : memref<64x128xf32, #tpu.memory_space<vmem>>[vector<16xi32>, vector<16xi32>], vector<16xf32>,
        %gather3A_438 = arith.constant 0 : i32
        %gather3A_439 = arith.constant 0 : i32
        %gather3A_440 = arith.constant 0 : i32
        %gather3A_441 = tpu.memref_slice %arg5[%gather3A_438, %gather3A_439, %gather3A_440] : memref<2x64x128xf32, #tpu.memory_space<vmem>> -> memref<1x64x128xf32, #tpu.memory_space<vmem>>
        %gather3A_442 = tpu.memref_squeeze %gather3A_441 : memref<1x64x128xf32, #tpu.memory_space<vmem>> -> memref<64x128xf32, #tpu.memory_space<vmem>>
        %gather3A_443 = tpu.vector_load_idx %gather3A_442[%add3A_12, %add3A_416] : memref<64x128xf32, #tpu.memory_space<vmem>>[vector<16xi32>, vector<16xi32>], vector<16xf32>,
        %gather3A_444 = arith.constant 0 : i32
        %gather3A_445 = arith.constant 0 : i32
        %gather3A_446 = arith.constant 0 : i32
        %gather3A_447 = tpu.memref_slice %arg5[%gather3A_444, %gather3A_445, %gather3A_446] : memref<2x64x128xf32, #tpu.memory_space<vmem>> -> memref<1x64x128xf32, #tpu.memory_space<vmem>>
        %gather3A_448 = tpu.memref_squeeze %gather3A_447 : memref<1x64x128xf32, #tpu.memory_space<vmem>> -> memref<64x128xf32, #tpu.memory_space<vmem>>
        %gather3A_449 = tpu.vector_load_idx %gather3A_448[%add3A_3, %add3A_419] : memref<64x128xf32, #tpu.memory_space<vmem>>[vector<16xi32>, vector<16xi32>], vector<16xf32>,
        %gather3A_450 = arith.constant 0 : i32
        %gather3A_451 = arith.constant 0 : i32
        %gather3A_452 = arith.constant 0 : i32
        %gather3A_453 = tpu.memref_slice %arg5[%gather3A_450, %gather3A_451, %gather3A_452] : memref<2x64x128xf32, #tpu.memory_space<vmem>> -> memref<1x64x128xf32, #tpu.memory_space<vmem>>
        %gather3A_454 = tpu.memref_squeeze %gather3A_453 : memref<1x64x128xf32, #tpu.memory_space<vmem>> -> memref<64x128xf32, #tpu.memory_space<vmem>>
        %gather3A_455 = tpu.vector_load_idx %gather3A_454[%add3A_6, %add3A_419] : memref<64x128xf32, #tpu.memory_space<vmem>>[vector<16xi32>, vector<16xi32>], vector<16xf32>,
        %gather3A_456 = arith.constant 0 : i32
        %gather3A_457 = arith.constant 0 : i32
        %gather3A_458 = arith.constant 0 : i32
        %gather3A_459 = tpu.memref_slice %arg5[%gather3A_456, %gather3A_457, %gather3A_458] : memref<2x64x128xf32, #tpu.memory_space<vmem>> -> memref<1x64x128xf32, #tpu.memory_space<vmem>>
        %gather3A_460 = tpu.memref_squeeze %gather3A_459 : memref<1x64x128xf32, #tpu.memory_space<vmem>> -> memref<64x128xf32, #tpu.memory_space<vmem>>
        %gather3A_461 = tpu.vector_load_idx %gather3A_460[%add3A_9, %add3A_419] : memref<64x128xf32, #tpu.memory_space<vmem>>[vector<16xi32>, vector<16xi32>], vector<16xf32>,
        %gather3A_462 = arith.constant 0 : i32
        %gather3A_463 = arith.constant 0 : i32
        %gather3A_464 = arith.constant 0 : i32
        %gather3A_465 = tpu.memref_slice %arg5[%gather3A_462, %gather3A_463, %gather3A_464] : memref<2x64x128xf32, #tpu.memory_space<vmem>> -> memref<1x64x128xf32, #tpu.memory_space<vmem>>
        %gather3A_466 = tpu.memref_squeeze %gather3A_465 : memref<1x64x128xf32, #tpu.memory_space<vmem>> -> memref<64x128xf32, #tpu.memory_space<vmem>>
        %gather3A_467 = tpu.vector_load_idx %gather3A_466[%add3A_12, %add3A_419] : memref<64x128xf32, #tpu.memory_space<vmem>>[vector<16xi32>, vector<16xi32>], vector<16xf32>,
        %scan3A_468 = arith.constant 3 : i32
        %scan3A_469 = arith.addi %scan3A_158, %scan3A_468 : i32
        %scatter3A_470 = arith.constant 0 : i32
        %scatter3A_471 = arith.constant 0 : i32
        %scatter3A_472 = arith.constant 0 : i32
        %scatter3A_473 = tpu.memref_slice %arg6[%scatter3A_470, %scatter3A_471, %scatter3A_472] : memref<2x64x128xf32, #tpu.memory_space<vmem>> -> memref<1x64x128xf32, #tpu.memory_space<vmem>>
        %scatter3A_474 = tpu.memref_squeeze %scatter3A_473 : memref<1x64x128xf32, #tpu.memory_space<vmem>> -> memref<64x128xf32, #tpu.memory_space<vmem>>
        tpu.vector_store_idx %scatter3A_474[%and3A_415, %add3A_3], %gather3A_425 : memref<64x128xf32, #tpu.memory_space<vmem>>[vector<16xi32>, vector<16xi32>], vector<16xf32>,
        %scatter3A_475 = arith.constant 0 : i32
        %scatter3A_476 = arith.constant 0 : i32
        %scatter3A_477 = arith.constant 0 : i32
        %scatter3A_478 = tpu.memref_slice %arg6[%scatter3A_475, %scatter3A_476, %scatter3A_477] : memref<2x64x128xf32, #tpu.memory_space<vmem>> -> memref<1x64x128xf32, #tpu.memory_space<vmem>>
        %scatter3A_479 = tpu.memref_squeeze %scatter3A_478 : memref<1x64x128xf32, #tpu.memory_space<vmem>> -> memref<64x128xf32, #tpu.memory_space<vmem>>
        tpu.vector_store_idx %scatter3A_479[%and3A_415, %add3A_6], %gather3A_431 : memref<64x128xf32, #tpu.memory_space<vmem>>[vector<16xi32>, vector<16xi32>], vector<16xf32>,
        %scatter3A_480 = arith.constant 0 : i32
        %scatter3A_481 = arith.constant 0 : i32
        %scatter3A_482 = arith.constant 0 : i32
        %scatter3A_483 = tpu.memref_slice %arg6[%scatter3A_480, %scatter3A_481, %scatter3A_482] : memref<2x64x128xf32, #tpu.memory_space<vmem>> -> memref<1x64x128xf32, #tpu.memory_space<vmem>>
        %scatter3A_484 = tpu.memref_squeeze %scatter3A_483 : memref<1x64x128xf32, #tpu.memory_space<vmem>> -> memref<64x128xf32, #tpu.memory_space<vmem>>
        tpu.vector_store_idx %scatter3A_484[%and3A_415, %add3A_9], %gather3A_437 : memref<64x128xf32, #tpu.memory_space<vmem>>[vector<16xi32>, vector<16xi32>], vector<16xf32>,
        %scatter3A_485 = arith.constant 0 : i32
        %scatter3A_486 = arith.constant 0 : i32
        %scatter3A_487 = arith.constant 0 : i32
        %scatter3A_488 = tpu.memref_slice %arg6[%scatter3A_485, %scatter3A_486, %scatter3A_487] : memref<2x64x128xf32, #tpu.memory_space<vmem>> -> memref<1x64x128xf32, #tpu.memory_space<vmem>>
        %scatter3A_489 = tpu.memref_squeeze %scatter3A_488 : memref<1x64x128xf32, #tpu.memory_space<vmem>> -> memref<64x128xf32, #tpu.memory_space<vmem>>
        tpu.vector_store_idx %scatter3A_489[%and3A_415, %add3A_12], %gather3A_443 : memref<64x128xf32, #tpu.memory_space<vmem>>[vector<16xi32>, vector<16xi32>], vector<16xf32>,
        %scatter3A_490 = arith.constant 0 : i32
        %scatter3A_491 = arith.constant 0 : i32
        %scatter3A_492 = arith.constant 0 : i32
        %scatter3A_493 = tpu.memref_slice %arg6[%scatter3A_490, %scatter3A_491, %scatter3A_492] : memref<2x64x128xf32, #tpu.memory_space<vmem>> -> memref<1x64x128xf32, #tpu.memory_space<vmem>>
        %scatter3A_494 = tpu.memref_squeeze %scatter3A_493 : memref<1x64x128xf32, #tpu.memory_space<vmem>> -> memref<64x128xf32, #tpu.memory_space<vmem>>
        tpu.vector_store_idx %scatter3A_494[%and3A_415, %add3A_15], %gather3A_449 : memref<64x128xf32, #tpu.memory_space<vmem>>[vector<16xi32>, vector<16xi32>], vector<16xf32>,
        %scatter3A_495 = arith.constant 0 : i32
        %scatter3A_496 = arith.constant 0 : i32
        %scatter3A_497 = arith.constant 0 : i32
        %scatter3A_498 = tpu.memref_slice %arg6[%scatter3A_495, %scatter3A_496, %scatter3A_497] : memref<2x64x128xf32, #tpu.memory_space<vmem>> -> memref<1x64x128xf32, #tpu.memory_space<vmem>>
        %scatter3A_499 = tpu.memref_squeeze %scatter3A_498 : memref<1x64x128xf32, #tpu.memory_space<vmem>> -> memref<64x128xf32, #tpu.memory_space<vmem>>
        tpu.vector_store_idx %scatter3A_499[%and3A_415, %add3A_18], %gather3A_455 : memref<64x128xf32, #tpu.memory_space<vmem>>[vector<16xi32>, vector<16xi32>], vector<16xf32>,
        %scatter3A_500 = arith.constant 0 : i32
        %scatter3A_501 = arith.constant 0 : i32
        %scatter3A_502 = arith.constant 0 : i32
        %scatter3A_503 = tpu.memref_slice %arg6[%scatter3A_500, %scatter3A_501, %scatter3A_502] : memref<2x64x128xf32, #tpu.memory_space<vmem>> -> memref<1x64x128xf32, #tpu.memory_space<vmem>>
        %scatter3A_504 = tpu.memref_squeeze %scatter3A_503 : memref<1x64x128xf32, #tpu.memory_space<vmem>> -> memref<64x128xf32, #tpu.memory_space<vmem>>
        tpu.vector_store_idx %scatter3A_504[%and3A_415, %add3A_21], %gather3A_461 : memref<64x128xf32, #tpu.memory_space<vmem>>[vector<16xi32>, vector<16xi32>], vector<16xf32>,
        %scatter3A_505 = arith.constant 0 : i32
        %scatter3A_506 = arith.constant 0 : i32
        %scatter3A_507 = arith.constant 0 : i32
        %scatter3A_508 = tpu.memref_slice %arg6[%scatter3A_505, %scatter3A_506, %scatter3A_507] : memref<2x64x128xf32, #tpu.memory_space<vmem>> -> memref<1x64x128xf32, #tpu.memory_space<vmem>>
        %scatter3A_509 = tpu.memref_squeeze %scatter3A_508 : memref<1x64x128xf32, #tpu.memory_space<vmem>> -> memref<64x128xf32, #tpu.memory_space<vmem>>
        tpu.vector_store_idx %scatter3A_509[%and3A_415, %add3A_24], %gather3A_467 : memref<64x128xf32, #tpu.memory_space<vmem>>[vector<16xi32>, vector<16xi32>], vector<16xf32>,
        %and3A_510 = arith.constant 63 : i32
        %and3A_511 = arith.andi %scan3A_469, %and3A_510 : i32
        %add3A_512 = vector.broadcast %and3A_511 : i32 to vector<16xi32>
        %add3A_513 = arith.addi %add3A_512, %iota3A : vector<16xi32>
        %and3A_514 = arith.constant 63 : i32
        %and3A_515 = vector.broadcast %and3A_514 : i32 to vector<16xi32>
        %and3A_516 = arith.andi %add3A_513, %and3A_515 : vector<16xi32>
        %add3A_517 = arith.addi %and3A_516, %and3A_516 : vector<16xi32>
        %add3A_518 = arith.constant 1 : i32
        %add3A_519 = vector.broadcast %add3A_518 : i32 to vector<16xi32>
        %add3A_520 = arith.addi %add3A_517, %add3A_519 : vector<16xi32>
        %gather3A_521 = arith.constant 0 : i32
        %gather3A_522 = arith.constant 0 : i32
        %gather3A_523 = arith.constant 0 : i32
        %gather3A_524 = tpu.memref_slice %arg5[%gather3A_521, %gather3A_522, %gather3A_523] : memref<2x64x128xf32, #tpu.memory_space<vmem>> -> memref<1x64x128xf32, #tpu.memory_space<vmem>>
        %gather3A_525 = tpu.memref_squeeze %gather3A_524 : memref<1x64x128xf32, #tpu.memory_space<vmem>> -> memref<64x128xf32, #tpu.memory_space<vmem>>
        %gather3A_526 = tpu.vector_load_idx %gather3A_525[%add3A_3, %add3A_517] : memref<64x128xf32, #tpu.memory_space<vmem>>[vector<16xi32>, vector<16xi32>], vector<16xf32>,
        %gather3A_527 = arith.constant 0 : i32
        %gather3A_528 = arith.constant 0 : i32
        %gather3A_529 = arith.constant 0 : i32
        %gather3A_530 = tpu.memref_slice %arg5[%gather3A_527, %gather3A_528, %gather3A_529] : memref<2x64x128xf32, #tpu.memory_space<vmem>> -> memref<1x64x128xf32, #tpu.memory_space<vmem>>
        %gather3A_531 = tpu.memref_squeeze %gather3A_530 : memref<1x64x128xf32, #tpu.memory_space<vmem>> -> memref<64x128xf32, #tpu.memory_space<vmem>>
        %gather3A_532 = tpu.vector_load_idx %gather3A_531[%add3A_6, %add3A_517] : memref<64x128xf32, #tpu.memory_space<vmem>>[vector<16xi32>, vector<16xi32>], vector<16xf32>,
        %gather3A_533 = arith.constant 0 : i32
        %gather3A_534 = arith.constant 0 : i32
        %gather3A_535 = arith.constant 0 : i32
        %gather3A_536 = tpu.memref_slice %arg5[%gather3A_533, %gather3A_534, %gather3A_535] : memref<2x64x128xf32, #tpu.memory_space<vmem>> -> memref<1x64x128xf32, #tpu.memory_space<vmem>>
        %gather3A_537 = tpu.memref_squeeze %gather3A_536 : memref<1x64x128xf32, #tpu.memory_space<vmem>> -> memref<64x128xf32, #tpu.memory_space<vmem>>
        %gather3A_538 = tpu.vector_load_idx %gather3A_537[%add3A_9, %add3A_517] : memref<64x128xf32, #tpu.memory_space<vmem>>[vector<16xi32>, vector<16xi32>], vector<16xf32>,
        %gather3A_539 = arith.constant 0 : i32
        %gather3A_540 = arith.constant 0 : i32
        %gather3A_541 = arith.constant 0 : i32
        %gather3A_542 = tpu.memref_slice %arg5[%gather3A_539, %gather3A_540, %gather3A_541] : memref<2x64x128xf32, #tpu.memory_space<vmem>> -> memref<1x64x128xf32, #tpu.memory_space<vmem>>
        %gather3A_543 = tpu.memref_squeeze %gather3A_542 : memref<1x64x128xf32, #tpu.memory_space<vmem>> -> memref<64x128xf32, #tpu.memory_space<vmem>>
        %gather3A_544 = tpu.vector_load_idx %gather3A_543[%add3A_12, %add3A_517] : memref<64x128xf32, #tpu.memory_space<vmem>>[vector<16xi32>, vector<16xi32>], vector<16xf32>,
        %gather3A_545 = arith.constant 0 : i32
        %gather3A_546 = arith.constant 0 : i32
        %gather3A_547 = arith.constant 0 : i32
        %gather3A_548 = tpu.memref_slice %arg5[%gather3A_545, %gather3A_546, %gather3A_547] : memref<2x64x128xf32, #tpu.memory_space<vmem>> -> memref<1x64x128xf32, #tpu.memory_space<vmem>>
        %gather3A_549 = tpu.memref_squeeze %gather3A_548 : memref<1x64x128xf32, #tpu.memory_space<vmem>> -> memref<64x128xf32, #tpu.memory_space<vmem>>
        %gather3A_550 = tpu.vector_load_idx %gather3A_549[%add3A_3, %add3A_520] : memref<64x128xf32, #tpu.memory_space<vmem>>[vector<16xi32>, vector<16xi32>], vector<16xf32>,
        %gather3A_551 = arith.constant 0 : i32
        %gather3A_552 = arith.constant 0 : i32
        %gather3A_553 = arith.constant 0 : i32
        %gather3A_554 = tpu.memref_slice %arg5[%gather3A_551, %gather3A_552, %gather3A_553] : memref<2x64x128xf32, #tpu.memory_space<vmem>> -> memref<1x64x128xf32, #tpu.memory_space<vmem>>
        %gather3A_555 = tpu.memref_squeeze %gather3A_554 : memref<1x64x128xf32, #tpu.memory_space<vmem>> -> memref<64x128xf32, #tpu.memory_space<vmem>>
        %gather3A_556 = tpu.vector_load_idx %gather3A_555[%add3A_6, %add3A_520] : memref<64x128xf32, #tpu.memory_space<vmem>>[vector<16xi32>, vector<16xi32>], vector<16xf32>,
        %gather3A_557 = arith.constant 0 : i32
        %gather3A_558 = arith.constant 0 : i32
        %gather3A_559 = arith.constant 0 : i32
        %gather3A_560 = tpu.memref_slice %arg5[%gather3A_557, %gather3A_558, %gather3A_559] : memref<2x64x128xf32, #tpu.memory_space<vmem>> -> memref<1x64x128xf32, #tpu.memory_space<vmem>>
        %gather3A_561 = tpu.memref_squeeze %gather3A_560 : memref<1x64x128xf32, #tpu.memory_space<vmem>> -> memref<64x128xf32, #tpu.memory_space<vmem>>
        %gather3A_562 = tpu.vector_load_idx %gather3A_561[%add3A_9, %add3A_520] : memref<64x128xf32, #tpu.memory_space<vmem>>[vector<16xi32>, vector<16xi32>], vector<16xf32>,
        %gather3A_563 = arith.constant 0 : i32
        %gather3A_564 = arith.constant 0 : i32
        %gather3A_565 = arith.constant 0 : i32
        %gather3A_566 = tpu.memref_slice %arg5[%gather3A_563, %gather3A_564, %gather3A_565] : memref<2x64x128xf32, #tpu.memory_space<vmem>> -> memref<1x64x128xf32, #tpu.memory_space<vmem>>
        %gather3A_567 = tpu.memref_squeeze %gather3A_566 : memref<1x64x128xf32, #tpu.memory_space<vmem>> -> memref<64x128xf32, #tpu.memory_space<vmem>>
        %gather3A_568 = tpu.vector_load_idx %gather3A_567[%add3A_12, %add3A_520] : memref<64x128xf32, #tpu.memory_space<vmem>>[vector<16xi32>, vector<16xi32>], vector<16xf32>,
        scf.yield %gather3A_526, %gather3A_532, %gather3A_538, %gather3A_544, %gather3A_550, %gather3A_556, %gather3A_562, %gather3A_568, %and3A_516 : vector<16xf32>, vector<16xf32>, vector<16xf32>, vector<16xf32>, vector<16xf32>, vector<16xf32>, vector<16xf32>, vector<16xf32>, vector<16xi32>
      }
      %scan3A_145 = arith.constant 64 : i32
      %delay3A = arith.constant 100 : i32
      tpu.delay %delay3A
      %mul3A_146 = arith.constant 32 : i32
      %mul3A_147 = arith.muli %cond3A_63, %mul3A_146 : i32
      %add3A_148 = arith.addi %add3A, %mul3A_147 : i32
      %lt3A_149 = arith.constant 7812 : i32
      %lt3A_150 = arith.cmpi slt, %add3A_148, %lt3A_149 : i32
      %convert_element_type3A_151 = arith.extui %lt3A_150 : i1 to i32
      %cond3A_152 = arith.constant 0 : i32
      %cond3A_153 = arith.cmpi ne, %convert_element_type3A_151, %cond3A_152 : i32
      scf.if %cond3A_153 {
        %mul3A_158 = arith.constant 64 : i32
        %mul3A_159 = arith.muli %add3A_148, %mul3A_158 : i32
        %dma_start3A = arith.constant 0 : i32
        %dma_start3A_160 = arith.constant 0 : i32
        %dma_start3A_161 = arith.constant 0 : i32
        %dma_start3A_162 = arith.constant 0 : i32
        %dma_start3A_163 = tpu.memref_slice %arg6[%dma_start3A, %dma_start3A_161, %dma_start3A_162] : memref<2x64x128xf32, #tpu.memory_space<vmem>> -> memref<1x64x128xf32, #tpu.memory_space<vmem>>
        %dma_start3A_164 = tpu.memref_squeeze %dma_start3A_163 : memref<1x64x128xf32, #tpu.memory_space<vmem>> -> memref<64x128xf32, #tpu.memory_space<vmem>>
        %dma_start3A_165 = arith.constant 0 : i32
        %dma_start3A_166 = tpu.memref_slice %arg4[%mul3A_159, %dma_start3A_165] : memref<500000x128xf32, #tpu.memory_space<hbm>> -> memref<64x128xf32, #tpu.memory_space<hbm>>
        %dma_start3A_167 = tpu.memref_slice %arg8[%dma_start3A_160] : memref<2x!tpu.dma_semaphore, #tpu.memory_space<semaphore_mem>> -> memref<1x!tpu.dma_semaphore, #tpu.memory_space<semaphore_mem>>
        %dma_start3A_168 = tpu.memref_squeeze %dma_start3A_167 : memref<1x!tpu.dma_semaphore, #tpu.memory_space<semaphore_mem>> -> memref<!tpu.dma_semaphore, #tpu.memory_space<semaphore_mem>>
        %dma_start3A_169 = arith.constant 0 : i32
        %dma_start3A_170 = tpu.memref_slice %arg4[%mul3A_159, %dma_start3A_169] : memref<500000x128xf32, #tpu.memory_space<hbm>> -> memref<64x128xf32, #tpu.memory_space<hbm>>
        %dma_start3A_171 = arith.constant 0 : i32
        %dma_start3A_172 = arith.constant 0 : i32
        %dma_start3A_173 = tpu.memref_slice %arg6[%dma_start3A, %dma_start3A_171, %dma_start3A_172] : memref<2x64x128xf32, #tpu.memory_space<vmem>> -> memref<1x64x128xf32, #tpu.memory_space<vmem>>
        %dma_start3A_174 = tpu.memref_squeeze %dma_start3A_173 : memref<1x64x128xf32, #tpu.memory_space<vmem>> -> memref<64x128xf32, #tpu.memory_space<vmem>>
        tpu.enqueue_dma source(%dma_start3A_174 : memref<64x128xf32, #tpu.memory_space<vmem>>) target(%dma_start3A_170 : memref<64x128xf32, #tpu.memory_space<hbm>>) target_semaphore(%dma_start3A_168 : memref<!tpu.dma_semaphore, #tpu.memory_space<semaphore_mem>>)
      } else {
      }
      %eq3A = arith.constant 7812 : i32
      %eq3A_154 = arith.cmpi eq, %add3A_148, %eq3A : i32
      %convert_element_type3A_155 = arith.extui %eq3A_154 : i1 to i32
      %cond3A_156 = arith.constant 0 : i32
      %cond3A_157 = arith.cmpi ne, %convert_element_type3A_155, %cond3A_156 : i32
      scf.if %cond3A_157 {
        %mul3A_158 = arith.constant 64 : i32
        %mul3A_159 = arith.muli %add3A_148, %mul3A_158 : i32
        %dma_start3A = arith.constant 0 : i32
        %dma_start3A_160 = arith.constant 0 : i32
        %dma_start3A_161 = arith.constant 0 : i32
        %dma_start3A_162 = arith.constant 0 : i32
        %dma_start3A_163 = tpu.memref_slice %arg6[%dma_start3A, %dma_start3A_161, %dma_start3A_162] : memref<2x64x128xf32, #tpu.memory_space<vmem>> -> memref<1x32x128xf32, #tpu.memory_space<vmem>>
        %dma_start3A_164 = tpu.memref_squeeze %dma_start3A_163 : memref<1x32x128xf32, #tpu.memory_space<vmem>> -> memref<32x128xf32, #tpu.memory_space<vmem>>
        %dma_start3A_165 = arith.constant 0 : i32
        %dma_start3A_166 = tpu.memref_slice %arg4[%mul3A_159, %dma_start3A_165] : memref<500000x128xf32, #tpu.memory_space<hbm>> -> memref<32x128xf32, #tpu.memory_space<hbm>>
        %dma_start3A_167 = tpu.memref_slice %arg8[%dma_start3A_160] : memref<2x!tpu.dma_semaphore, #tpu.memory_space<semaphore_mem>> -> memref<1x!tpu.dma_semaphore, #tpu.memory_space<semaphore_mem>>
        %dma_start3A_168 = tpu.memref_squeeze %dma_start3A_167 : memref<1x!tpu.dma_semaphore, #tpu.memory_space<semaphore_mem>> -> memref<!tpu.dma_semaphore, #tpu.memory_space<semaphore_mem>>
        %dma_start3A_169 = arith.constant 0 : i32
        %dma_start3A_170 = tpu.memref_slice %arg4[%mul3A_159, %dma_start3A_169] : memref<500000x128xf32, #tpu.memory_space<hbm>> -> memref<32x128xf32, #tpu.memory_space<hbm>>
        %dma_start3A_171 = arith.constant 0 : i32
        %dma_start3A_172 = arith.constant 0 : i32
        %dma_start3A_173 = tpu.memref_slice %arg6[%dma_start3A, %dma_start3A_171, %dma_start3A_172] : memref<2x64x128xf32, #tpu.memory_space<vmem>> -> memref<1x32x128xf32, #tpu.memory_space<vmem>>
        %dma_start3A_174 = tpu.memref_squeeze %dma_start3A_173 : memref<1x32x128xf32, #tpu.memory_space<vmem>> -> memref<32x128xf32, #tpu.memory_space<vmem>>
        tpu.enqueue_dma source(%dma_start3A_174 : memref<32x128xf32, #tpu.memory_space<vmem>>) target(%dma_start3A_170 : memref<32x128xf32, #tpu.memory_space<hbm>>) target_semaphore(%dma_start3A_168 : memref<!tpu.dma_semaphore, #tpu.memory_space<semaphore_mem>>)
      } else {
      }
    } else {
    }
    %add3A_66 = arith.constant 7776 : i32
    %add3A_67 = arith.addi %add3A, %add3A_66 : i32
    %lt3A_68 = arith.constant 7813 : i32
    %lt3A_69 = arith.cmpi slt, %add3A_67, %lt3A_68 : i32
    %convert_element_type3A_70 = arith.extui %lt3A_69 : i1 to i32
    %cond3A_71 = arith.constant 0 : i32
    %cond3A_72 = arith.cmpi ne, %convert_element_type3A_70, %cond3A_71 : i32
    scf.if %cond3A_72 {
      %add3A_80 = arith.constant 7776 : i32
      %add3A_81 = arith.addi %add3A, %add3A_80 : i32
      %lt3A_82 = arith.constant 7812 : i32
      %lt3A_83 = arith.cmpi slt, %add3A_81, %lt3A_82 : i32
      %convert_element_type3A_84 = arith.extui %lt3A_83 : i1 to i32
      %cond3A_85 = arith.constant 0 : i32
      %cond3A_86 = arith.cmpi ne, %convert_element_type3A_84, %cond3A_85 : i32
      scf.if %cond3A_86 {
        %mul3A_91 = arith.constant 64 : i32
        %mul3A_92 = arith.muli %add3A_81, %mul3A_91 : i32
        %dma_wait3A = arith.constant 1 : i32
        %dma_wait3A_93 = arith.constant 1 : i32
        %dma_wait3A_94 = arith.constant 0 : i32
        %dma_wait3A_95 = arith.constant 0 : i32
        %dma_wait3A_96 = tpu.memref_slice %arg6[%dma_wait3A, %dma_wait3A_94, %dma_wait3A_95] : memref<2x64x128xf32, #tpu.memory_space<vmem>> -> memref<1x64x128xf32, #tpu.memory_space<vmem>>
        %dma_wait3A_97 = tpu.memref_squeeze %dma_wait3A_96 : memref<1x64x128xf32, #tpu.memory_space<vmem>> -> memref<64x128xf32, #tpu.memory_space<vmem>>
        %dma_wait3A_98 = arith.constant 0 : i32
        %dma_wait3A_99 = tpu.memref_slice %arg4[%mul3A_92, %dma_wait3A_98] : memref<500000x128xf32, #tpu.memory_space<hbm>> -> memref<64x128xf32, #tpu.memory_space<hbm>>
        %dma_wait3A_100 = tpu.memref_slice %arg8[%dma_wait3A_93] : memref<2x!tpu.dma_semaphore, #tpu.memory_space<semaphore_mem>> -> memref<1x!tpu.dma_semaphore, #tpu.memory_space<semaphore_mem>>
        %dma_wait3A_101 = tpu.memref_squeeze %dma_wait3A_100 : memref<1x!tpu.dma_semaphore, #tpu.memory_space<semaphore_mem>> -> memref<!tpu.dma_semaphore, #tpu.memory_space<semaphore_mem>>
        %dma_wait3A_102 = arith.constant 0 : i32
        %dma_wait3A_103 = tpu.memref_slice %arg4[%mul3A_92, %dma_wait3A_102] : memref<500000x128xf32, #tpu.memory_space<hbm>> -> memref<64x128xf32, #tpu.memory_space<hbm>>
        %dma_wait3A_104 = arith.constant 0 : i32
        %dma_wait3A_105 = arith.constant 0 : i32
        %dma_wait3A_106 = tpu.memref_slice %arg6[%dma_wait3A, %dma_wait3A_104, %dma_wait3A_105] : memref<2x64x128xf32, #tpu.memory_space<vmem>> -> memref<1x64x128xf32, #tpu.memory_space<vmem>>
        %dma_wait3A_107 = tpu.memref_squeeze %dma_wait3A_106 : memref<1x64x128xf32, #tpu.memory_space<vmem>> -> memref<64x128xf32, #tpu.memory_space<vmem>>
        tpu.wait_dma2 semaphore(%dma_wait3A_101 : memref<!tpu.dma_semaphore, #tpu.memory_space<semaphore_mem>>) src(%dma_wait3A_107 : memref<64x128xf32, #tpu.memory_space<vmem>>) dst(%dma_wait3A_103 : memref<64x128xf32, #tpu.memory_space<hbm>>)
      } else {
      }
      %eq3A = arith.constant 7812 : i32
      %eq3A_87 = arith.cmpi eq, %add3A_81, %eq3A : i32
      %convert_element_type3A_88 = arith.extui %eq3A_87 : i1 to i32
      %cond3A_89 = arith.constant 0 : i32
      %cond3A_90 = arith.cmpi ne, %convert_element_type3A_88, %cond3A_89 : i32
      scf.if %cond3A_90 {
        %mul3A_91 = arith.constant 64 : i32
        %mul3A_92 = arith.muli %add3A_81, %mul3A_91 : i32
        %dma_wait3A = arith.constant 1 : i32
        %dma_wait3A_93 = arith.constant 1 : i32
        %dma_wait3A_94 = arith.constant 0 : i32
        %dma_wait3A_95 = arith.constant 0 : i32
        %dma_wait3A_96 = tpu.memref_slice %arg6[%dma_wait3A, %dma_wait3A_94, %dma_wait3A_95] : memref<2x64x128xf32, #tpu.memory_space<vmem>> -> memref<1x32x128xf32, #tpu.memory_space<vmem>>
        %dma_wait3A_97 = tpu.memref_squeeze %dma_wait3A_96 : memref<1x32x128xf32, #tpu.memory_space<vmem>> -> memref<32x128xf32, #tpu.memory_space<vmem>>
        %dma_wait3A_98 = arith.constant 0 : i32
        %dma_wait3A_99 = tpu.memref_slice %arg4[%mul3A_92, %dma_wait3A_98] : memref<500000x128xf32, #tpu.memory_space<hbm>> -> memref<32x128xf32, #tpu.memory_space<hbm>>
        %dma_wait3A_100 = tpu.memref_slice %arg8[%dma_wait3A_93] : memref<2x!tpu.dma_semaphore, #tpu.memory_space<semaphore_mem>> -> memref<1x!tpu.dma_semaphore, #tpu.memory_space<semaphore_mem>>
        %dma_wait3A_101 = tpu.memref_squeeze %dma_wait3A_100 : memref<1x!tpu.dma_semaphore, #tpu.memory_space<semaphore_mem>> -> memref<!tpu.dma_semaphore, #tpu.memory_space<semaphore_mem>>
        %dma_wait3A_102 = arith.constant 0 : i32
        %dma_wait3A_103 = tpu.memref_slice %arg4[%mul3A_92, %dma_wait3A_102] : memref<500000x128xf32, #tpu.memory_space<hbm>> -> memref<32x128xf32, #tpu.memory_space<hbm>>
        %dma_wait3A_104 = arith.constant 0 : i32
        %dma_wait3A_105 = arith.constant 0 : i32
        %dma_wait3A_106 = tpu.memref_slice %arg6[%dma_wait3A, %dma_wait3A_104, %dma_wait3A_105] : memref<2x64x128xf32, #tpu.memory_space<vmem>> -> memref<1x32x128xf32, #tpu.memory_space<vmem>>
        %dma_wait3A_107 = tpu.memref_squeeze %dma_wait3A_106 : memref<1x32x128xf32, #tpu.memory_space<vmem>> -> memref<32x128xf32, #tpu.memory_space<vmem>>
        tpu.wait_dma2 semaphore(%dma_wait3A_101 : memref<!tpu.dma_semaphore, #tpu.memory_space<semaphore_mem>>) src(%dma_wait3A_107 : memref<32x128xf32, #tpu.memory_space<vmem>>) dst(%dma_wait3A_103 : memref<32x128xf32, #tpu.memory_space<hbm>>)
      } else {
      }
    } else {
    }
    %add3A_73 = arith.constant 7808 : i32
    %add3A_74 = arith.addi %add3A, %add3A_73 : i32
    %lt3A_75 = arith.constant 7813 : i32
    %lt3A_76 = arith.cmpi slt, %add3A_74, %lt3A_75 : i32
    %convert_element_type3A_77 = arith.extui %lt3A_76 : i1 to i32
    %cond3A_78 = arith.constant 0 : i32
    %cond3A_79 = arith.cmpi ne, %convert_element_type3A_77, %cond3A_78 : i32
    scf.if %cond3A_79 {
      %add3A_80 = arith.constant 7808 : i32
      %add3A_81 = arith.addi %add3A, %add3A_80 : i32
      %lt3A_82 = arith.constant 7812 : i32
      %lt3A_83 = arith.cmpi slt, %add3A_81, %lt3A_82 : i32
      %convert_element_type3A_84 = arith.extui %lt3A_83 : i1 to i32
      %cond3A_85 = arith.constant 0 : i32
      %cond3A_86 = arith.cmpi ne, %convert_element_type3A_84, %cond3A_85 : i32
      scf.if %cond3A_86 {
        %mul3A_91 = arith.constant 64 : i32
        %mul3A_92 = arith.muli %add3A_81, %mul3A_91 : i32
        %dma_wait3A = arith.constant 0 : i32
        %dma_wait3A_93 = arith.constant 0 : i32
        %dma_wait3A_94 = arith.constant 0 : i32
        %dma_wait3A_95 = arith.constant 0 : i32
        %dma_wait3A_96 = tpu.memref_slice %arg6[%dma_wait3A, %dma_wait3A_94, %dma_wait3A_95] : memref<2x64x128xf32, #tpu.memory_space<vmem>> -> memref<1x64x128xf32, #tpu.memory_space<vmem>>
        %dma_wait3A_97 = tpu.memref_squeeze %dma_wait3A_96 : memref<1x64x128xf32, #tpu.memory_space<vmem>> -> memref<64x128xf32, #tpu.memory_space<vmem>>
        %dma_wait3A_98 = arith.constant 0 : i32
        %dma_wait3A_99 = tpu.memref_slice %arg4[%mul3A_92, %dma_wait3A_98] : memref<500000x128xf32, #tpu.memory_space<hbm>> -> memref<64x128xf32, #tpu.memory_space<hbm>>
        %dma_wait3A_100 = tpu.memref_slice %arg8[%dma_wait3A_93] : memref<2x!tpu.dma_semaphore, #tpu.memory_space<semaphore_mem>> -> memref<1x!tpu.dma_semaphore, #tpu.memory_space<semaphore_mem>>
        %dma_wait3A_101 = tpu.memref_squeeze %dma_wait3A_100 : memref<1x!tpu.dma_semaphore, #tpu.memory_space<semaphore_mem>> -> memref<!tpu.dma_semaphore, #tpu.memory_space<semaphore_mem>>
        %dma_wait3A_102 = arith.constant 0 : i32
        %dma_wait3A_103 = tpu.memref_slice %arg4[%mul3A_92, %dma_wait3A_102] : memref<500000x128xf32, #tpu.memory_space<hbm>> -> memref<64x128xf32, #tpu.memory_space<hbm>>
        %dma_wait3A_104 = arith.constant 0 : i32
        %dma_wait3A_105 = arith.constant 0 : i32
        %dma_wait3A_106 = tpu.memref_slice %arg6[%dma_wait3A, %dma_wait3A_104, %dma_wait3A_105] : memref<2x64x128xf32, #tpu.memory_space<vmem>> -> memref<1x64x128xf32, #tpu.memory_space<vmem>>
        %dma_wait3A_107 = tpu.memref_squeeze %dma_wait3A_106 : memref<1x64x128xf32, #tpu.memory_space<vmem>> -> memref<64x128xf32, #tpu.memory_space<vmem>>
        tpu.wait_dma2 semaphore(%dma_wait3A_101 : memref<!tpu.dma_semaphore, #tpu.memory_space<semaphore_mem>>) src(%dma_wait3A_107 : memref<64x128xf32, #tpu.memory_space<vmem>>) dst(%dma_wait3A_103 : memref<64x128xf32, #tpu.memory_space<hbm>>)
      } else {
      }
      %eq3A = arith.constant 7812 : i32
      %eq3A_87 = arith.cmpi eq, %add3A_81, %eq3A : i32
      %convert_element_type3A_88 = arith.extui %eq3A_87 : i1 to i32
      %cond3A_89 = arith.constant 0 : i32
      %cond3A_90 = arith.cmpi ne, %convert_element_type3A_88, %cond3A_89 : i32
      scf.if %cond3A_90 {
        %mul3A_91 = arith.constant 64 : i32
        %mul3A_92 = arith.muli %add3A_81, %mul3A_91 : i32
        %dma_wait3A = arith.constant 0 : i32
        %dma_wait3A_93 = arith.constant 0 : i32
        %dma_wait3A_94 = arith.constant 0 : i32
        %dma_wait3A_95 = arith.constant 0 : i32
        %dma_wait3A_96 = tpu.memref_slice %arg6[%dma_wait3A, %dma_wait3A_94, %dma_wait3A_95] : memref<2x64x128xf32, #tpu.memory_space<vmem>> -> memref<1x32x128xf32, #tpu.memory_space<vmem>>
        %dma_wait3A_97 = tpu.memref_squeeze %dma_wait3A_96 : memref<1x32x128xf32, #tpu.memory_space<vmem>> -> memref<32x128xf32, #tpu.memory_space<vmem>>
        %dma_wait3A_98 = arith.constant 0 : i32
        %dma_wait3A_99 = tpu.memref_slice %arg4[%mul3A_92, %dma_wait3A_98] : memref<500000x128xf32, #tpu.memory_space<hbm>> -> memref<32x128xf32, #tpu.memory_space<hbm>>
        %dma_wait3A_100 = tpu.memref_slice %arg8[%dma_wait3A_93] : memref<2x!tpu.dma_semaphore, #tpu.memory_space<semaphore_mem>> -> memref<1x!tpu.dma_semaphore, #tpu.memory_space<semaphore_mem>>
        %dma_wait3A_101 = tpu.memref_squeeze %dma_wait3A_100 : memref<1x!tpu.dma_semaphore, #tpu.memory_space<semaphore_mem>> -> memref<!tpu.dma_semaphore, #tpu.memory_space<semaphore_mem>>
        %dma_wait3A_102 = arith.constant 0 : i32
        %dma_wait3A_103 = tpu.memref_slice %arg4[%mul3A_92, %dma_wait3A_102] : memref<500000x128xf32, #tpu.memory_space<hbm>> -> memref<32x128xf32, #tpu.memory_space<hbm>>
        %dma_wait3A_104 = arith.constant 0 : i32
        %dma_wait3A_105 = arith.constant 0 : i32
        %dma_wait3A_106 = tpu.memref_slice %arg6[%dma_wait3A, %dma_wait3A_104, %dma_wait3A_105] : memref<2x64x128xf32, #tpu.memory_space<vmem>> -> memref<1x32x128xf32, #tpu.memory_space<vmem>>
        %dma_wait3A_107 = tpu.memref_squeeze %dma_wait3A_106 : memref<1x32x128xf32, #tpu.memory_space<vmem>> -> memref<32x128xf32, #tpu.memory_space<vmem>>
        tpu.wait_dma2 semaphore(%dma_wait3A_101 : memref<!tpu.dma_semaphore, #tpu.memory_space<semaphore_mem>>) src(%dma_wait3A_107 : memref<32x128xf32, #tpu.memory_space<vmem>>) dst(%dma_wait3A_103 : memref<32x128xf32, #tpu.memory_space<hbm>>)
      } else {
      }
    } else {
    }
    return
  }
}

</mosaic_0001>

<sc_bundles>
// kernel: _transpose.3.cloned.1.call-start
scs
__scs_entry_jumppad:
0x0: {  	(pc) =	sbr.rel $0x88, $3  }
0x1: {  	(tag) =	ssettag $0x0;
	lr =	simm.s32 $0x1  }
0x2: {  	[smem:$0x3F9F] =	sst lr;
	_ =	strace $0xD0000000  }
0x3: {  	_ = 	snop  }
0x4: {  	_ = 	snop  }
0x5: {  	_ = 	snop  }
0x6: {  	_ = 	snop  }
0x7: {  	_ = 	snop  }
__scs_overlays_trampoline_lowered:
0x8: {  	[smem:$0x3FAE] =	sst s0  }
0x9: {  	[smem:$0x3FAF] =	sst s1  }
0xa: {  	[smem:$0x3FB0] =	sst s2  }
0xb: {  	[smem:$0x3FB1] =	sst s3  }
0xc: {  	[smem:$0x3FB2] =	sst s4  }
0xd: {  	[smem:$0x3FB3] =	sst s5  }
0xe: {  	[smem:$0x3FB4] =	sst s6  }
0xf: {  	[smem:$0x3FB5] =	sst s7  }
0x10: {  	[smem:$0x3FB6] =	sst s8  }
0x11: {  	[smem:$0x3FB7] =	sst s9;
	s0 =	simm.s32 @!p0 $0x0  }
0x12: {  	s1 =	sld [smem:$0x3F9D];
	s0 =	simm.s32 @p0 $0x1  }
0x13: {  	[smem:$0x3FB8] =	sst s0;
	s0 =	simm.s32 @!p1 $0x0  }
0x14: {  	s2 =	sld [smem:$0x3F9C];
	s0 =	simm.s32 @p1 $0x1  }
0x15: {  	[smem:$0x3FB9] =	sst s0;
	s0 =	simm.s32 @!p2 $0x0  }
0x16: {  	s3 =	sld [smem:$0x3FDB];
	s0 =	simm.s32 @p2 $0x1  }
0x17: {  	s4 =	simm.s32 $0x1BF5;
	[smem:$0x3FBB] =	sst s0  }
0x18: {  	s0 =	sld [smem:$0x3F9E];
	_ =	swait.ge [sflag:s4], $0x0  }
0x19: {  	s7 =	sld [smem:$0x3F9F]  }
0x1a: {  	s8 =	sadd.s32 $0xFFFFE003, lr  }
0x1b: {  	s9 =	sadd.s32 $0xFFFFFEF7, lr;
	s5 =	simm.s32 $0xFFFFFFFF;
	p2 =	slt.u32 s8, $0xFFFFF086  }
0x1c: {  	p1 =	slt.u32 s9, $0xF7A;
	s5 =	simm.s32 @!p2 $0x0  }
0x1d: {  	s5 =	simm.s32 @p1 $0x1;
	p0 =	seq.s32 s7, s2  }
0x1e: {  	s7 =	smul.u32 @!p0 $0xF7A, s2;
	p2 =	seq.s32 @!p0 s5, $0x0  }
0x1f: {  	s9 =	smul.u32 $0xF7A, s1;
	s8 =	simm.s32 @!p0 $0x1BF5;
	p2 =	por !p2, p0  }
0x20: {  	[sflag:s8] =	ssyncset.s32 @!p0 $0xFFFFF086;
	s6 =	sadd.s32 @!p0 s3, s7;
	s7 =	simm.s32 @!p0 $0x108  }
0x21: {  	s3 =	sadd.s32 s3, s9;
	s6 =	sadd.s32 @!p0 $0x88, s6;
	s7 =	simm.s32 @p2 $0x1082  }
0x22: {  	[simem:s7], [sflag:s8] =	dma.local @!p0 [hbm:s6], $0xF7A  }
0x23: {  	s9 =	sor.u32 $0xD0000000, s2;
	s6 =	simm.s32 $0x108;
	_ =	swait.ge @!p0 [sflag:s8], $0x0  }
0x24: {  	s3 =	sadd.s32 $0x88, s3;
	s6 =	simm.s32 @!p1 $0x1082;
	[sflag:s4] =	ssyncset.s32 $0xFFFFF086  }
0x25: {  	[simem:s6], [sflag:s4] =	dma.local [hbm:s3], $0xF7A  }
0x26: {  	[smem:$0x3F9F] =	sst s1;
	(tag) =	ssettag s2;
	_ =	strace s9  }
0x27: {  	s1 =	sld [smem:$0x3FAF]  }
0x28: {  	s2 =	sld [smem:$0x3FB0]  }
0x29: {  	s4 =	sld [smem:$0x3FB2]  }
0x2a: {  	p0 =	seq.s32 s5, $0x0;
	s5 =	sld [smem:$0x3FB3]  }
0x2b: {  	s6 =	sld [smem:$0x3FB4]  }
0x2c: {  	s7 =	sld [smem:$0x3FB5]  }
0x2d: {  	s3 =	simm.s32 $0x108;
	s8 =	sld [smem:$0x3FB6]  }
0x2e: {  	s3 =	simm.s32 @!p0 $0x1082;
	s9 =	sld [smem:$0x3FB7]  }
0x2f: {  	lr =	sadd.s32 s0, s3;
	s0 =	sld [smem:$0x3FAE]  }
0x30: {  	s3 =	sld [smem:$0x3FB1]  }
0x31: {  	[smem:$0x3FBA] =	sst s10  }
0x32: {  	s10 =	sld [smem:$0x3FB8];
	_ =	sdelay $0x3  }
0x33: {  	p0 =	seq.s32 s10, $0x1;
	s10 =	sld [smem:$0x3FBA];
	_ =	sdelay $0x3  }
0x34: {  	[smem:$0x3FBA] =	sst s10  }
0x35: {  	s10 =	sld [smem:$0x3FB9];
	_ =	sdelay $0x3  }
0x36: {  	p1 =	seq.s32 s10, $0x1;
	s10 =	sld [smem:$0x3FBA];
	_ =	sdelay $0x3  }
0x37: {  	[smem:$0x3FBA] =	sst s10  }
0x38: {  	s10 =	sld [smem:$0x3FBB]  }
0x39: {  	_ = 	snop;
	(pc) =	sbr.ind lr, $3  }
0x3a: {  	_ = 	snop  }
0x3b: {  	_ = 	snop  }
0x3c: {  	p2 =	seq.s32 s10, $0x1;
	s10 =	sld [smem:$0x3FBA]  }
0x3d: {  	_ =	shalt  }
0x3e: {  	_ =	shalt  }
0x3f: {  	_ =	shalt  }
0x40: {  	_ =	shalt  }
0x41: {  	_ =	shalt  }
0x42: {  	_ =	shalt  }
0x43: {  	_ =	shalt  }
0x44: {  	_ =	shalt  }
0x45: {  	_ =	shalt  }
0x46: {  	_ =	shalt  }
0x47: {  	_ =	shalt  }
0x48: {  	_ =	shalt  }
0x49: {  	_ =	shalt  }
0x4a: {  	_ =	shalt  }
0x4b: {  	_ =	shalt  }
0x4c: {  	_ =	shalt  }
0x4d: {  	_ =	shalt  }
0x4e: {  	_ =	shalt  }
0x4f: {  	_ =	shalt  }
0x50: {  	_ =	shalt  }
0x51: {  	_ =	shalt  }
0x52: {  	_ =	shalt  }
0x53: {  	_ =	shalt  }
0x54: {  	_ =	shalt  }
0x55: {  	_ =	shalt  }
0x56: {  	_ =	shalt  }
0x57: {  	_ =	shalt  }
0x58: {  	_ =	shalt  }
0x59: {  	_ =	shalt  }
0x5a: {  	_ =	shalt  }
0x5b: {  	_ =	shalt  }
0x5c: {  	_ =	shalt  }
0x5d: {  	_ =	shalt  }
0x5e: {  	_ =	shalt  }
0x5f: {  	_ =	shalt  }
0x60: {  	_ =	shalt  }
0x61: {  	_ =	shalt  }
0x62: {  	_ =	shalt  }
0x63: {  	_ =	shalt  }
0x64: {  	_ =	shalt  }
0x65: {  	_ =	shalt  }
0x66: {  	_ =	shalt  }
0x67: {  	_ =	shalt  }
0x68: {  	_ =	shalt  }
0x69: {  	_ =	shalt  }
0x6a: {  	_ =	shalt  }
0x6b: {  	_ =	shalt  }
0x6c: {  	_ =	shalt  }
0x6d: {  	_ =	shalt  }
0x6e: {  	_ =	shalt  }
0x6f: {  	_ =	shalt  }
0x70: {  	_ =	shalt  }
0x71: {  	_ =	shalt  }
0x72: {  	_ =	shalt  }
0x73: {  	_ =	shalt  }
0x74: {  	_ =	shalt  }
0x75: {  	_ =	shalt  }
0x76: {  	_ =	shalt  }
0x77: {  	_ =	shalt  }
0x78: {  	_ =	shalt  }
0x79: {  	_ =	shalt  }
0x7a: {  	_ =	shalt  }
0x7b: {  	_ =	shalt  }
0x7c: {  	_ =	shalt  }
0x7d: {  	_ =	shalt  }
0x7e: {  	_ =	shalt  }
0x7f: {  	_ =	shalt  }
0x80: {  	_ =	shalt  }
0x81: {  	_ =	shalt  }
0x82: {  	_ =	shalt  }
0x83: {  	_ =	shalt  }
0x84: {  	_ =	shalt  }
0x85: {  	_ =	shalt  }
0x86: {  	_ =	shalt  }
0x87: {  	_ =	shalt  }
.Lfunc_end0:
.L_simem_size_0:
called_computation_lowered:
.L_overlay_start_0:
0x88: {  	s2 =	sld [smem:$0x3FD9]  }
0x89: {  	s3 =	sld [smem:$0x3FFE];
	_ =	sdelay $0x1  }
0x8a: {  	s1 =	srdreg.scid  }
0x8b: {  	s0 =	sand.u32 $0x1, s1  }
0x8c: {  	s18 =	sshll.u32 s0, $0xA;
	s2 =	sadd.s32 s3, s2  }
0x8d: {  	s2 =	sadd.s32 s2, s18  }
0x8e: {  	[smem:$0x3FC6] =	sst s2  }
0x8f: {  	_ = 	snop  }
0x90: {  	s2 =	sld [smem:$0x3FC9]  }
0x91: {  	s19 =	sld [smem:$0x3FC8]  }
0x92: {  	s4 =	sld [smem:$0x3FD0];
	(tm) =	ssettm $0x1  }
0x93: {  	s5 =	sld [smem:$0x3FFB];
	_ =	sdelay $0x3  }
0x94: {  	_ =	strace s5  }
0x95: {  	s5 =	sld [smem:$0x3FFC];
	_ =	sdelay $0x3  }
0x96: {  	_ =	strace s5  }
0x97: {  	s5 =	sld [smem:$0x3FFD];
	_ =	sdelay $0x3  }
0x98: {  	_ =	strace s5  }
0x99: {  	_ =	strace $0x8FFFFFFF  }
0x9a: {  	s20 =	sld [smem:$0x3FDB];
	_ =	sdelay $0x1  }
0x9b: {  	s6 =	simm.s32 $_scs_section_size  }
0x9c: {  	s7 =	simm.s32 $_size__tile_overlayer_lowered;
	s8 =	simm.s32 $_tile_overlayer_lowered  }
0x9d: {  	s23 =	simm.s32 $0x1BFF;
	s22 =	sshll.u32 s8, $0x1;
	s5 =	sadd.s32 s6, s20  }
0x9e: {  	s9 =	simm.s32 $0x0;
	s21 =	sshll.u32 s7, $0x1;
	s7 =	sadd.s32 s22, s5  }
0x9f: {  	[timem:s9], [sflag:s23] =	dma.local [hbm:s7], s21  }
0xa0: {  	_ =	swait.ge [sflag:s23], s21  }
0xa1: {  	s6 =	ssub.s32 $0x0, s21;
	[sflag:s23] =	ssyncset.done $0x0  }
0xa2: {  	[sflag:s23] =	ssyncadd.s32 s6;
	_ =	sdelay $0x1  }
0xa3: {  	s24 =	simm.s32 $0x1B8B  }
0xa4: {  	_ =	swait.ge [sflag:s24], $0x1  }
0xa5: {  	[sflag:s24] =	ssyncset.done $0x0  }
0xa6: {  	s25 =	simm.s32 $0x1B8E;
	[sflag:s24] =	ssyncadd.s32 $0xFFFFFFFF  }
0xa7: {  	s26 =	simm.s32 $execute0_lowered;
	[smem:$0x3FD2] =	sst s25  }
0xa8: {  	s6 =	sshll.u32 s26, $0x1;
	_ =	strace $0x80000046;
	[dreg:$0x1] =	wrdreg $0xFFFFFFFF  }
0xa9: {  	s28 =	simm.s32 $_size_execute0_lowered;
	s5 =	sadd.s32 s5, s6;
	[dreg:$0x0] =	wrdreg $0x0  }
0xaa: {  	s6 =	sshll.u32 s28, $0x1;
	[dreg:$0x2] =	wrdreg s5  }
0xab: {  	[dreg:$0x3] =	wrdreg s6  }
0xac: {  	[dreg:$0x4] =	wrdreg $0xC0  }
0xad: {  	_ =	task [dreg:s9], $0x5FFFF  }
0xae: {  	[dreg:$0x1] =	wrdreg $0xFFFFFFFF  }
0xaf: {  	[dreg:$0x0] =	wrdreg $0x60  }
0xb0: {  	[dreg:$0x2] =	wrdreg s2  }
0xb1: {  	[dreg:$0x3] =	wrdreg s19  }
0xb2: {  	[dreg:$0x4] =	wrdreg s4  }
0xb3: {  	[dreg:$0x5] =	wrdreg $0x9  }
0xb4: {  	_ =	task.clear_ibuf [dreg:s9], $0x6FFFF;
	_ =	strace $0x90000046  }
0xb5: {  	s29 =	simm.s32 $0x9;
	_ =	strace $0x80000048  }
0xb6: {  	_ =	swait.ge [sflag:s29], $0x1  }
0xb7: {  	[sflag:s29] =	ssyncadd.s32 $0xFFFFFFFF  }
0xb8: {  	_ =	strace $0x90000048  }
0xb9: {  	_ =	sfence  }
0xba: {  	s30 =	sld [smem:$0x0];
	_ =	sdelay $0x2  }
0xbb: {  	s31 =	sshll.u32 s1, $0xD;
	s1 =	sshrl.u32 s1, $0x2  }
0xbc: {  	s3 =	sand.u32 $0x4000, s31;
	s1 =	sadd.s32 s1, s30  }
0xbd: {  	s0 =	sor.u32 s3, s0;
	s1 =	sshll.u32 s1, $0x11  }
0xbe: {  	s0 =	sor.u32 s1, s0  }
0xbf: {  	s0 =	sadd.s32 $0x8F2B, s0  }
0xc0: {  	[sflag:s0] =	ssyncadd.remote.s32 $0x1  }
0xc1: {  	_ =	sfence.sel $0xFFFF  }
0xc2: {  	[dreg:$0x0] =	wrdreg $0xFFFFFFFF;
	(pc) =	sbr.abs _section_cstart, $3  }
0xc3: {  	[dreg:$0x1] =	wrdreg $0xFFFFFFFF  }
0xc4: {  	_ =	task.clear_ibuf [dreg:s9], $0x2FFFF;
	_ =	strace $0x9FFFFFFF  }
0xc5: {  	(tm) =	ssettm $0x7FFFFFFF  }
tec
execute0_lowered:
.L_overlay_start_1:
0x0: {  	(tag) =	ssettag $0x1  }
0x1: {  	s1 =	rddreg [dreg:$0x0]  }
0x2: {  	s2 =	rddreg [dreg:$0x1]  }
0x3: {  	s4 =	rddreg [dreg:$0x2]  }
0x4: {  	s0 =	rddreg [dreg:$0x3];
	s6 =	srdreg.scid;
	s5 =	simm.s32 $0x0  }
0x5: {  	s3 =	stileid.u32;
	s12 =	simm.s32 $0x400;
	s13 =	simm.s32 $0x7A1400  }
0x6: {  	s14 =	simm.s32 $0x1;
	s15 =	simm.s32 $0x2000;
	s16 =	simm.s32 $0x4000  }
0x7: {  	s17 =	simm.s32 $0x2;
	s18 =	simm.s32 $0x6000;
	s19 =	simm.s32 $0x3  }
0x8: {  	s20 =	simm.s32 $0x4;
	s21 =	simm.s32 $0x0;
	s6 =	sand.u32 $0x1, s6  }
0x9: {  	v0 =	vlaneseq.u32;
	[smem:$0x7FF] =	sst s5;
	s8 =	sshll.u32 s3, $0x1;
	s7 =	ssub.s32 $0x2, s6  }
.Ltmp0:
0xa: {  	v1 =	vor.u32 $0x10, v0;
	v2 =	vor.u32 $0x20, v0;
	v3 =	vmul.u32 $0x80, v0;
	_ =	strace $0x80000047;
	s6 =	sor.u32 s6, s8;
	(pc) =	sbr.rel .LBB2_1-.Ltmp0, $4  }
0xb: {  	v4 =	vor.u32 $0x30, v0;
	v5 =	vor.u32 $0x40, v0;
	v6 =	vor.u32 $0x50, v0;
	s9 =	sshrl.u32 s7, $0x1;
	s30 =	sshll.u32 s6, $0x7;
	s31 =	sshll.u32 s6, $0xA  }
0xc: {  	v7 =	vor.u32 $0x60, v0;
	v8 =	vor.u32 $0x70, v0;
	s8 =	sor.u32 $0x40, s6;
	v9 =	vor.u32 $0x800, v3;
	p0 =	sgt.u32 s6, $0x4;
	p1 =	seq.s32 s6, $0x4  }
0xd: {  	v10 =	vor.u32 $0x1000, v3;
	v11 =	vor.u32 $0x1800, v3;
	v12 =	vor.u32 $0x1, v3;
	s11 =	ssub.s32 s7, s9;
	s7 =	sadd.s32 s1, s30;
	s10 =	sadd.s32 s31, s4  }
0xe: {  	v13 =	vor.u32 $0x801, v3;
	v14 =	vor.u32 $0x1001, v3;
	v15 =	vor.u32 $0x1801, v3;
	s9 =	sadd.s32 $0x7A1000, s4;
	s10 =	sadd.s32 $0x7A0000, s10;
	s11 =	smax.u32 s11, $0x1  }
.LBB2_11:
0xf: {  	_ =	swait.ge [sflag:s20], $0x2000  }
0x10: {  	[sflag:s20] =	ssyncset.done $0x0  }
0x11: {  	[sflag:s20] =	ssyncadd.s32 $0xFFFFE000  }
.LBB2_12:
0x12: {  	s21 =	sadd.s32 $0x1, s21  }
0x13: {  	p2 =	sne.s32 s21, s11  }
.Ltmp1:
0x14: {  	_ = 	snop;
	(pc) =	sbr.rel @!p2 .LBB2_13-.Ltmp1, $1  }
0x15: {  	_ =	sdelay $0x3  }
.LBB2_1:
0x16: {  	[tilespmem:s5], [sflag:$0x1] =	stream.strided.gather [hbm4b:s7+s12], $0x2000, s13, s12, $0x38;
	[tilespmem:$0x8000] =	vst v63  }
0x17: {  	s22 =	simm.s32 $0x0  }
.LBB2_2:
0x18: {  	s24 =	sshll.u32 s22, $0x6  }
0x19: {  	s25 =	sor.u32 s6, s24  }
0x1a: {  	_ =	swait.ge [sflag:s14], $0x2000;
	s23 =	sor.u32 $0x20, s25  }
0x1b: {  	v16 =	vlaneseq.u32;
	[sflag:s14] =	ssyncset.done $0x0;
	s26 =	sshll.u32 s23, $0x7  }
0x1c: {  	p2 =	seq.s32 s22, $0x0;
	v17 =	vmul.u32 $0x82, v16;
	[sflag:s14] =	ssyncadd.s32 $0xFFFFE000;
	s26 =	sadd.s32 s1, s26  }
0x1d: {  	[tilespmem:s15], [sflag:$0x2] =	stream.strided.gather [hbm4b:s26+s12], $0x2000, s13, s12, $0x38;
	[tilespmem:$0x8000] =	vst v63  }
0x1e: {  	v18 =	vor.u32 $0x800, v17;
	s26 =	simm.s32 @!p2 $0x3  }
0x1f: {  	v19 =	vor.u32 $0x1000, v17;
	_ =	swait.ge @!p2 [sflag:s26], $0x2000  }
0x20: {  	v20 =	vor.u32 $0x1800, v17;
	[sflag:s26] =	ssyncset.done @!p2 $0x0  }
0x21: {  	v21 =	vor.u32 $0x1, v17;
	[sflag:s26] =	ssyncadd.s32 @!p2 $0xFFFFE000  }
0x22: {  	v23 =	vor.u32 $0x801, v17;
	v22 =	vld.idx.msk [tilespmem:v17+s5+$0x0], $0xffff  }
0x23: {  	v16 =	vshll.u32 v16, $0x7;
	v24 =	vor.u32 $0x1001, v17;
	v18 =	vld.idx.msk [tilespmem:v18+s5+$0x0], $0xffff  }
0x24: {  	v25 =	vor.u32 v0, v16;
	v19 =	vld.idx.msk [tilespmem:v19+s5+$0x0], $0xffff;
	v17 =	vor.u32 $0x1801, v17  }
0x25: {  	v26 =	vor.u32 v1, v16;
	v20 =	vld.idx.msk [tilespmem:v20+s5+$0x0], $0xffff  }
0x26: {  	v27 =	vor.u32 v2, v16;
	v21 =	vld.idx.msk [tilespmem:v21+s5+$0x0], $0xffff  }
0x27: {  	v28 =	vor.u32 v4, v16;
	v23 =	vld.idx.msk [tilespmem:v23+s5+$0x0], $0xffff  }
0x28: {  	v29 =	vor.u32 v5, v16;
	s26 =	simm.s32 $0x1;
	v24 =	vld.idx.msk [tilespmem:v24+s5+$0x0], $0xffff  }
0x29: {  	v30 =	vor.u32 v6, v16;
	v17 =	vld.idx.msk [tilespmem:v17+s5+$0x0], $0xffff;
	[tilespmem:v25+s16+$0x0] =	vst.idx.msk $0xffff, v22;
	v22 =	vadd.s32 s26, v0  }
0x2a: {  	v25 =	vor.u32 v7, v16;
	[tilespmem:v26+s16+$0x0] =	vst.idx.msk $0xffff, v18;
	v18 =	vand.u32 $0x3F, v22  }
0x2b: {  	v16 =	vor.u32 v8, v16;
	[tilespmem:v27+s16+$0x0] =	vst.idx.msk $0xffff, v19;
	v19 =	vshll.u32 v18, $0x1  }
0x2c: {  	[tilespmem:v28+s16+$0x0] =	vst.idx.msk $0xffff, v20;
	v20 =	vor.u32 v12, v19  }
0x2d: {  	v22 =	vor.u32 v3, v19;
	[tilespmem:v29+s16+$0x0] =	vst.idx.msk $0xffff, v21  }
0x2e: {  	v21 =	vor.u32 v9, v19;
	[tilespmem:v30+s16+$0x0] =	vst.idx.msk $0xffff, v23  }
0x2f: {  	v23 =	vor.u32 v10, v19;
	[tilespmem:v25+s16+$0x0] =	vst.idx.msk $0xffff, v24  }
0x30: {  	v24 =	vor.u32 v13, v19;
	[tilespmem:v16+s16+$0x0] =	vst.idx.msk $0xffff, v17  }
0x31: {  	v16 =	vor.u32 v11, v19;
	v17 =	vld.idx.msk [tilespmem:v20+s5+$0x0], $0xffff  }
0x32: {  	v18 =	vshll.u32 v18, $0x7;
	v20 =	vor.u32 v14, v19;
	v22 =	vld.idx.msk [tilespmem:v22+s5+$0x0], $0xffff  }
0x33: {  	v25 =	vor.u32 v0, v18;
	v19 =	vor.u32 v15, v19;
	v21 =	vld.idx.msk [tilespmem:v21+s5+$0x0], $0xffff  }
0x34: {  	v26 =	vor.u32 v1, v18;
	v23 =	vld.idx.msk [tilespmem:v23+s5+$0x0], $0xffff  }
0x35: {  	v27 =	vor.u32 v2, v18;
	v24 =	vld.idx.msk [tilespmem:v24+s5+$0x0], $0xffff  }
0x36: {  	v60 =	vor.u32 v4, v18;
	v16 =	vld.idx.msk [tilespmem:v16+s5+$0x0], $0xffff  }
0x37: {  	s28 =	simm.s32 $0x2;
	v61 =	vor.u32 v5, v18;
	v20 =	vld.idx.msk [tilespmem:v20+s5+$0x0], $0xffff  }
0x38: {  	v19 =	vld.idx.msk [tilespmem:v19+s5+$0x0], $0xffff;
	[tilespmem:v25+s16+$0x0] =	vst.idx.msk $0xffff, v22;
	v22 =	vor.u32 v6, v18;
	v25 =	vadd.s32 s28, v0  }
0x39: {  	[tilespmem:v26+s16+$0x0] =	vst.idx.msk $0xffff, v21;
	v21 =	vor.u32 v7, v18;
	v25 =	vand.u32 $0x3F, v25  }
0x3a: {  	v18 =	vor.u32 v8, v18;
	[tilespmem:v27+s16+$0x0] =	vst.idx.msk $0xffff, v23;
	v23 =	vshll.u32 v25, $0x1  }
0x3b: {  	[tilespmem:v60+s16+$0x0] =	vst.idx.msk $0xffff, v16;
	v16 =	vor.u32 v10, v23  }
0x3c: {  	[tilespmem:v61+s16+$0x0] =	vst.idx.msk $0xffff, v17;
	v17 =	vor.u32 v9, v23  }
0x3d: {  	[tilespmem:v22+s16+$0x0] =	vst.idx.msk $0xffff, v24;
	v22 =	vor.u32 v3, v23  }
0x3e: {  	[tilespmem:v21+s16+$0x0] =	vst.idx.msk $0xffff, v20;
	v20 =	vor.u32 v11, v23  }
0x3f: {  	v21 =	vor.u32 v14, v23;
	[tilespmem:v18+s16+$0x0] =	vst.idx.msk $0xffff, v19  }
0x40: {  	v18 =	vor.u32 v12, v23;
	v16 =	vld.idx.msk [tilespmem:v16+s5+$0x0], $0xffff  }
0x41: {  	v24 =	vshll.u32 v25, $0x7;
	v19 =	vor.u32 v13, v23;
	v17 =	vld.idx.msk [tilespmem:v17+s5+$0x0], $0xffff  }
0x42: {  	v25 =	vor.u32 v0, v24;
	v23 =	vor.u32 v15, v23;
	v22 =	vld.idx.msk [tilespmem:v22+s5+$0x0], $0xffff  }
0x43: {  	v26 =	vor.u32 v1, v24;
	v20 =	vld.idx.msk [tilespmem:v20+s5+$0x0], $0xffff  }
0x44: {  	v27 =	vor.u32 v2, v24;
	v21 =	vld.idx.msk [tilespmem:v21+s5+$0x0], $0xffff  }
0x45: {  	v62 =	vor.u32 v4, v24;
	v18 =	vld.idx.msk [tilespmem:v18+s5+$0x0], $0xffff  }
0x46: {  	s28 =	simm.s32 $0x3;
	v63 =	vor.u32 v5, v24;
	v19 =	vld.idx.msk [tilespmem:v19+s5+$0x0], $0xffff  }
0x47: {  	v23 =	vld.idx.msk [tilespmem:v23+s5+$0x0], $0xffff;
	[tilespmem:v25+s16+$0x0] =	vst.idx.msk $0xffff, v22;
	v22 =	vor.u32 v6, v24;
	v25 =	vadd.s32 s28, v0  }
0x48: {  	[tilespmem:v26+s16+$0x0] =	vst.idx.msk $0xffff, v17;
	v17 =	vor.u32 v7, v24;
	v25 =	vand.u32 $0x3F, v25  }
0x49: {  	[tilespmem:v27+s16+$0x0] =	vst.idx.msk $0xffff, v16;
	v16 =	vor.u32 v8, v24;
	v24 =	vshll.u32 v25, $0x1  }
0x4a: {  	[tilespmem:v62+s16+$0x0] =	vst.idx.msk $0xffff, v20;
	v20 =	vor.u32 v10, v24  }
0x4b: {  	v26 =	vor.u32 v9, v24;
	[tilespmem:v63+s16+$0x0] =	vst.idx.msk $0xffff, v18  }
0x4c: {  	v27 =	vor.u32 v11, v24;
	[tilespmem:v22+s16+$0x0] =	vst.idx.msk $0xffff, v19  }
0x4d: {  	v22 =	vor.u32 v3, v24;
	[tilespmem:v17+s16+$0x0] =	vst.idx.msk $0xffff, v21  }
0x4e: {  	[tilespmem:v16+s16+$0x0] =	vst.idx.msk $0xffff, v23;
	v16 =	vshll.u32 v25, $0x7;
	v25 =	vor.u32 v12, v24  }
0x4f: {  	v23 =	vor.u32 v13, v24;
	v18 =	vld.idx.msk [tilespmem:v20+s5+$0x0], $0xffff  }
0x50: {  	v19 =	vld.idx.msk [tilespmem:v26+s5+$0x0], $0xffff;
	v26 =	vor.u32 v14, v24  }
0x51: {  	v24 =	vor.u32 v15, v24;
	v20 =	vld.idx.msk [tilespmem:v27+s5+$0x0], $0xffff  }
0x52: {  	s28 =	simm.s32 $0x5;
	v17 =	vor.u32 v1, v16;
	v21 =	vld.idx.msk [tilespmem:v22+s5+$0x0], $0xffff;
	v22 =	vor.u32 v0, v16  }
.LBB2_3:
0x53: {  	p3 =	slt.u32 s28, $0x3D;
	v25 =	vld.idx.msk [tilespmem:v25+s5+$0x0], $0xffff;
	s29 =	smov.u32 s28;
	s28 =	sadd.s32 $0x4, s28  }
0x54: {  	v27 =	vor.u32 v2, v16;
	v23 =	vld.idx.msk [tilespmem:v23+s5+$0x0], $0xffff  }
0x55: {  	v28 =	vor.u32 v4, v16;
	v26 =	vld.idx.msk [tilespmem:v26+s5+$0x0], $0xffff  }
0x56: {  	v29 =	vor.u32 v5, v16;
	s30 =	sadd.s32 $0x3, s26;
	s26 =	smov.u32 s29;
	v24 =	vld.idx.msk [tilespmem:v24+s5+$0x0], $0xffff  }
0x57: {  	[tilespmem:v22+s16+$0x0] =	vst.idx.msk $0xffff, v21;
	v21 =	vor.u32 v6, v16;
	v22 =	vadd.s32 s30, v0  }
0x58: {  	[tilespmem:v17+s16+$0x0] =	vst.idx.msk $0xffff, v19;
	v17 =	vor.u32 v7, v16;
	v19 =	vand.u32 $0x3F, v22  }
0x59: {  	v16 =	vor.u32 v8, v16;
	[tilespmem:v27+s16+$0x0] =	vst.idx.msk $0xffff, v18;
	v18 =	vshll.u32 v19, $0x1  }
0x5a: {  	[tilespmem:v28+s16+$0x0] =	vst.idx.msk $0xffff, v20;
	v20 =	vor.u32 v3, v18  }
0x5b: {  	v19 =	vshll.u32 v19, $0x7;
	v22 =	vor.u32 v9, v18;
	[tilespmem:v29+s16+$0x0] =	vst.idx.msk $0xffff, v25  }
0x5c: {  	v25 =	vor.u32 v0, v19;
	[tilespmem:v21+s16+$0x0] =	vst.idx.msk $0xffff, v23;
	v21 =	vor.u32 v10, v18  }
0x5d: {  	v23 =	vor.u32 v1, v19;
	[tilespmem:v17+s16+$0x0] =	vst.idx.msk $0xffff, v26;
	v17 =	vor.u32 v15, v18  }
0x5e: {  	v26 =	vor.u32 v2, v19;
	[tilespmem:v16+s16+$0x0] =	vst.idx.msk $0xffff, v24;
	v16 =	vor.u32 v12, v18  }
0x5f: {  	v27 =	vor.u32 v11, v18;
	v24 =	vor.u32 v4, v19;
	v20 =	vld.idx.msk [tilespmem:v20+s5+$0x0], $0xffff  }
0x60: {  	v28 =	vor.u32 v5, v19;
	v29 =	vor.u32 v13, v18;
	v18 =	vor.u32 v14, v18;
	v22 =	vld.idx.msk [tilespmem:v22+s5+$0x0], $0xffff  }
0x61: {  	v30 =	vor.u32 v6, v19;
	v21 =	vld.idx.msk [tilespmem:v21+s5+$0x0], $0xffff  }
0x62: {  	v31 =	vor.u32 v7, v19;
	v17 =	vld.idx.msk [tilespmem:v17+s5+$0x0], $0xffff  }
0x63: {  	v19 =	vor.u32 v8, v19;
	v16 =	vld.idx.msk [tilespmem:v16+s5+$0x0], $0xffff  }
0x64: {  	v27 =	vld.idx.msk [tilespmem:v27+s5+$0x0], $0xffff  }
0x65: {  	v18 =	vld.idx.msk [tilespmem:v18+s5+$0x0], $0xffff  }
0x66: {  	v29 =	vld.idx.msk [tilespmem:v29+s5+$0x0], $0xffff  }
0x67: {  	[tilespmem:v25+s16+$0x0] =	vst.idx.msk $0xffff, v20;
	v20 =	vadd.s32 s26, v0  }
0x68: {  	[tilespmem:v23+s16+$0x0] =	vst.idx.msk $0xffff, v22;
	v20 =	vand.u32 $0x3F, v20  }
0x69: {  	[tilespmem:v26+s16+$0x0] =	vst.idx.msk $0xffff, v21;
	v21 =	vshll.u32 v20, $0x1;
	v20 =	vshll.u32 v20, $0x7  }
0x6a: {  	[tilespmem:v24+s16+$0x0] =	vst.idx.msk $0xffff, v27;
	v22 =	vor.u32 v12, v21  }
0x6b: {  	[tilespmem:v28+s16+$0x0] =	vst.idx.msk $0xffff, v16;
	v16 =	vor.u32 v9, v21  }
0x6c: {  	v23 =	vor.u32 v3, v21;
	[tilespmem:v30+s16+$0x0] =	vst.idx.msk $0xffff, v29  }
0x6d: {  	[tilespmem:v31+s16+$0x0] =	vst.idx.msk $0xffff, v18;
	v18 =	vor.u32 v10, v21  }
0x6e: {  	[tilespmem:v19+s16+$0x0] =	vst.idx.msk $0xffff, v17;
	v17 =	vor.u32 v11, v21  }
0x6f: {  	v19 =	vld.idx.msk [tilespmem:v22+s5+$0x0], $0xffff;
	v22 =	vor.u32 v14, v21  }
0x70: {  	v24 =	vor.u32 v13, v21;
	v16 =	vld.idx.msk [tilespmem:v16+s5+$0x0], $0xffff  }
0x71: {  	v21 =	vor.u32 v15, v21;
	v23 =	vld.idx.msk [tilespmem:v23+s5+$0x0], $0xffff  }
0x72: {  	v25 =	vor.u32 v0, v20;
	v18 =	vld.idx.msk [tilespmem:v18+s5+$0x0], $0xffff  }
0x73: {  	v26 =	vor.u32 v1, v20;
	v17 =	vld.idx.msk [tilespmem:v17+s5+$0x0], $0xffff  }
0x74: {  	v27 =	vor.u32 v2, v20;
	v22 =	vld.idx.msk [tilespmem:v22+s5+$0x0], $0xffff  }
0x75: {  	v28 =	vor.u32 v4, v20;
	v24 =	vld.idx.msk [tilespmem:v24+s5+$0x0], $0xffff  }
0x76: {  	s29 =	sadd.s32 $0x1, s26;
	v29 =	vor.u32 v5, v20;
	v21 =	vld.idx.msk [tilespmem:v21+s5+$0x0], $0xffff  }
0x77: {  	[tilespmem:v25+s16+$0x0] =	vst.idx.msk $0xffff, v23;
	v23 =	vor.u32 v6, v20;
	v25 =	vadd.s32 s29, v0  }
0x78: {  	[tilespmem:v26+s16+$0x0] =	vst.idx.msk $0xffff, v16;
	v16 =	vor.u32 v7, v20;
	v25 =	vand.u32 $0x3F, v25  }
0x79: {  	[tilespmem:v27+s16+$0x0] =	vst.idx.msk $0xffff, v18;
	v18 =	vor.u32 v8, v20;
	v20 =	vshll.u32 v25, $0x1;
	v25 =	vshll.u32 v25, $0x7  }
0x7a: {  	[tilespmem:v28+s16+$0x0] =	vst.idx.msk $0xffff, v17;
	v17 =	vor.u32 v10, v20  }
0x7b: {  	[tilespmem:v29+s16+$0x0] =	vst.idx.msk $0xffff, v19;
	v19 =	vor.u32 v9, v20  }
0x7c: {  	[tilespmem:v23+s16+$0x0] =	vst.idx.msk $0xffff, v24;
	v23 =	vor.u32 v3, v20  }
0x7d: {  	[tilespmem:v16+s16+$0x0] =	vst.idx.msk $0xffff, v22;
	v16 =	vor.u32 v11, v20  }
0x7e: {  	[tilespmem:v18+s16+$0x0] =	vst.idx.msk $0xffff, v21;
	v18 =	vor.u32 v12, v20  }
0x7f: {  	v21 =	vor.u32 v13, v20;
	v17 =	vld.idx.msk [tilespmem:v17+s5+$0x0], $0xffff  }
0x80: {  	v22 =	vor.u32 v14, v20;
	v19 =	vld.idx.msk [tilespmem:v19+s5+$0x0], $0xffff  }
0x81: {  	v20 =	vor.u32 v15, v20;
	v23 =	vld.idx.msk [tilespmem:v23+s5+$0x0], $0xffff  }
0x82: {  	v24 =	vld.idx.msk [tilespmem:v16+s5+$0x0], $0xffff;
	v16 =	vor.u32 v0, v25  }
0x83: {  	v26 =	vor.u32 v1, v25;
	v18 =	vld.idx.msk [tilespmem:v18+s5+$0x0], $0xffff  }
0x84: {  	v27 =	vor.u32 v2, v25;
	v21 =	vld.idx.msk [tilespmem:v21+s5+$0x0], $0xffff  }
0x85: {  	v28 =	vor.u32 v4, v25;
	v22 =	vld.idx.msk [tilespmem:v22+s5+$0x0], $0xffff  }
0x86: {  	s29 =	sadd.s32 $0x2, s26;
	v29 =	vor.u32 v5, v25;
	v20 =	vld.idx.msk [tilespmem:v20+s5+$0x0], $0xffff  }
0x87: {  	[tilespmem:v16+s16+$0x0] =	vst.idx.msk $0xffff, v23;
	v23 =	vor.u32 v6, v25;
	v16 =	vadd.s32 s29, v0  }
0x88: {  	[tilespmem:v26+s16+$0x0] =	vst.idx.msk $0xffff, v19;
	v19 =	vor.u32 v7, v25;
	v16 =	vand.u32 $0x3F, v16  }
0x89: {  	v25 =	vor.u32 v8, v25;
	[tilespmem:v27+s16+$0x0] =	vst.idx.msk $0xffff, v17;
	v27 =	vshll.u32 v16, $0x1;
	v16 =	vshll.u32 v16, $0x7  }
0x8a: {  	[tilespmem:v28+s16+$0x0] =	vst.idx.msk $0xffff, v24;
	v24 =	vor.u32 v10, v27;
	v17 =	vor.u32 v1, v16  }
0x8b: {  	v26 =	vor.u32 v9, v27;
	[tilespmem:v29+s16+$0x0] =	vst.idx.msk $0xffff, v18  }
0x8c: {  	[tilespmem:v23+s16+$0x0] =	vst.idx.msk $0xffff, v21;
	v21 =	vor.u32 v3, v27  }
0x8d: {  	[tilespmem:v19+s16+$0x0] =	vst.idx.msk $0xffff, v22;
	v22 =	vor.u32 v11, v27  }
.Ltmp2:
0x8e: {  	[tilespmem:v25+s16+$0x0] =	vst.idx.msk $0xffff, v20;
	v25 =	vor.u32 v12, v27;
	(pc) =	sbr.rel @p3 .LBB2_3-.Ltmp2, $4  }
0x8f: {  	v23 =	vor.u32 v13, v27;
	v18 =	vld.idx.msk [tilespmem:v24+s5+$0x0], $0xffff  }
0x90: {  	v19 =	vld.idx.msk [tilespmem:v26+s5+$0x0], $0xffff;
	v26 =	vor.u32 v14, v27  }
0x91: {  	v24 =	vor.u32 v15, v27;
	v21 =	vld.idx.msk [tilespmem:v21+s5+$0x0], $0xffff  }
0x92: {  	v20 =	vld.idx.msk [tilespmem:v22+s5+$0x0], $0xffff;
	v22 =	vor.u32 v0, v16  }
0x93: {  	_ =	sdelay $0x3  }
0x94: {  	v25 =	vld.idx.msk [tilespmem:v25+s5+$0x0], $0xffff;
	v27 =	vor.u32 v2, v16  }
0x95: {  	v23 =	vld.idx.msk [tilespmem:v23+s5+$0x0], $0xffff;
	v28 =	vor.u32 v4, v16  }
0x96: {  	v26 =	vld.idx.msk [tilespmem:v26+s5+$0x0], $0xffff;
	v29 =	vor.u32 v5, v16  }
0x97: {  	v24 =	vld.idx.msk [tilespmem:v24+s5+$0x0], $0xffff;
	[tilespmem:v22+s16+$0x0] =	vst.idx.msk $0xffff, v21;
	v21 =	vor.u32 v6, v16  }
0x98: {  	[tilespmem:v17+s16+$0x0] =	vst.idx.msk $0xffff, v19;
	v17 =	vor.u32 v7, v16  }
0x99: {  	v16 =	vor.u32 v8, v16;
	[tilespmem:v27+s16+$0x0] =	vst.idx.msk $0xffff, v18  }
0x9a: {  	[tilespmem:v28+s16+$0x0] =	vst.idx.msk $0xffff, v20  }
0x9b: {  	[tilespmem:v29+s16+$0x0] =	vst.idx.msk $0xffff, v25  }
0x9c: {  	[tilespmem:v21+s16+$0x0] =	vst.idx.msk $0xffff, v23  }
0x9d: {  	[tilespmem:v17+s16+$0x0] =	vst.idx.msk $0xffff, v26  }
0x9e: {  	s24 =	sadd.s32 s8, s24;
	[tilespmem:v16+s16+$0x0] =	vst.idx.msk $0xffff, v24  }
0x9f: {  	s25 =	sshll.u32 s25, $0xA;
	p3 =	sgt.u32 s24, $0x1E84;
	_ =	sdelay $0x7ff  }
0xa0: {  	s25 =	sadd.s32 s4, s25;
	p4 =	seq.s32 @!p3 s24, $0x1E84;
	_ =	sdelay $0xaf  }
0xa1: {  	[hbm4b:s25+s5] =	stream.linear.scatter [tilespmem:s16], [sflag:$0x3], $0x2000, $0x38;
	[tilespmem:$0x8000] =	vst v63  }
0xa2: {  	p5 =	por !p4, p3;
	p3 =	por p4, p3;
	_ =	swait.ge [sflag:s17], $0x2000  }
0xa3: {  	s24 =	sshll.u32 @!p3 s24, $0x7;
	[sflag:s17] =	ssyncset.done $0x0  }
0xa4: {  	s26 =	simm.s32 @!p3 $0x7A1400;
	s25 =	simm.s32 @!p5 $0x0;
	[sflag:s17] =	ssyncadd.s32 $0xFFFFE000  }
0xa5: {  	v16 =	vlaneseq.u32;
	[tilespmem:s25], [sflag:$0x1] =	stream.linear.gather @!p5 [hbm4b:s2+s25], $0x2000, $0x38;
	[tilespmem:$0x8000] =	vst v63  }
0xa6: {  	s28 =	simm.s32 @!p3 $0x0;
	s24 =	sadd.s32 @!p3 s1, s24;
	v17 =	vmul.u32 $0x82, v16;
	s25 =	simm.s32 @!p3 $0x400  }
0xa7: {  	[tilespmem:s28], [sflag:$0x1] =	stream.strided.gather @!p3 [hbm4b:s24+s25], $0x2000, s26, s25, $0x38;
	[tilespmem:$0x8000] =	vst v63  }
0xa8: {  	v18 =	vor.u32 $0x800, v17;
	s24 =	simm.s32 @!p2 $0x4  }
0xa9: {  	v19 =	vor.u32 $0x1000, v17;
	_ =	swait.ge @!p2 [sflag:s24], $0x2000  }
0xaa: {  	v20 =	vor.u32 $0x1800, v17;
	[sflag:s24] =	ssyncset.done @!p2 $0x0  }
0xab: {  	v21 =	vor.u32 $0x1, v17;
	[sflag:s24] =	ssyncadd.s32 @!p2 $0xFFFFE000  }
0xac: {  	v23 =	vor.u32 $0x801, v17;
	v22 =	vld.idx.msk [tilespmem:v17+s15+$0x0], $0xffff  }
0xad: {  	v16 =	vshll.u32 v16, $0x7;
	v24 =	vor.u32 $0x1001, v17;
	v18 =	vld.idx.msk [tilespmem:v18+s15+$0x0], $0xffff  }
0xae: {  	v25 =	vor.u32 v0, v16;
	v19 =	vld.idx.msk [tilespmem:v19+s15+$0x0], $0xffff;
	v17 =	vor.u32 $0x1801, v17  }
0xaf: {  	v26 =	vor.u32 v1, v16;
	v20 =	vld.idx.msk [tilespmem:v20+s15+$0x0], $0xffff  }
0xb0: {  	v27 =	vor.u32 v2, v16;
	v21 =	vld.idx.msk [tilespmem:v21+s15+$0x0], $0xffff  }
0xb1: {  	v58 =	vor.u32 v4, v16;
	v23 =	vld.idx.msk [tilespmem:v23+s15+$0x0], $0xffff  }
0xb2: {  	v59 =	vor.u32 v5, v16;
	s24 =	simm.s32 $0x1;
	v24 =	vld.idx.msk [tilespmem:v24+s15+$0x0], $0xffff  }
0xb3: {  	v30 =	vor.u32 v6, v16;
	v17 =	vld.idx.msk [tilespmem:v17+s15+$0x0], $0xffff;
	[tilespmem:v25+s18+$0x0] =	vst.idx.msk $0xffff, v22;
	v22 =	vadd.s32 s24, v0  }
0xb4: {  	v25 =	vor.u32 v7, v16;
	[tilespmem:v26+s18+$0x0] =	vst.idx.msk $0xffff, v18;
	v18 =	vand.u32 $0x3F, v22  }
0xb5: {  	v16 =	vor.u32 v8, v16;
	[tilespmem:v27+s18+$0x0] =	vst.idx.msk $0xffff, v19;
	v19 =	vshll.u32 v18, $0x1  }
0xb6: {  	[tilespmem:v58+s18+$0x0] =	vst.idx.msk $0xffff, v20;
	v20 =	vor.u32 v12, v19  }
0xb7: {  	v22 =	vor.u32 v3, v19;
	[tilespmem:v59+s18+$0x0] =	vst.idx.msk $0xffff, v21  }
0xb8: {  	v21 =	vor.u32 v9, v19;
	[tilespmem:v30+s18+$0x0] =	vst.idx.msk $0xffff, v23  }
0xb9: {  	v23 =	vor.u32 v10, v19;
	[tilespmem:v25+s18+$0x0] =	vst.idx.msk $0xffff, v24  }
0xba: {  	v24 =	vor.u32 v13, v19;
	[tilespmem:v16+s18+$0x0] =	vst.idx.msk $0xffff, v17  }
0xbb: {  	v16 =	vor.u32 v11, v19;
	v17 =	vld.idx.msk [tilespmem:v20+s15+$0x0], $0xffff  }
0xbc: {  	v18 =	vshll.u32 v18, $0x7;
	v20 =	vor.u32 v14, v19;
	v22 =	vld.idx.msk [tilespmem:v22+s15+$0x0], $0xffff  }
0xbd: {  	v25 =	vor.u32 v0, v18;
	v19 =	vor.u32 v15, v19;
	v21 =	vld.idx.msk [tilespmem:v21+s15+$0x0], $0xffff  }
0xbe: {  	v26 =	vor.u32 v1, v18;
	v23 =	vld.idx.msk [tilespmem:v23+s15+$0x0], $0xffff  }
0xbf: {  	v27 =	vor.u32 v2, v18;
	v24 =	vld.idx.msk [tilespmem:v24+s15+$0x0], $0xffff  }
0xc0: {  	v60 =	vor.u32 v4, v18;
	v16 =	vld.idx.msk [tilespmem:v16+s15+$0x0], $0xffff  }
0xc1: {  	s30 =	simm.s32 $0x2;
	v61 =	vor.u32 v5, v18;
	v20 =	vld.idx.msk [tilespmem:v20+s15+$0x0], $0xffff  }
0xc2: {  	v19 =	vld.idx.msk [tilespmem:v19+s15+$0x0], $0xffff;
	[tilespmem:v25+s18+$0x0] =	vst.idx.msk $0xffff, v22;
	v22 =	vor.u32 v6, v18;
	v25 =	vadd.s32 s30, v0  }
0xc3: {  	[tilespmem:v26+s18+$0x0] =	vst.idx.msk $0xffff, v21;
	v21 =	vor.u32 v7, v18;
	v25 =	vand.u32 $0x3F, v25  }
0xc4: {  	v18 =	vor.u32 v8, v18;
	[tilespmem:v27+s18+$0x0] =	vst.idx.msk $0xffff, v23;
	v23 =	vshll.u32 v25, $0x1  }
0xc5: {  	[tilespmem:v60+s18+$0x0] =	vst.idx.msk $0xffff, v16;
	v16 =	vor.u32 v10, v23  }
0xc6: {  	[tilespmem:v61+s18+$0x0] =	vst.idx.msk $0xffff, v17;
	v17 =	vor.u32 v9, v23  }
0xc7: {  	[tilespmem:v22+s18+$0x0] =	vst.idx.msk $0xffff, v24;
	v22 =	vor.u32 v3, v23  }
0xc8: {  	[tilespmem:v21+s18+$0x0] =	vst.idx.msk $0xffff, v20;
	v20 =	vor.u32 v11, v23  }
0xc9: {  	v21 =	vor.u32 v14, v23;
	[tilespmem:v18+s18+$0x0] =	vst.idx.msk $0xffff, v19  }
0xca: {  	v18 =	vor.u32 v12, v23;
	v16 =	vld.idx.msk [tilespmem:v16+s15+$0x0], $0xffff  }
0xcb: {  	v24 =	vshll.u32 v25, $0x7;
	v19 =	vor.u32 v13, v23;
	v17 =	vld.idx.msk [tilespmem:v17+s15+$0x0], $0xffff  }
0xcc: {  	v25 =	vor.u32 v0, v24;
	v23 =	vor.u32 v15, v23;
	v22 =	vld.idx.msk [tilespmem:v22+s15+$0x0], $0xffff  }
0xcd: {  	v26 =	vor.u32 v1, v24;
	v20 =	vld.idx.msk [tilespmem:v20+s15+$0x0], $0xffff  }
0xce: {  	v27 =	vor.u32 v2, v24;
	v21 =	vld.idx.msk [tilespmem:v21+s15+$0x0], $0xffff  }
0xcf: {  	v62 =	vor.u32 v4, v24;
	v18 =	vld.idx.msk [tilespmem:v18+s15+$0x0], $0xffff  }
0xd0: {  	s31 =	simm.s32 $0x3;
	v63 =	vor.u32 v5, v24;
	v19 =	vld.idx.msk [tilespmem:v19+s15+$0x0], $0xffff  }
0xd1: {  	v23 =	vld.idx.msk [tilespmem:v23+s15+$0x0], $0xffff;
	[tilespmem:v25+s18+$0x0] =	vst.idx.msk $0xffff, v22;
	v22 =	vor.u32 v6, v24;
	v25 =	vadd.s32 s31, v0  }
0xd2: {  	[tilespmem:v26+s18+$0x0] =	vst.idx.msk $0xffff, v17;
	v17 =	vor.u32 v7, v24;
	v25 =	vand.u32 $0x3F, v25  }
0xd3: {  	[tilespmem:v27+s18+$0x0] =	vst.idx.msk $0xffff, v16;
	v16 =	vor.u32 v8, v24;
	v24 =	vshll.u32 v25, $0x1  }
0xd4: {  	[tilespmem:v62+s18+$0x0] =	vst.idx.msk $0xffff, v20;
	v20 =	vor.u32 v10, v24  }
0xd5: {  	v26 =	vor.u32 v9, v24;
	[tilespmem:v63+s18+$0x0] =	vst.idx.msk $0xffff, v18  }
0xd6: {  	v27 =	vor.u32 v11, v24;
	[tilespmem:v22+s18+$0x0] =	vst.idx.msk $0xffff, v19  }
0xd7: {  	v22 =	vor.u32 v3, v24;
	[tilespmem:v17+s18+$0x0] =	vst.idx.msk $0xffff, v21  }
0xd8: {  	[tilespmem:v16+s18+$0x0] =	vst.idx.msk $0xffff, v23;
	v16 =	vshll.u32 v25, $0x7;
	v25 =	vor.u32 v12, v24  }
0xd9: {  	v23 =	vor.u32 v13, v24;
	v18 =	vld.idx.msk [tilespmem:v20+s15+$0x0], $0xffff  }
0xda: {  	v19 =	vld.idx.msk [tilespmem:v26+s15+$0x0], $0xffff;
	v26 =	vor.u32 v14, v24  }
0xdb: {  	v24 =	vor.u32 v15, v24;
	v20 =	vld.idx.msk [tilespmem:v27+s15+$0x0], $0xffff  }
0xdc: {  	s25 =	simm.s32 $0x5;
	v17 =	vor.u32 v1, v16;
	v21 =	vld.idx.msk [tilespmem:v22+s15+$0x0], $0xffff;
	v22 =	vor.u32 v0, v16  }
.LBB2_5:
0xdd: {  	p2 =	slt.u32 s25, $0x3D;
	v25 =	vld.idx.msk [tilespmem:v25+s15+$0x0], $0xffff;
	s26 =	smov.u32 s25;
	s25 =	sadd.s32 $0x4, s25  }
0xde: {  	v27 =	vor.u32 v2, v16;
	v23 =	vld.idx.msk [tilespmem:v23+s15+$0x0], $0xffff  }
0xdf: {  	v28 =	vor.u32 v4, v16;
	v26 =	vld.idx.msk [tilespmem:v26+s15+$0x0], $0xffff  }
0xe0: {  	v29 =	vor.u32 v5, v16;
	s28 =	sadd.s32 $0x3, s24;
	s24 =	smov.u32 s26;
	v24 =	vld.idx.msk [tilespmem:v24+s15+$0x0], $0xffff  }
0xe1: {  	[tilespmem:v22+s18+$0x0] =	vst.idx.msk $0xffff, v21;
	v21 =	vor.u32 v6, v16;
	v22 =	vadd.s32 s28, v0  }
0xe2: {  	[tilespmem:v17+s18+$0x0] =	vst.idx.msk $0xffff, v19;
	v17 =	vor.u32 v7, v16;
	v19 =	vand.u32 $0x3F, v22  }
0xe3: {  	v16 =	vor.u32 v8, v16;
	[tilespmem:v27+s18+$0x0] =	vst.idx.msk $0xffff, v18;
	v18 =	vshll.u32 v19, $0x1  }
0xe4: {  	[tilespmem:v28+s18+$0x0] =	vst.idx.msk $0xffff, v20;
	v20 =	vor.u32 v3, v18  }
0xe5: {  	v19 =	vshll.u32 v19, $0x7;
	v22 =	vor.u32 v9, v18;
	[tilespmem:v29+s18+$0x0] =	vst.idx.msk $0xffff, v25  }
0xe6: {  	v25 =	vor.u32 v0, v19;
	[tilespmem:v21+s18+$0x0] =	vst.idx.msk $0xffff, v23;
	v21 =	vor.u32 v10, v18  }
0xe7: {  	v23 =	vor.u32 v1, v19;
	[tilespmem:v17+s18+$0x0] =	vst.idx.msk $0xffff, v26;
	v17 =	vor.u32 v15, v18  }
0xe8: {  	v26 =	vor.u32 v2, v19;
	[tilespmem:v16+s18+$0x0] =	vst.idx.msk $0xffff, v24;
	v16 =	vor.u32 v12, v18  }
0xe9: {  	v27 =	vor.u32 v11, v18;
	v24 =	vor.u32 v4, v19;
	v20 =	vld.idx.msk [tilespmem:v20+s15+$0x0], $0xffff  }
0xea: {  	v28 =	vor.u32 v5, v19;
	v29 =	vor.u32 v13, v18;
	v18 =	vor.u32 v14, v18;
	v22 =	vld.idx.msk [tilespmem:v22+s15+$0x0], $0xffff  }
0xeb: {  	v30 =	vor.u32 v6, v19;
	v21 =	vld.idx.msk [tilespmem:v21+s15+$0x0], $0xffff  }
0xec: {  	v31 =	vor.u32 v7, v19;
	v17 =	vld.idx.msk [tilespmem:v17+s15+$0x0], $0xffff  }
0xed: {  	v19 =	vor.u32 v8, v19;
	v16 =	vld.idx.msk [tilespmem:v16+s15+$0x0], $0xffff  }
0xee: {  	v27 =	vld.idx.msk [tilespmem:v27+s15+$0x0], $0xffff  }
0xef: {  	v18 =	vld.idx.msk [tilespmem:v18+s15+$0x0], $0xffff  }
0xf0: {  	v29 =	vld.idx.msk [tilespmem:v29+s15+$0x0], $0xffff  }
0xf1: {  	[tilespmem:v25+s18+$0x0] =	vst.idx.msk $0xffff, v20;
	v20 =	vadd.s32 s24, v0  }
0xf2: {  	[tilespmem:v23+s18+$0x0] =	vst.idx.msk $0xffff, v22;
	v20 =	vand.u32 $0x3F, v20  }
0xf3: {  	[tilespmem:v26+s18+$0x0] =	vst.idx.msk $0xffff, v21;
	v21 =	vshll.u32 v20, $0x1;
	v20 =	vshll.u32 v20, $0x7  }
0xf4: {  	[tilespmem:v24+s18+$0x0] =	vst.idx.msk $0xffff, v27;
	v22 =	vor.u32 v12, v21  }
0xf5: {  	[tilespmem:v28+s18+$0x0] =	vst.idx.msk $0xffff, v16;
	v16 =	vor.u32 v9, v21  }
0xf6: {  	v23 =	vor.u32 v3, v21;
	[tilespmem:v30+s18+$0x0] =	vst.idx.msk $0xffff, v29  }
0xf7: {  	[tilespmem:v31+s18+$0x0] =	vst.idx.msk $0xffff, v18;
	v18 =	vor.u32 v10, v21  }
0xf8: {  	[tilespmem:v19+s18+$0x0] =	vst.idx.msk $0xffff, v17;
	v17 =	vor.u32 v11, v21  }
0xf9: {  	v19 =	vld.idx.msk [tilespmem:v22+s15+$0x0], $0xffff;
	v22 =	vor.u32 v14, v21  }
0xfa: {  	v24 =	vor.u32 v13, v21;
	v16 =	vld.idx.msk [tilespmem:v16+s15+$0x0], $0xffff  }
0xfb: {  	v21 =	vor.u32 v15, v21;
	v23 =	vld.idx.msk [tilespmem:v23+s15+$0x0], $0xffff  }
0xfc: {  	v25 =	vor.u32 v0, v20;
	v18 =	vld.idx.msk [tilespmem:v18+s15+$0x0], $0xffff  }
0xfd: {  	v26 =	vor.u32 v1, v20;
	v17 =	vld.idx.msk [tilespmem:v17+s15+$0x0], $0xffff  }
0xfe: {  	v27 =	vor.u32 v2, v20;
	v22 =	vld.idx.msk [tilespmem:v22+s15+$0x0], $0xffff  }
0xff: {  	v28 =	vor.u32 v4, v20;
	v24 =	vld.idx.msk [tilespmem:v24+s15+$0x0], $0xffff  }
0x100: {  	s26 =	sadd.s32 $0x1, s24;
	v29 =	vor.u32 v5, v20;
	v21 =	vld.idx.msk [tilespmem:v21+s15+$0x0], $0xffff  }
0x101: {  	[tilespmem:v25+s18+$0x0] =	vst.idx.msk $0xffff, v23;
	v23 =	vor.u32 v6, v20;
	v25 =	vadd.s32 s26, v0  }
0x102: {  	[tilespmem:v26+s18+$0x0] =	vst.idx.msk $0xffff, v16;
	v16 =	vor.u32 v7, v20;
	v25 =	vand.u32 $0x3F, v25  }
0x103: {  	[tilespmem:v27+s18+$0x0] =	vst.idx.msk $0xffff, v18;
	v18 =	vor.u32 v8, v20;
	v20 =	vshll.u32 v25, $0x1;
	v25 =	vshll.u32 v25, $0x7  }
0x104: {  	[tilespmem:v28+s18+$0x0] =	vst.idx.msk $0xffff, v17;
	v17 =	vor.u32 v10, v20  }
0x105: {  	[tilespmem:v29+s18+$0x0] =	vst.idx.msk $0xffff, v19;
	v19 =	vor.u32 v9, v20  }
0x106: {  	[tilespmem:v23+s18+$0x0] =	vst.idx.msk $0xffff, v24;
	v23 =	vor.u32 v3, v20  }
0x107: {  	[tilespmem:v16+s18+$0x0] =	vst.idx.msk $0xffff, v22;
	v16 =	vor.u32 v11, v20  }
0x108: {  	[tilespmem:v18+s18+$0x0] =	vst.idx.msk $0xffff, v21;
	v18 =	vor.u32 v12, v20  }
0x109: {  	v21 =	vor.u32 v13, v20;
	v17 =	vld.idx.msk [tilespmem:v17+s15+$0x0], $0xffff  }
0x10a: {  	v22 =	vor.u32 v14, v20;
	v19 =	vld.idx.msk [tilespmem:v19+s15+$0x0], $0xffff  }
0x10b: {  	v20 =	vor.u32 v15, v20;
	v23 =	vld.idx.msk [tilespmem:v23+s15+$0x0], $0xffff  }
0x10c: {  	v24 =	vld.idx.msk [tilespmem:v16+s15+$0x0], $0xffff;
	v16 =	vor.u32 v0, v25  }
0x10d: {  	v26 =	vor.u32 v1, v25;
	v18 =	vld.idx.msk [tilespmem:v18+s15+$0x0], $0xffff  }
0x10e: {  	v27 =	vor.u32 v2, v25;
	v21 =	vld.idx.msk [tilespmem:v21+s15+$0x0], $0xffff  }
0x10f: {  	v28 =	vor.u32 v4, v25;
	v22 =	vld.idx.msk [tilespmem:v22+s15+$0x0], $0xffff  }
0x110: {  	s26 =	sadd.s32 $0x2, s24;
	v29 =	vor.u32 v5, v25;
	v20 =	vld.idx.msk [tilespmem:v20+s15+$0x0], $0xffff  }
0x111: {  	[tilespmem:v16+s18+$0x0] =	vst.idx.msk $0xffff, v23;
	v23 =	vor.u32 v6, v25;
	v16 =	vadd.s32 s26, v0  }
0x112: {  	[tilespmem:v26+s18+$0x0] =	vst.idx.msk $0xffff, v19;
	v19 =	vor.u32 v7, v25;
	v16 =	vand.u32 $0x3F, v16  }
0x113: {  	v25 =	vor.u32 v8, v25;
	[tilespmem:v27+s18+$0x0] =	vst.idx.msk $0xffff, v17;
	v27 =	vshll.u32 v16, $0x1;
	v16 =	vshll.u32 v16, $0x7  }
0x114: {  	[tilespmem:v28+s18+$0x0] =	vst.idx.msk $0xffff, v24;
	v24 =	vor.u32 v10, v27;
	v17 =	vor.u32 v1, v16  }
0x115: {  	v26 =	vor.u32 v9, v27;
	[tilespmem:v29+s18+$0x0] =	vst.idx.msk $0xffff, v18  }
0x116: {  	[tilespmem:v23+s18+$0x0] =	vst.idx.msk $0xffff, v21;
	v21 =	vor.u32 v3, v27  }
0x117: {  	[tilespmem:v19+s18+$0x0] =	vst.idx.msk $0xffff, v22;
	v22 =	vor.u32 v11, v27  }
.Ltmp3:
0x118: {  	[tilespmem:v25+s18+$0x0] =	vst.idx.msk $0xffff, v20;
	v25 =	vor.u32 v12, v27;
	(pc) =	sbr.rel @p2 .LBB2_5-.Ltmp3, $4  }
0x119: {  	v23 =	vor.u32 v13, v27;
	v18 =	vld.idx.msk [tilespmem:v24+s15+$0x0], $0xffff  }
0x11a: {  	v19 =	vld.idx.msk [tilespmem:v26+s15+$0x0], $0xffff;
	v26 =	vor.u32 v14, v27  }
0x11b: {  	v24 =	vor.u32 v15, v27;
	v21 =	vld.idx.msk [tilespmem:v21+s15+$0x0], $0xffff  }
0x11c: {  	v20 =	vld.idx.msk [tilespmem:v22+s15+$0x0], $0xffff;
	v22 =	vor.u32 v0, v16  }
0x11d: {  	_ =	sdelay $0x3  }
0x11e: {  	v25 =	vld.idx.msk [tilespmem:v25+s15+$0x0], $0xffff;
	v27 =	vor.u32 v2, v16  }
0x11f: {  	v23 =	vld.idx.msk [tilespmem:v23+s15+$0x0], $0xffff;
	v28 =	vor.u32 v4, v16  }
0x120: {  	v26 =	vld.idx.msk [tilespmem:v26+s15+$0x0], $0xffff;
	v29 =	vor.u32 v5, v16  }
0x121: {  	v24 =	vld.idx.msk [tilespmem:v24+s15+$0x0], $0xffff;
	v63 =	vor.u32 v6, v16;
	[tilespmem:v22+s18+$0x0] =	vst.idx.msk $0xffff, v21  }
0x122: {  	[tilespmem:v17+s18+$0x0] =	vst.idx.msk $0xffff, v19;
	v17 =	vor.u32 v7, v16  }
0x123: {  	v16 =	vor.u32 v8, v16;
	[tilespmem:v27+s18+$0x0] =	vst.idx.msk $0xffff, v18  }
0x124: {  	[tilespmem:v28+s18+$0x0] =	vst.idx.msk $0xffff, v20  }
0x125: {  	s22 =	sadd.s32 $0x1, s22;
	[tilespmem:v29+s18+$0x0] =	vst.idx.msk $0xffff, v25  }
0x126: {  	p2 =	sne.s32 s22, $0x7A;
	[tilespmem:v63+s18+$0x0] =	vst.idx.msk $0xffff, v23  }
.Ltmp4:
0x127: {  	[tilespmem:v17+s18+$0x0] =	vst.idx.msk $0xffff, v26;
	(pc) =	sbr.rel @p2 .LBB2_2-.Ltmp4, $4  }
0x128: {  	[tilespmem:v16+s18+$0x0] =	vst.idx.msk $0xffff, v24  }
0x129: {  	s23 =	sshll.u32 s23, $0xA;
	_ =	sdelay $0x7ff  }
0x12a: {  	s23 =	sadd.s32 s4, s23;
	_ =	sdelay $0xaf  }
0x12b: {  	[hbm4b:s23+s5] =	stream.linear.scatter [tilespmem:s18], [sflag:$0x4], $0x2000, $0x38;
	[tilespmem:$0x8000] =	vst v63  }
.Ltmp5:
0x12c: {  	(pc) =	sbr.rel @p0 .LBB2_11-.Ltmp5, $1  }
0x12d: {  	_ =	sdelay $0x3  }
0x12e: {  	s22 =	simm.s32 $0x1;
	v16 =	vlaneseq.u32  }
0x12f: {  	_ =	swait.ge [sflag:s22], $0x2000;
	v17 =	vmul.u32 $0x82, v16  }
0x130: {  	[sflag:s22] =	ssyncset.done $0x0  }
0x131: {  	[sflag:s22] =	ssyncadd.s32 $0xFFFFE000;
	v18 =	vor.u32 $0x800, v17  }
0x132: {  	v19 =	vor.u32 $0x1000, v17;
	_ =	swait.ge [sflag:s19], $0x2000  }
0x133: {  	v20 =	vor.u32 $0x1800, v17;
	[sflag:s19] =	ssyncset.done $0x0  }
0x134: {  	v21 =	vor.u32 $0x1, v17;
	[sflag:s19] =	ssyncadd.s32 $0xFFFFE000  }
0x135: {  	v23 =	vor.u32 $0x801, v17;
	v22 =	vld.idx.msk [tilespmem:v17+s5+$0x0], $0xffff  }
0x136: {  	v16 =	vshll.u32 v16, $0x7;
	v24 =	vor.u32 $0x1001, v17;
	v18 =	vld.idx.msk [tilespmem:v18+s5+$0x0], $0xffff  }
0x137: {  	v25 =	vor.u32 v0, v16;
	v17 =	vor.u32 $0x1801, v17;
	v19 =	vld.idx.msk [tilespmem:v19+s5+$0x0], $0xffff  }
0x138: {  	v26 =	vor.u32 v1, v16;
	v20 =	vld.idx.msk [tilespmem:v20+s5+$0x0], $0xffff  }
0x139: {  	v27 =	vor.u32 v2, v16;
	v21 =	vld.idx.msk [tilespmem:v21+s5+$0x0], $0xffff  }
0x13a: {  	v28 =	vor.u32 v4, v16;
	v23 =	vld.idx.msk [tilespmem:v23+s5+$0x0], $0xffff  }
0x13b: {  	v29 =	vor.u32 v5, v16;
	v24 =	vld.idx.msk [tilespmem:v24+s5+$0x0], $0xffff  }
0x13c: {  	v30 =	vor.u32 v6, v16;
	v17 =	vld.idx.msk [tilespmem:v17+s5+$0x0], $0xffff;
	[tilespmem:v25+s16+$0x0] =	vst.idx.msk $0xffff, v22;
	v22 =	vadd.s32 s22, v0  }
0x13d: {  	v25 =	vor.u32 v7, v16;
	[tilespmem:v26+s16+$0x0] =	vst.idx.msk $0xffff, v18;
	v18 =	vand.u32 $0x3F, v22  }
0x13e: {  	v16 =	vor.u32 v8, v16;
	[tilespmem:v27+s16+$0x0] =	vst.idx.msk $0xffff, v19;
	v19 =	vshll.u32 v18, $0x1  }
0x13f: {  	[tilespmem:v28+s16+$0x0] =	vst.idx.msk $0xffff, v20;
	v20 =	vor.u32 v12, v19  }
0x140: {  	v22 =	vor.u32 v3, v19;
	[tilespmem:v29+s16+$0x0] =	vst.idx.msk $0xffff, v21  }
0x141: {  	v21 =	vor.u32 v9, v19;
	[tilespmem:v30+s16+$0x0] =	vst.idx.msk $0xffff, v23  }
0x142: {  	v23 =	vor.u32 v10, v19;
	[tilespmem:v25+s16+$0x0] =	vst.idx.msk $0xffff, v24  }
0x143: {  	v24 =	vor.u32 v13, v19;
	[tilespmem:v16+s16+$0x0] =	vst.idx.msk $0xffff, v17  }
0x144: {  	v16 =	vor.u32 v11, v19;
	v17 =	vld.idx.msk [tilespmem:v20+s5+$0x0], $0xffff  }
0x145: {  	v18 =	vshll.u32 v18, $0x7;
	v20 =	vor.u32 v14, v19;
	v22 =	vld.idx.msk [tilespmem:v22+s5+$0x0], $0xffff  }
0x146: {  	v25 =	vor.u32 v0, v18;
	v19 =	vor.u32 v15, v19;
	v21 =	vld.idx.msk [tilespmem:v21+s5+$0x0], $0xffff  }
0x147: {  	v26 =	vor.u32 v1, v18;
	v23 =	vld.idx.msk [tilespmem:v23+s5+$0x0], $0xffff  }
0x148: {  	v27 =	vor.u32 v2, v18;
	v24 =	vld.idx.msk [tilespmem:v24+s5+$0x0], $0xffff  }
0x149: {  	v60 =	vor.u32 v4, v18;
	v16 =	vld.idx.msk [tilespmem:v16+s5+$0x0], $0xffff  }
0x14a: {  	s23 =	simm.s32 $0x2;
	v61 =	vor.u32 v5, v18;
	v20 =	vld.idx.msk [tilespmem:v20+s5+$0x0], $0xffff  }
0x14b: {  	v19 =	vld.idx.msk [tilespmem:v19+s5+$0x0], $0xffff;
	[tilespmem:v25+s16+$0x0] =	vst.idx.msk $0xffff, v22;
	v22 =	vor.u32 v6, v18;
	v25 =	vadd.s32 s23, v0  }
0x14c: {  	[tilespmem:v26+s16+$0x0] =	vst.idx.msk $0xffff, v21;
	v21 =	vor.u32 v7, v18;
	v25 =	vand.u32 $0x3F, v25  }
0x14d: {  	v18 =	vor.u32 v8, v18;
	[tilespmem:v27+s16+$0x0] =	vst.idx.msk $0xffff, v23;
	v23 =	vshll.u32 v25, $0x1  }
0x14e: {  	[tilespmem:v60+s16+$0x0] =	vst.idx.msk $0xffff, v16;
	v16 =	vor.u32 v10, v23  }
0x14f: {  	[tilespmem:v61+s16+$0x0] =	vst.idx.msk $0xffff, v17;
	v17 =	vor.u32 v9, v23  }
0x150: {  	[tilespmem:v22+s16+$0x0] =	vst.idx.msk $0xffff, v24;
	v22 =	vor.u32 v3, v23  }
0x151: {  	[tilespmem:v21+s16+$0x0] =	vst.idx.msk $0xffff, v20;
	v20 =	vor.u32 v11, v23  }
0x152: {  	v21 =	vor.u32 v14, v23;
	[tilespmem:v18+s16+$0x0] =	vst.idx.msk $0xffff, v19  }
0x153: {  	v18 =	vor.u32 v12, v23;
	v16 =	vld.idx.msk [tilespmem:v16+s5+$0x0], $0xffff  }
0x154: {  	v24 =	vshll.u32 v25, $0x7;
	v19 =	vor.u32 v13, v23;
	v17 =	vld.idx.msk [tilespmem:v17+s5+$0x0], $0xffff  }
0x155: {  	v25 =	vor.u32 v0, v24;
	v23 =	vor.u32 v15, v23;
	v22 =	vld.idx.msk [tilespmem:v22+s5+$0x0], $0xffff  }
0x156: {  	v26 =	vor.u32 v1, v24;
	v20 =	vld.idx.msk [tilespmem:v20+s5+$0x0], $0xffff  }
0x157: {  	v27 =	vor.u32 v2, v24;
	v21 =	vld.idx.msk [tilespmem:v21+s5+$0x0], $0xffff  }
0x158: {  	v62 =	vor.u32 v4, v24;
	v18 =	vld.idx.msk [tilespmem:v18+s5+$0x0], $0xffff  }
0x159: {  	s31 =	simm.s32 $0x3;
	v63 =	vor.u32 v5, v24;
	v19 =	vld.idx.msk [tilespmem:v19+s5+$0x0], $0xffff  }
0x15a: {  	v23 =	vld.idx.msk [tilespmem:v23+s5+$0x0], $0xffff;
	[tilespmem:v25+s16+$0x0] =	vst.idx.msk $0xffff, v22;
	v22 =	vor.u32 v6, v24;
	v25 =	vadd.s32 s31, v0  }
0x15b: {  	[tilespmem:v26+s16+$0x0] =	vst.idx.msk $0xffff, v17;
	v17 =	vor.u32 v7, v24;
	v25 =	vand.u32 $0x3F, v25  }
0x15c: {  	[tilespmem:v27+s16+$0x0] =	vst.idx.msk $0xffff, v16;
	v16 =	vor.u32 v8, v24;
	v24 =	vshll.u32 v25, $0x1  }
0x15d: {  	[tilespmem:v62+s16+$0x0] =	vst.idx.msk $0xffff, v20;
	v20 =	vor.u32 v10, v24  }
0x15e: {  	v26 =	vor.u32 v9, v24;
	[tilespmem:v63+s16+$0x0] =	vst.idx.msk $0xffff, v18  }
0x15f: {  	v27 =	vor.u32 v11, v24;
	[tilespmem:v22+s16+$0x0] =	vst.idx.msk $0xffff, v19  }
0x160: {  	v22 =	vor.u32 v3, v24;
	[tilespmem:v17+s16+$0x0] =	vst.idx.msk $0xffff, v21  }
0x161: {  	[tilespmem:v16+s16+$0x0] =	vst.idx.msk $0xffff, v23;
	v16 =	vshll.u32 v25, $0x7;
	v25 =	vor.u32 v12, v24  }
0x162: {  	v23 =	vor.u32 v13, v24;
	v18 =	vld.idx.msk [tilespmem:v20+s5+$0x0], $0xffff  }
0x163: {  	v19 =	vld.idx.msk [tilespmem:v26+s5+$0x0], $0xffff;
	v26 =	vor.u32 v14, v24  }
0x164: {  	v24 =	vor.u32 v15, v24;
	v20 =	vld.idx.msk [tilespmem:v27+s5+$0x0], $0xffff  }
0x165: {  	s23 =	simm.s32 $0x5;
	v17 =	vor.u32 v1, v16;
	v21 =	vld.idx.msk [tilespmem:v22+s5+$0x0], $0xffff;
	v22 =	vor.u32 v0, v16  }
.LBB2_9:
0x166: {  	p2 =	slt.u32 s23, $0x3D;
	v25 =	vld.idx.msk [tilespmem:v25+s5+$0x0], $0xffff;
	s24 =	smov.u32 s23;
	s23 =	sadd.s32 $0x4, s23  }
0x167: {  	v27 =	vor.u32 v2, v16;
	v23 =	vld.idx.msk [tilespmem:v23+s5+$0x0], $0xffff  }
0x168: {  	v28 =	vor.u32 v4, v16;
	v26 =	vld.idx.msk [tilespmem:v26+s5+$0x0], $0xffff  }
0x169: {  	v29 =	vor.u32 v5, v16;
	s25 =	sadd.s32 $0x3, s22;
	s22 =	smov.u32 s24;
	v24 =	vld.idx.msk [tilespmem:v24+s5+$0x0], $0xffff  }
0x16a: {  	[tilespmem:v22+s16+$0x0] =	vst.idx.msk $0xffff, v21;
	v21 =	vor.u32 v6, v16;
	v22 =	vadd.s32 s25, v0  }
0x16b: {  	[tilespmem:v17+s16+$0x0] =	vst.idx.msk $0xffff, v19;
	v17 =	vor.u32 v7, v16;
	v19 =	vand.u32 $0x3F, v22  }
0x16c: {  	v16 =	vor.u32 v8, v16;
	[tilespmem:v27+s16+$0x0] =	vst.idx.msk $0xffff, v18;
	v18 =	vshll.u32 v19, $0x1  }
0x16d: {  	[tilespmem:v28+s16+$0x0] =	vst.idx.msk $0xffff, v20;
	v20 =	vor.u32 v3, v18  }
0x16e: {  	v19 =	vshll.u32 v19, $0x7;
	v22 =	vor.u32 v9, v18;
	[tilespmem:v29+s16+$0x0] =	vst.idx.msk $0xffff, v25  }
0x16f: {  	v25 =	vor.u32 v0, v19;
	[tilespmem:v21+s16+$0x0] =	vst.idx.msk $0xffff, v23;
	v21 =	vor.u32 v10, v18  }
0x170: {  	v23 =	vor.u32 v1, v19;
	[tilespmem:v17+s16+$0x0] =	vst.idx.msk $0xffff, v26;
	v17 =	vor.u32 v15, v18  }
0x171: {  	v26 =	vor.u32 v2, v19;
	[tilespmem:v16+s16+$0x0] =	vst.idx.msk $0xffff, v24;
	v16 =	vor.u32 v12, v18  }
0x172: {  	v27 =	vor.u32 v11, v18;
	v24 =	vor.u32 v4, v19;
	v20 =	vld.idx.msk [tilespmem:v20+s5+$0x0], $0xffff  }
0x173: {  	v28 =	vor.u32 v5, v19;
	v29 =	vor.u32 v13, v18;
	v18 =	vor.u32 v14, v18;
	v22 =	vld.idx.msk [tilespmem:v22+s5+$0x0], $0xffff  }
0x174: {  	v30 =	vor.u32 v6, v19;
	v21 =	vld.idx.msk [tilespmem:v21+s5+$0x0], $0xffff  }
0x175: {  	v31 =	vor.u32 v7, v19;
	v17 =	vld.idx.msk [tilespmem:v17+s5+$0x0], $0xffff  }
0x176: {  	v19 =	vor.u32 v8, v19;
	v16 =	vld.idx.msk [tilespmem:v16+s5+$0x0], $0xffff  }
0x177: {  	v27 =	vld.idx.msk [tilespmem:v27+s5+$0x0], $0xffff  }
0x178: {  	v18 =	vld.idx.msk [tilespmem:v18+s5+$0x0], $0xffff  }
0x179: {  	v29 =	vld.idx.msk [tilespmem:v29+s5+$0x0], $0xffff  }
0x17a: {  	[tilespmem:v25+s16+$0x0] =	vst.idx.msk $0xffff, v20;
	v20 =	vadd.s32 s22, v0  }
0x17b: {  	[tilespmem:v23+s16+$0x0] =	vst.idx.msk $0xffff, v22;
	v20 =	vand.u32 $0x3F, v20  }
0x17c: {  	[tilespmem:v26+s16+$0x0] =	vst.idx.msk $0xffff, v21;
	v21 =	vshll.u32 v20, $0x1;
	v20 =	vshll.u32 v20, $0x7  }
0x17d: {  	[tilespmem:v24+s16+$0x0] =	vst.idx.msk $0xffff, v27;
	v22 =	vor.u32 v12, v21  }
0x17e: {  	[tilespmem:v28+s16+$0x0] =	vst.idx.msk $0xffff, v16;
	v16 =	vor.u32 v9, v21  }
0x17f: {  	v23 =	vor.u32 v3, v21;
	[tilespmem:v30+s16+$0x0] =	vst.idx.msk $0xffff, v29  }
0x180: {  	[tilespmem:v31+s16+$0x0] =	vst.idx.msk $0xffff, v18;
	v18 =	vor.u32 v10, v21  }
0x181: {  	[tilespmem:v19+s16+$0x0] =	vst.idx.msk $0xffff, v17;
	v17 =	vor.u32 v11, v21  }
0x182: {  	v19 =	vld.idx.msk [tilespmem:v22+s5+$0x0], $0xffff;
	v22 =	vor.u32 v14, v21  }
0x183: {  	v24 =	vor.u32 v13, v21;
	v16 =	vld.idx.msk [tilespmem:v16+s5+$0x0], $0xffff  }
0x184: {  	v21 =	vor.u32 v15, v21;
	v23 =	vld.idx.msk [tilespmem:v23+s5+$0x0], $0xffff  }
0x185: {  	v25 =	vor.u32 v0, v20;
	v18 =	vld.idx.msk [tilespmem:v18+s5+$0x0], $0xffff  }
0x186: {  	v26 =	vor.u32 v1, v20;
	v17 =	vld.idx.msk [tilespmem:v17+s5+$0x0], $0xffff  }
0x187: {  	v27 =	vor.u32 v2, v20;
	v22 =	vld.idx.msk [tilespmem:v22+s5+$0x0], $0xffff  }
0x188: {  	v28 =	vor.u32 v4, v20;
	v24 =	vld.idx.msk [tilespmem:v24+s5+$0x0], $0xffff  }
0x189: {  	s24 =	sadd.s32 $0x1, s22;
	v29 =	vor.u32 v5, v20;
	v21 =	vld.idx.msk [tilespmem:v21+s5+$0x0], $0xffff  }
0x18a: {  	[tilespmem:v25+s16+$0x0] =	vst.idx.msk $0xffff, v23;
	v23 =	vor.u32 v6, v20;
	v25 =	vadd.s32 s24, v0  }
0x18b: {  	[tilespmem:v26+s16+$0x0] =	vst.idx.msk $0xffff, v16;
	v16 =	vor.u32 v7, v20;
	v25 =	vand.u32 $0x3F, v25  }
0x18c: {  	[tilespmem:v27+s16+$0x0] =	vst.idx.msk $0xffff, v18;
	v18 =	vor.u32 v8, v20;
	v20 =	vshll.u32 v25, $0x1;
	v25 =	vshll.u32 v25, $0x7  }
0x18d: {  	[tilespmem:v28+s16+$0x0] =	vst.idx.msk $0xffff, v17;
	v17 =	vor.u32 v10, v20  }
0x18e: {  	[tilespmem:v29+s16+$0x0] =	vst.idx.msk $0xffff, v19;
	v19 =	vor.u32 v9, v20  }
0x18f: {  	[tilespmem:v23+s16+$0x0] =	vst.idx.msk $0xffff, v24;
	v23 =	vor.u32 v3, v20  }
0x190: {  	[tilespmem:v16+s16+$0x0] =	vst.idx.msk $0xffff, v22;
	v16 =	vor.u32 v11, v20  }
0x191: {  	[tilespmem:v18+s16+$0x0] =	vst.idx.msk $0xffff, v21;
	v18 =	vor.u32 v12, v20  }
0x192: {  	v21 =	vor.u32 v13, v20;
	v17 =	vld.idx.msk [tilespmem:v17+s5+$0x0], $0xffff  }
0x193: {  	v22 =	vor.u32 v14, v20;
	v19 =	vld.idx.msk [tilespmem:v19+s5+$0x0], $0xffff  }
0x194: {  	v20 =	vor.u32 v15, v20;
	v23 =	vld.idx.msk [tilespmem:v23+s5+$0x0], $0xffff  }
0x195: {  	v24 =	vld.idx.msk [tilespmem:v16+s5+$0x0], $0xffff;
	v16 =	vor.u32 v0, v25  }
0x196: {  	v26 =	vor.u32 v1, v25;
	v18 =	vld.idx.msk [tilespmem:v18+s5+$0x0], $0xffff  }
0x197: {  	v27 =	vor.u32 v2, v25;
	v21 =	vld.idx.msk [tilespmem:v21+s5+$0x0], $0xffff  }
0x198: {  	v28 =	vor.u32 v4, v25;
	v22 =	vld.idx.msk [tilespmem:v22+s5+$0x0], $0xffff  }
0x199: {  	s24 =	sadd.s32 $0x2, s22;
	v29 =	vor.u32 v5, v25;
	v20 =	vld.idx.msk [tilespmem:v20+s5+$0x0], $0xffff  }
0x19a: {  	[tilespmem:v16+s16+$0x0] =	vst.idx.msk $0xffff, v23;
	v23 =	vor.u32 v6, v25;
	v16 =	vadd.s32 s24, v0  }
0x19b: {  	[tilespmem:v26+s16+$0x0] =	vst.idx.msk $0xffff, v19;
	v19 =	vor.u32 v7, v25;
	v16 =	vand.u32 $0x3F, v16  }
0x19c: {  	v25 =	vor.u32 v8, v25;
	[tilespmem:v27+s16+$0x0] =	vst.idx.msk $0xffff, v17;
	v27 =	vshll.u32 v16, $0x1;
	v16 =	vshll.u32 v16, $0x7  }
0x19d: {  	[tilespmem:v28+s16+$0x0] =	vst.idx.msk $0xffff, v24;
	v24 =	vor.u32 v10, v27;
	v17 =	vor.u32 v1, v16  }
0x19e: {  	v26 =	vor.u32 v9, v27;
	[tilespmem:v29+s16+$0x0] =	vst.idx.msk $0xffff, v18  }
0x19f: {  	[tilespmem:v23+s16+$0x0] =	vst.idx.msk $0xffff, v21;
	v21 =	vor.u32 v3, v27  }
0x1a0: {  	[tilespmem:v19+s16+$0x0] =	vst.idx.msk $0xffff, v22;
	v22 =	vor.u32 v11, v27  }
.Ltmp6:
0x1a1: {  	[tilespmem:v25+s16+$0x0] =	vst.idx.msk $0xffff, v20;
	v25 =	vor.u32 v12, v27;
	(pc) =	sbr.rel @p2 .LBB2_9-.Ltmp6, $4  }
0x1a2: {  	v23 =	vor.u32 v13, v27;
	v18 =	vld.idx.msk [tilespmem:v24+s5+$0x0], $0xffff  }
0x1a3: {  	v19 =	vld.idx.msk [tilespmem:v26+s5+$0x0], $0xffff;
	v26 =	vor.u32 v14, v27  }
0x1a4: {  	v24 =	vor.u32 v15, v27;
	v21 =	vld.idx.msk [tilespmem:v21+s5+$0x0], $0xffff  }
0x1a5: {  	v20 =	vld.idx.msk [tilespmem:v22+s5+$0x0], $0xffff;
	v22 =	vor.u32 v0, v16  }
0x1a6: {  	_ =	sdelay $0x3  }
0x1a7: {  	v25 =	vld.idx.msk [tilespmem:v25+s5+$0x0], $0xffff;
	v27 =	vor.u32 v2, v16  }
0x1a8: {  	v23 =	vld.idx.msk [tilespmem:v23+s5+$0x0], $0xffff;
	v28 =	vor.u32 v4, v16  }
0x1a9: {  	v26 =	vld.idx.msk [tilespmem:v26+s5+$0x0], $0xffff;
	v29 =	vor.u32 v5, v16  }
0x1aa: {  	v24 =	vld.idx.msk [tilespmem:v24+s5+$0x0], $0xffff;
	v63 =	vor.u32 v6, v16;
	[tilespmem:v22+s16+$0x0] =	vst.idx.msk $0xffff, v21  }
0x1ab: {  	[tilespmem:v17+s16+$0x0] =	vst.idx.msk $0xffff, v19;
	v17 =	vor.u32 v7, v16  }
0x1ac: {  	v16 =	vor.u32 v8, v16;
	[tilespmem:v27+s16+$0x0] =	vst.idx.msk $0xffff, v18  }
0x1ad: {  	[tilespmem:v28+s16+$0x0] =	vst.idx.msk $0xffff, v20  }
0x1ae: {  	[tilespmem:v29+s16+$0x0] =	vst.idx.msk $0xffff, v25  }
0x1af: {  	[tilespmem:v63+s16+$0x0] =	vst.idx.msk $0xffff, v23  }
0x1b0: {  	[tilespmem:v17+s16+$0x0] =	vst.idx.msk $0xffff, v26  }
0x1b1: {  	[tilespmem:v16+s16+$0x0] =	vst.idx.msk $0xffff, v24  }
0x1b2: {  	_ =	sdelay $0x7ff  }
0x1b3: {  	s22 =	simm.s32 @p1 $0x0;
	s23 =	simm.s32 @p1 $0x4000;
	_ =	sdelay $0xaf  }
0x1b4: {  	[hbm4b:s9+s22] =	stream.linear.scatter @p1 [tilespmem:s23], [sflag:$0x3], $0x1000, $0x38;
	[tilespmem:$0x8000] =	vst v63  }
0x1b5: {  	s22 =	simm.s32 @p1 $0x4  }
0x1b6: {  	_ =	swait.ge @p1 [sflag:s22], $0x2000  }
0x1b7: {  	[sflag:s22] =	ssyncset.done @p1 $0x0  }
0x1b8: {  	[sflag:s22] =	ssyncadd.s32 @p1 $0xFFFFE000;
	s22 =	simm.s32 @p1 $0x3  }
0x1b9: {  	_ =	swait.ge @p1 [sflag:s22], $0x1000  }
0x1ba: {  	[sflag:s22] =	ssyncset.done @p1 $0x0  }
0x1bb: {  	s23 =	simm.s32 @!p1 $0x4000;
	[sflag:s22] =	ssyncadd.s32 @p1 $0xFFFFF000;
	s22 =	simm.s32 @!p1 $0x0  }
0x1bc: {  	[hbm4b:s10+s22] =	stream.linear.scatter @!p1 [tilespmem:s23], [sflag:$0x3], $0x2000, $0x38;
	[tilespmem:$0x8000] =	vst v63  }
0x1bd: {  	s22 =	simm.s32 @!p1 $0x4  }
0x1be: {  	_ =	swait.ge @!p1 [sflag:s22], $0x2000  }
.Ltmp7:
0x1bf: {  	[sflag:s22] =	ssyncset.done @!p1 $0x0;
	(pc) =	sbr.rel .LBB2_12-.Ltmp7, $4  }
0x1c0: {  	[sflag:s22] =	ssyncadd.s32 @!p1 $0xFFFFE000;
	s22 =	simm.s32 @!p1 $0x3  }
0x1c1: {  	_ =	swait.ge @!p1 [sflag:s22], $0x2000  }
0x1c2: {  	[sflag:s22] =	ssyncset.done @!p1 $0x0  }
0x1c3: {  	[sflag:s22] =	ssyncadd.s32 @!p1 $0xFFFFE000  }
.LBB2_13:
0x1c4: {  	_ =	sfence.sel $0x180000  }
0x1c5: {  	[bflag:$0x0] =	sbarrier.arrive $0xFFFF  }
0x1c6: {  	p0 =	sne.s32 s3, $0x0;
	_ =	strace $0x90000047  }
0x1c7: {  	s0 =	sadd.s32 @!p0 $0x100000, s0;
	[bflag:$0x2] =	sbarrier.arrive $0xFFFF  }
0x1c8: {  	[sflag:s0] =	ssyncadd.tile.s32 @!p0 $0x1;
	_ =	shalt  }
.Lfunc_end2:
_tile_overlayer_lowered:
.L_overlay_start_2:
0x1c9: {  	(tag) =	ssettag $0x2  }
0x1ca: {  	s0 =	rddreg [dreg:$0x0];
	s2 =	stileid.u32  }
0x1cb: {  	s1 =	rddreg [dreg:$0x1];
	p0 =	sne.s32 s2, $0x0  }
0x1cc: {  	s3 =	rddreg [dreg:$0x2];
	[bflag:$0x3] =	sbarrier.arrive $0xFFFF;
	s2 =	simm.s32 @!p0 $0x1C05  }
0x1cd: {  	[timem:s3], [sflag:s2] =	dma.local @!p0 [hbm:s0], s1  }
0x1ce: {  	s0 =	simm.s32 @!p0 $0x5  }
0x1cf: {  	_ =	swait.ge @!p0 [sflag:s0], s1  }
0x1d0: {  	s1 =	ssub.s32 @!p0 $0x0, s1;
	[sflag:s0] =	ssyncset.done @!p0 $0x0  }
0x1d1: {  	[sflag:s0] =	ssyncadd.s32 @!p0 s1  }
0x1d2: {  	[bflag:$0x3] =	sbarrier.arrive $0xFFFF  }
0x1d3: {  	_ =	shalt  }

</sc_bundles>
